<compile_context>
chip_gen: v7x
topology: tpu7x:2x2x1
jax: 0.10.2.dev20260603
libtpu: 0.0.44.dev20260713+nightly
codegen_flags: <defaults>
</compile_context>

<pallas_src>
import functools

import jax
import jax.numpy as jnp
from jax import lax
from jax.experimental import pallas as pl
from jax.experimental.pallas import tpu as pltpu
from jax.experimental.pallas import tpu_sc as plsc

_B, _S, _H, _E = 4, 2048, 768, 8
_N = _B * _S
_TBA = 1024
_TBB = 512
_HID = _H // 2
_EPAD = 128
_NW = 32
_CHUNK = _N // _NW
_SUB = 64
_NSUB = _CHUNK // _SUB


def _route_body(x_ref, w1_ref, b1_ref, w2_ref, b2_ref,
                code_ref, off_ref, base_ref):
    i = pl.program_id(0)

    @pl.when(i == 0)
    def _():
        base_ref[...] = jnp.zeros_like(base_ref)

    X = x_ref[...]
    h = jnp.dot(X, w1_ref[...], preferred_element_type=jnp.float32) + b1_ref[...]
    h = jnp.maximum(h, 0.0)
    logits = jnp.dot(h, w2_ref[...], preferred_element_type=jnp.float32) + b2_ref[...]
    m = jnp.max(logits, axis=1, keepdims=True)
    p = jnp.exp(logits - m)
    probs = p / jnp.sum(p, axis=1, keepdims=True)
    idx = jnp.argmax(probs, axis=1)[:, None]
    lanes = lax.broadcasted_iota(jnp.int32, (_TBA, _EPAD), 1)
    onehot = (lanes == idx).astype(jnp.float32)
    tril = (lax.broadcasted_iota(jnp.int32, (_TBA, _TBA), 0)
            > lax.broadcasted_iota(jnp.int32, (_TBA, _TBA), 1)).astype(jnp.float32)
    within = jnp.dot(tril, onehot, preferred_element_type=jnp.float32)
    base = base_ref[...]
    rank = jnp.sum(onehot * (within + base), axis=1, keepdims=True)
    code_ref[0] = rank + idx.astype(jnp.float32) * 8192.0
    base_new = base + jnp.sum(onehot, axis=0, keepdims=True)
    base_ref[...] = base_new
    lane = lax.broadcasted_iota(jnp.int32, (1, _EPAD), 1)
    inc = base_new
    for sh in (1, 2, 4, 8):
        rolled = jnp.concatenate([inc[:, -sh:], inc[:, :-sh]], axis=1)
        inc = inc + jnp.where(lane >= sh, rolled, 0.0)
    off_ref[...] = jnp.broadcast_to(inc - base_new, (8, _EPAD))


def _permute_fwd(code_hbm, off_hbm, x_hbm, pos_hbm, xs_hbm,
                 code_v, off_v, pos_v, rows0, rows1, rsem, wsem0, wsem1):
    wid = lax.axis_index("s") * 2 + lax.axis_index("c")
    base = wid * _CHUNK
    pltpu.sync_copy(code_hbm.at[pl.ds(base, _CHUNK)], code_v)
    pltpu.sync_copy(off_hbm.at[pl.ds(0, 16)], off_v)
    offi = off_v[...].astype(jnp.int32)
    for i in range(_CHUNK // 16):
        ci = code_v[pl.ds(i * 16, 16)].astype(jnp.int32)
        ev = lax.shift_right_logical(ci, 13)
        rv = jnp.bitwise_and(ci, 8191)
        og = lax.gather(
            offi, ev[:, None],
            lax.GatherDimensionNumbers(offset_dims=(), collapsed_slice_dims=(0,),
                                       start_index_map=(0,)),
            slice_sizes=(1,), mode=lax.GatherScatterMode.PROMISE_IN_BOUNDS)
        pos_v[i // 4, pl.ds((i % 4) * 16, 16)] = og + rv
    pltpu.sync_copy(pos_v, pos_hbm.at[wid])
    bufs = (rows0, rows1)
    wsems = (wsem0, wsem1)
    rcp = [None] * _NSUB
    wcp = [None] * _NSUB
    rcp[0] = pltpu.async_copy(x_hbm.at[pl.ds(base, _SUB)], bufs[0], rsem)
    for j in range(_NSUB):
        b = bufs[j % 2]
        rcp[j].wait()
        if j + 1 < _NSUB:
            if j >= 1:
                wcp[j - 1].wait()
            rcp[j + 1] = pltpu.async_copy(
                x_hbm.at[pl.ds(base + (j + 1) * _SUB, _SUB)], bufs[(j + 1) % 2], rsem)
        wcp[j] = pltpu.async_copy(b, xs_hbm.at[pos_v.at[j]], wsems[j % 2])
    wcp[_NSUB - 2].wait()
    wcp[_NSUB - 1].wait()


def _expert_body(xs_ref, off_ref, ew_ref, eb_ref, y_ref):
    i = pl.program_id(0)
    X = xs_ref[...]
    p0 = i * _TBB
    prow = p0 + lax.broadcasted_iota(jnp.int32, (_TBB, 1), 0)
    y_ref[...] = jnp.zeros_like(y_ref)
    for e in range(_E):
        lo = off_ref[e]
        hi = off_ref[e + 1]
        present = jnp.logical_and(lo < p0 + _TBB, hi > p0)

        @pl.when(present)
        def _(e=e, lo=lo, hi=hi):
            mask = jnp.logical_and(prow >= lo, prow < hi).astype(jnp.float32)
            y_e = jnp.dot(X, ew_ref[e], preferred_element_type=jnp.float32)
            y_ref[...] += mask * (y_e + eb_ref[e][None, :])


def _permute_bwd(ys_hbm, pos_hbm, out_hbm, pos_v, rows0, rows1,
                 gsem0, gsem1, lsem0, lsem1):
    wid = lax.axis_index("s") * 2 + lax.axis_index("c")
    base = wid * _CHUNK
    pltpu.sync_copy(pos_hbm.at[wid], pos_v)
    bufs = (rows0, rows1)
    gsems = (gsem0, gsem1)
    lsems = (lsem0, lsem1)
    gcp = [None] * _NSUB
    lcp = [None] * _NSUB
    gcp[0] = pltpu.async_copy(ys_hbm.at[pos_v.at[0]], bufs[0], gsem0)
    for j in range(_NSUB):
        b = bufs[j % 2]
        gcp[j].wait()
        if j + 1 < _NSUB:
            if j >= 1:
                lcp[j - 1].wait()
            gcp[j + 1] = pltpu.async_copy(
                ys_hbm.at[pos_v.at[j + 1]], bufs[(j + 1) % 2], gsems[(j + 1) % 2])
        lcp[j] = pltpu.async_copy(b, out_hbm.at[pl.ds(base + j * _SUB, _SUB)],
                                  lsems[j % 2])
    lcp[_NSUB - 2].wait()
    lcp[_NSUB - 1].wait()


def kernel(hidden_states, W1, b1, W2, b2, expert_W, expert_b):
    x2d = hidden_states.reshape(_N, _H)
    W2p = jnp.zeros((_HID, _EPAD), jnp.float32).at[:, :_E].set(W2)
    b2p = jnp.full((1, _EPAD), -1e30, jnp.float32).at[0, :_E].set(b2)
    b1r = b1.reshape(1, _HID)

    code_out, offs_out = pl.pallas_call(
        _route_body,
        grid=(_N // _TBA,),
        in_specs=[
            pl.BlockSpec((_TBA, _H), lambda i: (i, 0)),
            pl.BlockSpec((_H, _HID), lambda i: (0, 0)),
            pl.BlockSpec((1, _HID), lambda i: (0, 0)),
            pl.BlockSpec((_HID, _EPAD), lambda i: (0, 0)),
            pl.BlockSpec((1, _EPAD), lambda i: (0, 0)),
        ],
        out_specs=[
            pl.BlockSpec((1, _TBA, 1), lambda i: (i, 0, 0)),
            pl.BlockSpec((8, _EPAD), lambda i: (0, 0)),
        ],
        out_shape=[
            jax.ShapeDtypeStruct((_N // _TBA, _TBA, 1), jnp.float32),
            jax.ShapeDtypeStruct((8, _EPAD), jnp.float32),
        ],
        scratch_shapes=[pltpu.VMEM((1, _EPAD), jnp.float32)],
    )(x2d, W1, b1r, W2p, b2p)

    code_flat = code_out.reshape(_N)
    off_flat = offs_out[0]

    mesh = plsc.VectorSubcoreMesh(core_axis_name="c", subcore_axis_name="s")
    pos, xs = pl.kernel(
        _permute_fwd,
        out_type=(
            jax.ShapeDtypeStruct((_NW, _NSUB, _SUB), jnp.int32),
            jax.ShapeDtypeStruct((_N, _H), jnp.float32),
        ),
        mesh=mesh,
        scratch_types=[
            pltpu.VMEM((_CHUNK,), jnp.float32),
            pltpu.VMEM((16,), jnp.float32),
            pltpu.VMEM((_NSUB, _SUB), jnp.int32),
            pltpu.VMEM((_SUB, _H), jnp.float32),
            pltpu.VMEM((_SUB, _H), jnp.float32),
            pltpu.SemaphoreType.DMA,
            pltpu.SemaphoreType.DMA,
            pltpu.SemaphoreType.DMA,
        ],
    )(code_flat, off_flat, x2d)

    off16 = off_flat[:16].astype(jnp.int32)
    ys = pl.pallas_call(
        _expert_body,
        grid=(_N // _TBB,),
        in_specs=[
            pl.BlockSpec((_TBB, _H), lambda i: (i, 0)),
            pl.BlockSpec(memory_space=pltpu.SMEM),
            pl.BlockSpec((_E, _H, _H), lambda i: (0, 0, 0)),
            pl.BlockSpec((_E, _H), lambda i: (0, 0)),
        ],
        out_specs=pl.BlockSpec((_TBB, _H), lambda i: (i, 0)),
        out_shape=jax.ShapeDtypeStruct((_N, _H), jnp.float32),
    )(xs, off16, expert_W, expert_b)

    out2d = pl.kernel(
        _permute_bwd,
        out_type=jax.ShapeDtypeStruct((_N, _H), jnp.float32),
        mesh=mesh,
        scratch_types=[
            pltpu.VMEM((_NSUB, _SUB), jnp.int32),
            pltpu.VMEM((_SUB, _H), jnp.float32),
            pltpu.VMEM((_SUB, _H), jnp.float32),
            pltpu.SemaphoreType.DMA,
            pltpu.SemaphoreType.DMA,
            pltpu.SemaphoreType.DMA,
            pltpu.SemaphoreType.DMA,
        ],
    )(ys, pos)

    return out2d.reshape(_B, _S, _H)

# --- scband reference (transcript-rebuilt; emitter-appended) ---
"""Pipeline reference for scband-attention-based-router-8555574854212 (READ-ONLY COPY).

The authoritative reference and input builder live on the scoring server;
editing this copy changes nothing except your own understanding.
"""

import jax, jax.numpy as jnp
import numpy as np

B, S, H = 4, 2048, 768
E = 8
TEMP = 1.0

def setup_inputs(seed: int = 0) -> dict:
    key = jax.random.key(seed)
    ks = jax.random.split(key, 8)
    hidden_states = jax.random.normal(ks[0], (B, S, H), dtype=jnp.float32)
    # routing_network: Linear(H, H//2) -> ReLU -> (Dropout, eval=identity) -> Linear(H//2, E)
    W1 = jax.random.normal(ks[1], (H, H // 2), dtype=jnp.float32) * 0.02
    b1 = jnp.zeros((H // 2,), dtype=jnp.float32)
    W2 = jax.random.normal(ks[2], (H // 2, E), dtype=jnp.float32) * 0.02
    b2 = jnp.zeros((E,), dtype=jnp.float32)
    # per-expert transform + bias (fixed random weights standing in for torch.randn in _process_expert_input)
    expert_W = jax.random.normal(ks[3], (E, H, H), dtype=jnp.float32)
    expert_b = jax.random.normal(ks[4], (E, H), dtype=jnp.float32)
    return {"hidden_states": hidden_states, "W1": W1, "b1": b1, "W2": W2, "b2": b2, "expert_W": expert_W, "expert_b": expert_b}

def reference(hidden_states, W1, b1, W2, b2, expert_W, expert_b):
    # routing network
    h = jax.nn.relu(jnp.dot(hidden_states, W1) + b1)
    combined_attention = jnp.dot(h, W2) + b2            # [B, S, E]
    routing_scores = combined_attention / TEMP
    expert_probs = jax.nn.softmax(routing_scores, axis=-1)
    top_scores, top_idx = jax.lax.top_k(expert_probs, 1)  # [B, S, 1]
    # one-hot expert weights
    expert_weights = jax.nn.one_hot(top_idx[..., 0], E, dtype=jnp.float32)  # [B, S, E]
    ew_per_expert = jnp.moveaxis(expert_weights, -1, 0)  # [E, B, S]

    def body(routed, xs):
        ew_e, We, be = xs
        mask = ew_e[:, :, None]                          # [B, S, 1]
        expert_input = hidden_states * mask
        expert_output = jnp.matmul(expert_input, We) + be
        return routed + expert_output * mask, None

    routed, _ = jax.lax.scan(body, jnp.zeros_like(hidden_states), (ew_per_expert, expert_W, expert_b))
    return routed

if __name__ == "__main__":
    import jax
    _d = setup_inputs()
    print(jax.jit(kernel)(*tuple(_d.values())))

</pallas_src>

<mosaic_0001>
#map = affine_map<(d0, d1) -> (0)>
#map1 = affine_map<(d0, d1) -> (0, 0)>
#map2 = affine_map<(d0, d1) -> (0, 0, 0)>
module attributes {stable_mosaic.version = 14 : i64} {
  func.func @_permute_fwd(%arg0: i32, %arg1: i32, %arg2: memref<8192xf32, #tpu.memory_space<hbm>>, %arg3: memref<128xf32, #tpu.memory_space<hbm>>, %arg4: memref<8192x768xf32, #tpu.memory_space<hbm>>, %arg5: memref<32x4x64xi32, #tpu.memory_space<hbm>>, %arg6: memref<8192x768xf32, #tpu.memory_space<hbm>>, %arg7: memref<256xf32, #tpu.memory_space<vmem>>, %arg8: memref<16xf32, #tpu.memory_space<vmem>>, %arg9: memref<4x64xi32, #tpu.memory_space<vmem>>, %arg10: memref<64x768xf32, #tpu.memory_space<vmem>>, %arg11: memref<64x768xf32, #tpu.memory_space<vmem>>, %arg12: memref<!tpu.dma_semaphore, #tpu.memory_space<semaphore_mem>>, %arg13: memref<!tpu.dma_semaphore, #tpu.memory_space<semaphore_mem>>, %arg14: memref<!tpu.dma_semaphore, #tpu.memory_space<semaphore_mem>>) attributes {dimension_semantics = [#tpu.dimension_semantics<core_parallel>, #tpu.dimension_semantics<subcore_parallel>], iteration_bounds = array<i64: 2, 16>, scalar_prefetch = 0 : i64, scratch_operands = 8 : i64, tpu.core_type = #tpu.core_type<sc_vector_subcore>, window_params = [{transform_indices = #map}, {transform_indices = #map}, {transform_indices = #map1}, {transform_indices = #map2}, {transform_indices = #map1}]} {
    %mul3A = arith.constant 2 : i32
    %mul3A_0 = arith.muli %arg1, %mul3A : i32
    %add3A = arith.addi %mul3A_0, %arg0 : i32
    %mul3A_1 = arith.constant 256 : i32
    %mul3A_2 = arith.muli %add3A, %mul3A_1 : i32
    "tpu.region"() ({
      %run_scoped3A = tpu.sem_alloc : memref<!tpu.dma_semaphore, #tpu.memory_space<semaphore_mem>>
      %dma_start3A_412 = tpu.memref_slice %arg2[%mul3A_2] : memref<8192xf32, #tpu.memory_space<hbm>> -> memref<256xf32, #tpu.memory_space<hbm>>
      %dma_start3A_413 = tpu.memref_slice %arg2[%mul3A_2] : memref<8192xf32, #tpu.memory_space<hbm>> -> memref<256xf32, #tpu.memory_space<hbm>>
      tpu.enqueue_dma source(%dma_start3A_413 : memref<256xf32, #tpu.memory_space<hbm>>) target(%arg7 : memref<256xf32, #tpu.memory_space<vmem>>) target_semaphore(%run_scoped3A : memref<!tpu.dma_semaphore, #tpu.memory_space<semaphore_mem>>)
      %dma_wait3A_414 = tpu.memref_slice %arg2[%mul3A_2] : memref<8192xf32, #tpu.memory_space<hbm>> -> memref<256xf32, #tpu.memory_space<hbm>>
      %dma_wait3A_415 = tpu.memref_slice %arg2[%mul3A_2] : memref<8192xf32, #tpu.memory_space<hbm>> -> memref<256xf32, #tpu.memory_space<hbm>>
      tpu.wait_dma2 semaphore(%run_scoped3A : memref<!tpu.dma_semaphore, #tpu.memory_space<semaphore_mem>>) src(%dma_wait3A_415 : memref<256xf32, #tpu.memory_space<hbm>>) dst(%arg7 : memref<256xf32, #tpu.memory_space<vmem>>)
      tpu.yield
    }) : () -> ()
    "tpu.region"() ({
      %run_scoped3A = tpu.sem_alloc : memref<!tpu.dma_semaphore, #tpu.memory_space<semaphore_mem>>
      %dma_start3A_412 = arith.constant 0 : i32
      %dma_start3A_413 = tpu.memref_slice %arg3[%dma_start3A_412] : memref<128xf32, #tpu.memory_space<hbm>> -> memref<16xf32, #tpu.memory_space<hbm>>
      %dma_start3A_414 = arith.constant 0 : i32
      %dma_start3A_415 = tpu.memref_slice %arg3[%dma_start3A_414] : memref<128xf32, #tpu.memory_space<hbm>> -> memref<16xf32, #tpu.memory_space<hbm>>
      tpu.enqueue_dma source(%dma_start3A_415 : memref<16xf32, #tpu.memory_space<hbm>>) target(%arg8 : memref<16xf32, #tpu.memory_space<vmem>>) target_semaphore(%run_scoped3A : memref<!tpu.dma_semaphore, #tpu.memory_space<semaphore_mem>>)
      %dma_wait3A_416 = arith.constant 0 : i32
      %dma_wait3A_417 = tpu.memref_slice %arg3[%dma_wait3A_416] : memref<128xf32, #tpu.memory_space<hbm>> -> memref<16xf32, #tpu.memory_space<hbm>>
      %dma_wait3A_418 = arith.constant 0 : i32
      %dma_wait3A_419 = tpu.memref_slice %arg3[%dma_wait3A_418] : memref<128xf32, #tpu.memory_space<hbm>> -> memref<16xf32, #tpu.memory_space<hbm>>
      tpu.wait_dma2 semaphore(%run_scoped3A : memref<!tpu.dma_semaphore, #tpu.memory_space<semaphore_mem>>) src(%dma_wait3A_419 : memref<16xf32, #tpu.memory_space<hbm>>) dst(%arg8 : memref<16xf32, #tpu.memory_space<vmem>>)
      tpu.yield
    }) : () -> ()
    %get3A = arith.constant 0 : index
    %get3A_3 = tpu.vector_load %arg8[%get3A] {strides = array<i32>} : memref<16xf32, #tpu.memory_space<vmem>>, vector<16xf32>,
    %get3A_4 = vector.shape_cast %get3A_3 : vector<16xf32> to vector<16xf32>
    %convert_element_type3A = arith.fptosi %get3A_4 : vector<16xf32> to vector<16xi32>
    %get3A_5 = arith.constant 0 : index
    %get3A_6 = tpu.vector_load %arg7[%get3A_5] {strides = array<i32>} : memref<256xf32, #tpu.memory_space<vmem>>, vector<16xf32>,
    %get3A_7 = vector.shape_cast %get3A_6 : vector<16xf32> to vector<16xf32>
    %convert_element_type3A_8 = arith.fptosi %get3A_7 : vector<16xf32> to vector<16xi32>
    %shift_right_logical3A = arith.constant 13 : i32
    %shift_right_logical3A_9 = vector.broadcast %shift_right_logical3A : i32 to vector<16xi32>
    %shift_right_logical3A_10 = arith.shrui %convert_element_type3A_8, %shift_right_logical3A_9 : vector<16xi32>
    %and3A = arith.constant 8191 : i32
    %and3A_11 = vector.broadcast %and3A : i32 to vector<16xi32>
    %and3A_12 = arith.andi %convert_element_type3A_8, %and3A_11 : vector<16xi32>
    %broadcast_in_dim3A = vector.shape_cast %shift_right_logical3A_10 : vector<16xi32> to vector<16x1xi32>
    %gather3A = vector.shape_cast %broadcast_in_dim3A : vector<16x1xi32> to vector<16xi32>
    %gather3A_13 = tpu.dynamic_gather %convert_element_type3A[%gather3A] in [0] : vector<16xi32>, vector<16xi32> -> vector<16xi32>
    %add3A_14 = arith.addi %gather3A_13, %and3A_12 : vector<16xi32>
    %swap3A = arith.constant 0 : i32
    %swap3A_15 = arith.index_cast %swap3A : i32 to index
    %swap3A_16 = arith.constant 0 : index
    %swap3A_17 = tpu.vector_load %arg9[%swap3A_15, %swap3A_16] {strides = array<i32>} : memref<4x64xi32, #tpu.memory_space<vmem>>, vector<1x16xi32>,
    %swap3A_18 = vector.shape_cast %swap3A_17 : vector<1x16xi32> to vector<16xi32>
    %swap3A_19 = vector.shape_cast %add3A_14 : vector<16xi32> to vector<1x16xi32>
    tpu.vector_store %arg9[%swap3A_15, %swap3A_16], %swap3A_19 {strides = array<i32>} : memref<4x64xi32, #tpu.memory_space<vmem>>, vector<1x16xi32>,
    %get3A_20 = arith.constant 16 : index
    %get3A_21 = tpu.vector_load %arg7[%get3A_20] {strides = array<i32>} : memref<256xf32, #tpu.memory_space<vmem>>, vector<16xf32>,
    %get3A_22 = vector.shape_cast %get3A_21 : vector<16xf32> to vector<16xf32>
    %convert_element_type3A_23 = arith.fptosi %get3A_22 : vector<16xf32> to vector<16xi32>
    %shift_right_logical3A_24 = arith.constant 13 : i32
    %shift_right_logical3A_25 = vector.broadcast %shift_right_logical3A_24 : i32 to vector<16xi32>
    %shift_right_logical3A_26 = arith.shrui %convert_element_type3A_23, %shift_right_logical3A_25 : vector<16xi32>
    %and3A_27 = arith.constant 8191 : i32
    %and3A_28 = vector.broadcast %and3A_27 : i32 to vector<16xi32>
    %and3A_29 = arith.andi %convert_element_type3A_23, %and3A_28 : vector<16xi32>
    %broadcast_in_dim3A_30 = vector.shape_cast %shift_right_logical3A_26 : vector<16xi32> to vector<16x1xi32>
    %gather3A_31 = vector.shape_cast %broadcast_in_dim3A_30 : vector<16x1xi32> to vector<16xi32>
    %gather3A_32 = tpu.dynamic_gather %convert_element_type3A[%gather3A_31] in [0] : vector<16xi32>, vector<16xi32> -> vector<16xi32>
    %add3A_33 = arith.addi %gather3A_32, %and3A_29 : vector<16xi32>
    %swap3A_34 = arith.constant 0 : i32
    %swap3A_35 = arith.index_cast %swap3A_34 : i32 to index
    %swap3A_36 = arith.constant 16 : index
    %swap3A_37 = tpu.vector_load %arg9[%swap3A_35, %swap3A_36] {strides = array<i32>} : memref<4x64xi32, #tpu.memory_space<vmem>>, vector<1x16xi32>,
    %swap3A_38 = vector.shape_cast %swap3A_37 : vector<1x16xi32> to vector<16xi32>
    %swap3A_39 = vector.shape_cast %add3A_33 : vector<16xi32> to vector<1x16xi32>
    tpu.vector_store %arg9[%swap3A_35, %swap3A_36], %swap3A_39 {strides = array<i32>} : memref<4x64xi32, #tpu.memory_space<vmem>>, vector<1x16xi32>,
    %get3A_40 = arith.constant 32 : index
    %get3A_41 = tpu.vector_load %arg7[%get3A_40] {strides = array<i32>} : memref<256xf32, #tpu.memory_space<vmem>>, vector<16xf32>,
    %get3A_42 = vector.shape_cast %get3A_41 : vector<16xf32> to vector<16xf32>
    %convert_element_type3A_43 = arith.fptosi %get3A_42 : vector<16xf32> to vector<16xi32>
    %shift_right_logical3A_44 = arith.constant 13 : i32
    %shift_right_logical3A_45 = vector.broadcast %shift_right_logical3A_44 : i32 to vector<16xi32>
    %shift_right_logical3A_46 = arith.shrui %convert_element_type3A_43, %shift_right_logical3A_45 : vector<16xi32>
    %and3A_47 = arith.constant 8191 : i32
    %and3A_48 = vector.broadcast %and3A_47 : i32 to vector<16xi32>
    %and3A_49 = arith.andi %convert_element_type3A_43, %and3A_48 : vector<16xi32>
    %broadcast_in_dim3A_50 = vector.shape_cast %shift_right_logical3A_46 : vector<16xi32> to vector<16x1xi32>
    %gather3A_51 = vector.shape_cast %broadcast_in_dim3A_50 : vector<16x1xi32> to vector<16xi32>
    %gather3A_52 = tpu.dynamic_gather %convert_element_type3A[%gather3A_51] in [0] : vector<16xi32>, vector<16xi32> -> vector<16xi32>
    %add3A_53 = arith.addi %gather3A_52, %and3A_49 : vector<16xi32>
    %swap3A_54 = arith.constant 0 : i32
    %swap3A_55 = arith.index_cast %swap3A_54 : i32 to index
    %swap3A_56 = arith.constant 32 : index
    %swap3A_57 = tpu.vector_load %arg9[%swap3A_55, %swap3A_56] {strides = array<i32>} : memref<4x64xi32, #tpu.memory_space<vmem>>, vector<1x16xi32>,
    %swap3A_58 = vector.shape_cast %swap3A_57 : vector<1x16xi32> to vector<16xi32>
    %swap3A_59 = vector.shape_cast %add3A_53 : vector<16xi32> to vector<1x16xi32>
    tpu.vector_store %arg9[%swap3A_55, %swap3A_56], %swap3A_59 {strides = array<i32>} : memref<4x64xi32, #tpu.memory_space<vmem>>, vector<1x16xi32>,
    %get3A_60 = arith.constant 48 : index
    %get3A_61 = tpu.vector_load %arg7[%get3A_60] {strides = array<i32>} : memref<256xf32, #tpu.memory_space<vmem>>, vector<16xf32>,
    %get3A_62 = vector.shape_cast %get3A_61 : vector<16xf32> to vector<16xf32>
    %convert_element_type3A_63 = arith.fptosi %get3A_62 : vector<16xf32> to vector<16xi32>
    %shift_right_logical3A_64 = arith.constant 13 : i32
    %shift_right_logical3A_65 = vector.broadcast %shift_right_logical3A_64 : i32 to vector<16xi32>
    %shift_right_logical3A_66 = arith.shrui %convert_element_type3A_63, %shift_right_logical3A_65 : vector<16xi32>
    %and3A_67 = arith.constant 8191 : i32
    %and3A_68 = vector.broadcast %and3A_67 : i32 to vector<16xi32>
    %and3A_69 = arith.andi %convert_element_type3A_63, %and3A_68 : vector<16xi32>
    %broadcast_in_dim3A_70 = vector.shape_cast %shift_right_logical3A_66 : vector<16xi32> to vector<16x1xi32>
    %gather3A_71 = vector.shape_cast %broadcast_in_dim3A_70 : vector<16x1xi32> to vector<16xi32>
    %gather3A_72 = tpu.dynamic_gather %convert_element_type3A[%gather3A_71] in [0] : vector<16xi32>, vector<16xi32> -> vector<16xi32>
    %add3A_73 = arith.addi %gather3A_72, %and3A_69 : vector<16xi32>
    %swap3A_74 = arith.constant 0 : i32
    %swap3A_75 = arith.index_cast %swap3A_74 : i32 to index
    %swap3A_76 = arith.constant 48 : index
    %swap3A_77 = tpu.vector_load %arg9[%swap3A_75, %swap3A_76] {strides = array<i32>} : memref<4x64xi32, #tpu.memory_space<vmem>>, vector<1x16xi32>,
    %swap3A_78 = vector.shape_cast %swap3A_77 : vector<1x16xi32> to vector<16xi32>
    %swap3A_79 = vector.shape_cast %add3A_73 : vector<16xi32> to vector<1x16xi32>
    tpu.vector_store %arg9[%swap3A_75, %swap3A_76], %swap3A_79 {strides = array<i32>} : memref<4x64xi32, #tpu.memory_space<vmem>>, vector<1x16xi32>,
    %get3A_80 = arith.constant 64 : index
    %get3A_81 = tpu.vector_load %arg7[%get3A_80] {strides = array<i32>} : memref<256xf32, #tpu.memory_space<vmem>>, vector<16xf32>,
    %get3A_82 = vector.shape_cast %get3A_81 : vector<16xf32> to vector<16xf32>
    %convert_element_type3A_83 = arith.fptosi %get3A_82 : vector<16xf32> to vector<16xi32>
    %shift_right_logical3A_84 = arith.constant 13 : i32
    %shift_right_logical3A_85 = vector.broadcast %shift_right_logical3A_84 : i32 to vector<16xi32>
    %shift_right_logical3A_86 = arith.shrui %convert_element_type3A_83, %shift_right_logical3A_85 : vector<16xi32>
    %and3A_87 = arith.constant 8191 : i32
    %and3A_88 = vector.broadcast %and3A_87 : i32 to vector<16xi32>
    %and3A_89 = arith.andi %convert_element_type3A_83, %and3A_88 : vector<16xi32>
    %broadcast_in_dim3A_90 = vector.shape_cast %shift_right_logical3A_86 : vector<16xi32> to vector<16x1xi32>
    %gather3A_91 = vector.shape_cast %broadcast_in_dim3A_90 : vector<16x1xi32> to vector<16xi32>
    %gather3A_92 = tpu.dynamic_gather %convert_element_type3A[%gather3A_91] in [0] : vector<16xi32>, vector<16xi32> -> vector<16xi32>
    %add3A_93 = arith.addi %gather3A_92, %and3A_89 : vector<16xi32>
    %swap3A_94 = arith.constant 1 : i32
    %swap3A_95 = arith.index_cast %swap3A_94 : i32 to index
    %swap3A_96 = arith.constant 0 : index
    %swap3A_97 = tpu.vector_load %arg9[%swap3A_95, %swap3A_96] {strides = array<i32>} : memref<4x64xi32, #tpu.memory_space<vmem>>, vector<1x16xi32>,
    %swap3A_98 = vector.shape_cast %swap3A_97 : vector<1x16xi32> to vector<16xi32>
    %swap3A_99 = vector.shape_cast %add3A_93 : vector<16xi32> to vector<1x16xi32>
    tpu.vector_store %arg9[%swap3A_95, %swap3A_96], %swap3A_99 {strides = array<i32>} : memref<4x64xi32, #tpu.memory_space<vmem>>, vector<1x16xi32>,
    %get3A_100 = arith.constant 80 : index
    %get3A_101 = tpu.vector_load %arg7[%get3A_100] {strides = array<i32>} : memref<256xf32, #tpu.memory_space<vmem>>, vector<16xf32>,
    %get3A_102 = vector.shape_cast %get3A_101 : vector<16xf32> to vector<16xf32>
    %convert_element_type3A_103 = arith.fptosi %get3A_102 : vector<16xf32> to vector<16xi32>
    %shift_right_logical3A_104 = arith.constant 13 : i32
    %shift_right_logical3A_105 = vector.broadcast %shift_right_logical3A_104 : i32 to vector<16xi32>
    %shift_right_logical3A_106 = arith.shrui %convert_element_type3A_103, %shift_right_logical3A_105 : vector<16xi32>
    %and3A_107 = arith.constant 8191 : i32
    %and3A_108 = vector.broadcast %and3A_107 : i32 to vector<16xi32>
    %and3A_109 = arith.andi %convert_element_type3A_103, %and3A_108 : vector<16xi32>
    %broadcast_in_dim3A_110 = vector.shape_cast %shift_right_logical3A_106 : vector<16xi32> to vector<16x1xi32>
    %gather3A_111 = vector.shape_cast %broadcast_in_dim3A_110 : vector<16x1xi32> to vector<16xi32>
    %gather3A_112 = tpu.dynamic_gather %convert_element_type3A[%gather3A_111] in [0] : vector<16xi32>, vector<16xi32> -> vector<16xi32>
    %add3A_113 = arith.addi %gather3A_112, %and3A_109 : vector<16xi32>
    %swap3A_114 = arith.constant 1 : i32
    %swap3A_115 = arith.index_cast %swap3A_114 : i32 to index
    %swap3A_116 = arith.constant 16 : index
    %swap3A_117 = tpu.vector_load %arg9[%swap3A_115, %swap3A_116] {strides = array<i32>} : memref<4x64xi32, #tpu.memory_space<vmem>>, vector<1x16xi32>,
    %swap3A_118 = vector.shape_cast %swap3A_117 : vector<1x16xi32> to vector<16xi32>
    %swap3A_119 = vector.shape_cast %add3A_113 : vector<16xi32> to vector<1x16xi32>
    tpu.vector_store %arg9[%swap3A_115, %swap3A_116], %swap3A_119 {strides = array<i32>} : memref<4x64xi32, #tpu.memory_space<vmem>>, vector<1x16xi32>,
    %get3A_120 = arith.constant 96 : index
    %get3A_121 = tpu.vector_load %arg7[%get3A_120] {strides = array<i32>} : memref<256xf32, #tpu.memory_space<vmem>>, vector<16xf32>,
    %get3A_122 = vector.shape_cast %get3A_121 : vector<16xf32> to vector<16xf32>
    %convert_element_type3A_123 = arith.fptosi %get3A_122 : vector<16xf32> to vector<16xi32>
    %shift_right_logical3A_124 = arith.constant 13 : i32
    %shift_right_logical3A_125 = vector.broadcast %shift_right_logical3A_124 : i32 to vector<16xi32>
    %shift_right_logical3A_126 = arith.shrui %convert_element_type3A_123, %shift_right_logical3A_125 : vector<16xi32>
    %and3A_127 = arith.constant 8191 : i32
    %and3A_128 = vector.broadcast %and3A_127 : i32 to vector<16xi32>
    %and3A_129 = arith.andi %convert_element_type3A_123, %and3A_128 : vector<16xi32>
    %broadcast_in_dim3A_130 = vector.shape_cast %shift_right_logical3A_126 : vector<16xi32> to vector<16x1xi32>
    %gather3A_131 = vector.shape_cast %broadcast_in_dim3A_130 : vector<16x1xi32> to vector<16xi32>
    %gather3A_132 = tpu.dynamic_gather %convert_element_type3A[%gather3A_131] in [0] : vector<16xi32>, vector<16xi32> -> vector<16xi32>
    %add3A_133 = arith.addi %gather3A_132, %and3A_129 : vector<16xi32>
    %swap3A_134 = arith.constant 1 : i32
    %swap3A_135 = arith.index_cast %swap3A_134 : i32 to index
    %swap3A_136 = arith.constant 32 : index
    %swap3A_137 = tpu.vector_load %arg9[%swap3A_135, %swap3A_136] {strides = array<i32>} : memref<4x64xi32, #tpu.memory_space<vmem>>, vector<1x16xi32>,
    %swap3A_138 = vector.shape_cast %swap3A_137 : vector<1x16xi32> to vector<16xi32>
    %swap3A_139 = vector.shape_cast %add3A_133 : vector<16xi32> to vector<1x16xi32>
    tpu.vector_store %arg9[%swap3A_135, %swap3A_136], %swap3A_139 {strides = array<i32>} : memref<4x64xi32, #tpu.memory_space<vmem>>, vector<1x16xi32>,
    %get3A_140 = arith.constant 112 : index
    %get3A_141 = tpu.vector_load %arg7[%get3A_140] {strides = array<i32>} : memref<256xf32, #tpu.memory_space<vmem>>, vector<16xf32>,
    %get3A_142 = vector.shape_cast %get3A_141 : vector<16xf32> to vector<16xf32>
    %convert_element_type3A_143 = arith.fptosi %get3A_142 : vector<16xf32> to vector<16xi32>
    %shift_right_logical3A_144 = arith.constant 13 : i32
    %shift_right_logical3A_145 = vector.broadcast %shift_right_logical3A_144 : i32 to vector<16xi32>
    %shift_right_logical3A_146 = arith.shrui %convert_element_type3A_143, %shift_right_logical3A_145 : vector<16xi32>
    %and3A_147 = arith.constant 8191 : i32
    %and3A_148 = vector.broadcast %and3A_147 : i32 to vector<16xi32>
    %and3A_149 = arith.andi %convert_element_type3A_143, %and3A_148 : vector<16xi32>
    %broadcast_in_dim3A_150 = vector.shape_cast %shift_right_logical3A_146 : vector<16xi32> to vector<16x1xi32>
    %gather3A_151 = vector.shape_cast %broadcast_in_dim3A_150 : vector<16x1xi32> to vector<16xi32>
    %gather3A_152 = tpu.dynamic_gather %convert_element_type3A[%gather3A_151] in [0] : vector<16xi32>, vector<16xi32> -> vector<16xi32>
    %add3A_153 = arith.addi %gather3A_152, %and3A_149 : vector<16xi32>
    %swap3A_154 = arith.constant 1 : i32
    %swap3A_155 = arith.index_cast %swap3A_154 : i32 to index
    %swap3A_156 = arith.constant 48 : index
    %swap3A_157 = tpu.vector_load %arg9[%swap3A_155, %swap3A_156] {strides = array<i32>} : memref<4x64xi32, #tpu.memory_space<vmem>>, vector<1x16xi32>,
    %swap3A_158 = vector.shape_cast %swap3A_157 : vector<1x16xi32> to vector<16xi32>
    %swap3A_159 = vector.shape_cast %add3A_153 : vector<16xi32> to vector<1x16xi32>
    tpu.vector_store %arg9[%swap3A_155, %swap3A_156], %swap3A_159 {strides = array<i32>} : memref<4x64xi32, #tpu.memory_space<vmem>>, vector<1x16xi32>,
    %get3A_160 = arith.constant 128 : index
    %get3A_161 = tpu.vector_load %arg7[%get3A_160] {strides = array<i32>} : memref<256xf32, #tpu.memory_space<vmem>>, vector<16xf32>,
    %get3A_162 = vector.shape_cast %get3A_161 : vector<16xf32> to vector<16xf32>
    %convert_element_type3A_163 = arith.fptosi %get3A_162 : vector<16xf32> to vector<16xi32>
    %shift_right_logical3A_164 = arith.constant 13 : i32
    %shift_right_logical3A_165 = vector.broadcast %shift_right_logical3A_164 : i32 to vector<16xi32>
    %shift_right_logical3A_166 = arith.shrui %convert_element_type3A_163, %shift_right_logical3A_165 : vector<16xi32>
    %and3A_167 = arith.constant 8191 : i32
    %and3A_168 = vector.broadcast %and3A_167 : i32 to vector<16xi32>
    %and3A_169 = arith.andi %convert_element_type3A_163, %and3A_168 : vector<16xi32>
    %broadcast_in_dim3A_170 = vector.shape_cast %shift_right_logical3A_166 : vector<16xi32> to vector<16x1xi32>
    %gather3A_171 = vector.shape_cast %broadcast_in_dim3A_170 : vector<16x1xi32> to vector<16xi32>
    %gather3A_172 = tpu.dynamic_gather %convert_element_type3A[%gather3A_171] in [0] : vector<16xi32>, vector<16xi32> -> vector<16xi32>
    %add3A_173 = arith.addi %gather3A_172, %and3A_169 : vector<16xi32>
    %swap3A_174 = arith.constant 2 : i32
    %swap3A_175 = arith.index_cast %swap3A_174 : i32 to index
    %swap3A_176 = arith.constant 0 : index
    %swap3A_177 = tpu.vector_load %arg9[%swap3A_175, %swap3A_176] {strides = array<i32>} : memref<4x64xi32, #tpu.memory_space<vmem>>, vector<1x16xi32>,
    %swap3A_178 = vector.shape_cast %swap3A_177 : vector<1x16xi32> to vector<16xi32>
    %swap3A_179 = vector.shape_cast %add3A_173 : vector<16xi32> to vector<1x16xi32>
    tpu.vector_store %arg9[%swap3A_175, %swap3A_176], %swap3A_179 {strides = array<i32>} : memref<4x64xi32, #tpu.memory_space<vmem>>, vector<1x16xi32>,
    %get3A_180 = arith.constant 144 : index
    %get3A_181 = tpu.vector_load %arg7[%get3A_180] {strides = array<i32>} : memref<256xf32, #tpu.memory_space<vmem>>, vector<16xf32>,
    %get3A_182 = vector.shape_cast %get3A_181 : vector<16xf32> to vector<16xf32>
    %convert_element_type3A_183 = arith.fptosi %get3A_182 : vector<16xf32> to vector<16xi32>
    %shift_right_logical3A_184 = arith.constant 13 : i32
    %shift_right_logical3A_185 = vector.broadcast %shift_right_logical3A_184 : i32 to vector<16xi32>
    %shift_right_logical3A_186 = arith.shrui %convert_element_type3A_183, %shift_right_logical3A_185 : vector<16xi32>
    %and3A_187 = arith.constant 8191 : i32
    %and3A_188 = vector.broadcast %and3A_187 : i32 to vector<16xi32>
    %and3A_189 = arith.andi %convert_element_type3A_183, %and3A_188 : vector<16xi32>
    %broadcast_in_dim3A_190 = vector.shape_cast %shift_right_logical3A_186 : vector<16xi32> to vector<16x1xi32>
    %gather3A_191 = vector.shape_cast %broadcast_in_dim3A_190 : vector<16x1xi32> to vector<16xi32>
    %gather3A_192 = tpu.dynamic_gather %convert_element_type3A[%gather3A_191] in [0] : vector<16xi32>, vector<16xi32> -> vector<16xi32>
    %add3A_193 = arith.addi %gather3A_192, %and3A_189 : vector<16xi32>
    %swap3A_194 = arith.constant 2 : i32
    %swap3A_195 = arith.index_cast %swap3A_194 : i32 to index
    %swap3A_196 = arith.constant 16 : index
    %swap3A_197 = tpu.vector_load %arg9[%swap3A_195, %swap3A_196] {strides = array<i32>} : memref<4x64xi32, #tpu.memory_space<vmem>>, vector<1x16xi32>,
    %swap3A_198 = vector.shape_cast %swap3A_197 : vector<1x16xi32> to vector<16xi32>
    %swap3A_199 = vector.shape_cast %add3A_193 : vector<16xi32> to vector<1x16xi32>
    tpu.vector_store %arg9[%swap3A_195, %swap3A_196], %swap3A_199 {strides = array<i32>} : memref<4x64xi32, #tpu.memory_space<vmem>>, vector<1x16xi32>,
    %get3A_200 = arith.constant 160 : index
    %get3A_201 = tpu.vector_load %arg7[%get3A_200] {strides = array<i32>} : memref<256xf32, #tpu.memory_space<vmem>>, vector<16xf32>,
    %get3A_202 = vector.shape_cast %get3A_201 : vector<16xf32> to vector<16xf32>
    %convert_element_type3A_203 = arith.fptosi %get3A_202 : vector<16xf32> to vector<16xi32>
    %shift_right_logical3A_204 = arith.constant 13 : i32
    %shift_right_logical3A_205 = vector.broadcast %shift_right_logical3A_204 : i32 to vector<16xi32>
    %shift_right_logical3A_206 = arith.shrui %convert_element_type3A_203, %shift_right_logical3A_205 : vector<16xi32>
    %and3A_207 = arith.constant 8191 : i32
    %and3A_208 = vector.broadcast %and3A_207 : i32 to vector<16xi32>
    %and3A_209 = arith.andi %convert_element_type3A_203, %and3A_208 : vector<16xi32>
    %broadcast_in_dim3A_210 = vector.shape_cast %shift_right_logical3A_206 : vector<16xi32> to vector<16x1xi32>
    %gather3A_211 = vector.shape_cast %broadcast_in_dim3A_210 : vector<16x1xi32> to vector<16xi32>
    %gather3A_212 = tpu.dynamic_gather %convert_element_type3A[%gather3A_211] in [0] : vector<16xi32>, vector<16xi32> -> vector<16xi32>
    %add3A_213 = arith.addi %gather3A_212, %and3A_209 : vector<16xi32>
    %swap3A_214 = arith.constant 2 : i32
    %swap3A_215 = arith.index_cast %swap3A_214 : i32 to index
    %swap3A_216 = arith.constant 32 : index
    %swap3A_217 = tpu.vector_load %arg9[%swap3A_215, %swap3A_216] {strides = array<i32>} : memref<4x64xi32, #tpu.memory_space<vmem>>, vector<1x16xi32>,
    %swap3A_218 = vector.shape_cast %swap3A_217 : vector<1x16xi32> to vector<16xi32>
    %swap3A_219 = vector.shape_cast %add3A_213 : vector<16xi32> to vector<1x16xi32>
    tpu.vector_store %arg9[%swap3A_215, %swap3A_216], %swap3A_219 {strides = array<i32>} : memref<4x64xi32, #tpu.memory_space<vmem>>, vector<1x16xi32>,
    %get3A_220 = arith.constant 176 : index
    %get3A_221 = tpu.vector_load %arg7[%get3A_220] {strides = array<i32>} : memref<256xf32, #tpu.memory_space<vmem>>, vector<16xf32>,
    %get3A_222 = vector.shape_cast %get3A_221 : vector<16xf32> to vector<16xf32>
    %convert_element_type3A_223 = arith.fptosi %get3A_222 : vector<16xf32> to vector<16xi32>
    %shift_right_logical3A_224 = arith.constant 13 : i32
    %shift_right_logical3A_225 = vector.broadcast %shift_right_logical3A_224 : i32 to vector<16xi32>
    %shift_right_logical3A_226 = arith.shrui %convert_element_type3A_223, %shift_right_logical3A_225 : vector<16xi32>
    %and3A_227 = arith.constant 8191 : i32
    %and3A_228 = vector.broadcast %and3A_227 : i32 to vector<16xi32>
    %and3A_229 = arith.andi %convert_element_type3A_223, %and3A_228 : vector<16xi32>
    %broadcast_in_dim3A_230 = vector.shape_cast %shift_right_logical3A_226 : vector<16xi32> to vector<16x1xi32>
    %gather3A_231 = vector.shape_cast %broadcast_in_dim3A_230 : vector<16x1xi32> to vector<16xi32>
    %gather3A_232 = tpu.dynamic_gather %convert_element_type3A[%gather3A_231] in [0] : vector<16xi32>, vector<16xi32> -> vector<16xi32>
    %add3A_233 = arith.addi %gather3A_232, %and3A_229 : vector<16xi32>
    %swap3A_234 = arith.constant 2 : i32
    %swap3A_235 = arith.index_cast %swap3A_234 : i32 to index
    %swap3A_236 = arith.constant 48 : index
    %swap3A_237 = tpu.vector_load %arg9[%swap3A_235, %swap3A_236] {strides = array<i32>} : memref<4x64xi32, #tpu.memory_space<vmem>>, vector<1x16xi32>,
    %swap3A_238 = vector.shape_cast %swap3A_237 : vector<1x16xi32> to vector<16xi32>
    %swap3A_239 = vector.shape_cast %add3A_233 : vector<16xi32> to vector<1x16xi32>
    tpu.vector_store %arg9[%swap3A_235, %swap3A_236], %swap3A_239 {strides = array<i32>} : memref<4x64xi32, #tpu.memory_space<vmem>>, vector<1x16xi32>,
    %get3A_240 = arith.constant 192 : index
    %get3A_241 = tpu.vector_load %arg7[%get3A_240] {strides = array<i32>} : memref<256xf32, #tpu.memory_space<vmem>>, vector<16xf32>,
    %get3A_242 = vector.shape_cast %get3A_241 : vector<16xf32> to vector<16xf32>
    %convert_element_type3A_243 = arith.fptosi %get3A_242 : vector<16xf32> to vector<16xi32>
    %shift_right_logical3A_244 = arith.constant 13 : i32
    %shift_right_logical3A_245 = vector.broadcast %shift_right_logical3A_244 : i32 to vector<16xi32>
    %shift_right_logical3A_246 = arith.shrui %convert_element_type3A_243, %shift_right_logical3A_245 : vector<16xi32>
    %and3A_247 = arith.constant 8191 : i32
    %and3A_248 = vector.broadcast %and3A_247 : i32 to vector<16xi32>
    %and3A_249 = arith.andi %convert_element_type3A_243, %and3A_248 : vector<16xi32>
    %broadcast_in_dim3A_250 = vector.shape_cast %shift_right_logical3A_246 : vector<16xi32> to vector<16x1xi32>
    %gather3A_251 = vector.shape_cast %broadcast_in_dim3A_250 : vector<16x1xi32> to vector<16xi32>
    %gather3A_252 = tpu.dynamic_gather %convert_element_type3A[%gather3A_251] in [0] : vector<16xi32>, vector<16xi32> -> vector<16xi32>
    %add3A_253 = arith.addi %gather3A_252, %and3A_249 : vector<16xi32>
    %swap3A_254 = arith.constant 3 : i32
    %swap3A_255 = arith.index_cast %swap3A_254 : i32 to index
    %swap3A_256 = arith.constant 0 : index
    %swap3A_257 = tpu.vector_load %arg9[%swap3A_255, %swap3A_256] {strides = array<i32>} : memref<4x64xi32, #tpu.memory_space<vmem>>, vector<1x16xi32>,
    %swap3A_258 = vector.shape_cast %swap3A_257 : vector<1x16xi32> to vector<16xi32>
    %swap3A_259 = vector.shape_cast %add3A_253 : vector<16xi32> to vector<1x16xi32>
    tpu.vector_store %arg9[%swap3A_255, %swap3A_256], %swap3A_259 {strides = array<i32>} : memref<4x64xi32, #tpu.memory_space<vmem>>, vector<1x16xi32>,
    %get3A_260 = arith.constant 208 : index
    %get3A_261 = tpu.vector_load %arg7[%get3A_260] {strides = array<i32>} : memref<256xf32, #tpu.memory_space<vmem>>, vector<16xf32>,
    %get3A_262 = vector.shape_cast %get3A_261 : vector<16xf32> to vector<16xf32>
    %convert_element_type3A_263 = arith.fptosi %get3A_262 : vector<16xf32> to vector<16xi32>
    %shift_right_logical3A_264 = arith.constant 13 : i32
    %shift_right_logical3A_265 = vector.broadcast %shift_right_logical3A_264 : i32 to vector<16xi32>
    %shift_right_logical3A_266 = arith.shrui %convert_element_type3A_263, %shift_right_logical3A_265 : vector<16xi32>
    %and3A_267 = arith.constant 8191 : i32
    %and3A_268 = vector.broadcast %and3A_267 : i32 to vector<16xi32>
    %and3A_269 = arith.andi %convert_element_type3A_263, %and3A_268 : vector<16xi32>
    %broadcast_in_dim3A_270 = vector.shape_cast %shift_right_logical3A_266 : vector<16xi32> to vector<16x1xi32>
    %gather3A_271 = vector.shape_cast %broadcast_in_dim3A_270 : vector<16x1xi32> to vector<16xi32>
    %gather3A_272 = tpu.dynamic_gather %convert_element_type3A[%gather3A_271] in [0] : vector<16xi32>, vector<16xi32> -> vector<16xi32>
    %add3A_273 = arith.addi %gather3A_272, %and3A_269 : vector<16xi32>
    %swap3A_274 = arith.constant 3 : i32
    %swap3A_275 = arith.index_cast %swap3A_274 : i32 to index
    %swap3A_276 = arith.constant 16 : index
    %swap3A_277 = tpu.vector_load %arg9[%swap3A_275, %swap3A_276] {strides = array<i32>} : memref<4x64xi32, #tpu.memory_space<vmem>>, vector<1x16xi32>,
    %swap3A_278 = vector.shape_cast %swap3A_277 : vector<1x16xi32> to vector<16xi32>
    %swap3A_279 = vector.shape_cast %add3A_273 : vector<16xi32> to vector<1x16xi32>
    tpu.vector_store %arg9[%swap3A_275, %swap3A_276], %swap3A_279 {strides = array<i32>} : memref<4x64xi32, #tpu.memory_space<vmem>>, vector<1x16xi32>,
    %get3A_280 = arith.constant 224 : index
    %get3A_281 = tpu.vector_load %arg7[%get3A_280] {strides = array<i32>} : memref<256xf32, #tpu.memory_space<vmem>>, vector<16xf32>,
    %get3A_282 = vector.shape_cast %get3A_281 : vector<16xf32> to vector<16xf32>
    %convert_element_type3A_283 = arith.fptosi %get3A_282 : vector<16xf32> to vector<16xi32>
    %shift_right_logical3A_284 = arith.constant 13 : i32
    %shift_right_logical3A_285 = vector.broadcast %shift_right_logical3A_284 : i32 to vector<16xi32>
    %shift_right_logical3A_286 = arith.shrui %convert_element_type3A_283, %shift_right_logical3A_285 : vector<16xi32>
    %and3A_287 = arith.constant 8191 : i32
    %and3A_288 = vector.broadcast %and3A_287 : i32 to vector<16xi32>
    %and3A_289 = arith.andi %convert_element_type3A_283, %and3A_288 : vector<16xi32>
    %broadcast_in_dim3A_290 = vector.shape_cast %shift_right_logical3A_286 : vector<16xi32> to vector<16x1xi32>
    %gather3A_291 = vector.shape_cast %broadcast_in_dim3A_290 : vector<16x1xi32> to vector<16xi32>
    %gather3A_292 = tpu.dynamic_gather %convert_element_type3A[%gather3A_291] in [0] : vector<16xi32>, vector<16xi32> -> vector<16xi32>
    %add3A_293 = arith.addi %gather3A_292, %and3A_289 : vector<16xi32>
    %swap3A_294 = arith.constant 3 : i32
    %swap3A_295 = arith.index_cast %swap3A_294 : i32 to index
    %swap3A_296 = arith.constant 32 : index
    %swap3A_297 = tpu.vector_load %arg9[%swap3A_295, %swap3A_296] {strides = array<i32>} : memref<4x64xi32, #tpu.memory_space<vmem>>, vector<1x16xi32>,
    %swap3A_298 = vector.shape_cast %swap3A_297 : vector<1x16xi32> to vector<16xi32>
    %swap3A_299 = vector.shape_cast %add3A_293 : vector<16xi32> to vector<1x16xi32>
    tpu.vector_store %arg9[%swap3A_295, %swap3A_296], %swap3A_299 {strides = array<i32>} : memref<4x64xi32, #tpu.memory_space<vmem>>, vector<1x16xi32>,
    %get3A_300 = arith.constant 240 : index
    %get3A_301 = tpu.vector_load %arg7[%get3A_300] {strides = array<i32>} : memref<256xf32, #tpu.memory_space<vmem>>, vector<16xf32>,
    %get3A_302 = vector.shape_cast %get3A_301 : vector<16xf32> to vector<16xf32>
    %convert_element_type3A_303 = arith.fptosi %get3A_302 : vector<16xf32> to vector<16xi32>
    %shift_right_logical3A_304 = arith.constant 13 : i32
    %shift_right_logical3A_305 = vector.broadcast %shift_right_logical3A_304 : i32 to vector<16xi32>
    %shift_right_logical3A_306 = arith.shrui %convert_element_type3A_303, %shift_right_logical3A_305 : vector<16xi32>
    %and3A_307 = arith.constant 8191 : i32
    %and3A_308 = vector.broadcast %and3A_307 : i32 to vector<16xi32>
    %and3A_309 = arith.andi %convert_element_type3A_303, %and3A_308 : vector<16xi32>
    %broadcast_in_dim3A_310 = vector.shape_cast %shift_right_logical3A_306 : vector<16xi32> to vector<16x1xi32>
    %gather3A_311 = vector.shape_cast %broadcast_in_dim3A_310 : vector<16x1xi32> to vector<16xi32>
    %gather3A_312 = tpu.dynamic_gather %convert_element_type3A[%gather3A_311] in [0] : vector<16xi32>, vector<16xi32> -> vector<16xi32>
    %add3A_313 = arith.addi %gather3A_312, %and3A_309 : vector<16xi32>
    %swap3A_314 = arith.constant 3 : i32
    %swap3A_315 = arith.index_cast %swap3A_314 : i32 to index
    %swap3A_316 = arith.constant 48 : index
    %swap3A_317 = tpu.vector_load %arg9[%swap3A_315, %swap3A_316] {strides = array<i32>} : memref<4x64xi32, #tpu.memory_space<vmem>>, vector<1x16xi32>,
    %swap3A_318 = vector.shape_cast %swap3A_317 : vector<1x16xi32> to vector<16xi32>
    %swap3A_319 = vector.shape_cast %add3A_313 : vector<16xi32> to vector<1x16xi32>
    tpu.vector_store %arg9[%swap3A_315, %swap3A_316], %swap3A_319 {strides = array<i32>} : memref<4x64xi32, #tpu.memory_space<vmem>>, vector<1x16xi32>,
    "tpu.region"() ({
      %run_scoped3A = tpu.sem_alloc : memref<!tpu.dma_semaphore, #tpu.memory_space<semaphore_mem>>
      %dma_start3A_412 = arith.constant 0 : i32
      %dma_start3A_413 = arith.constant 0 : i32
      %dma_start3A_414 = tpu.memref_slice %arg5[%add3A, %dma_start3A_412, %dma_start3A_413] : memref<32x4x64xi32, #tpu.memory_space<hbm>> -> memref<1x4x64xi32, #tpu.memory_space<hbm>>
      %dma_start3A_415 = tpu.memref_squeeze %dma_start3A_414 : memref<1x4x64xi32, #tpu.memory_space<hbm>> -> memref<4x64xi32, #tpu.memory_space<hbm>>
      %dma_start3A_416 = arith.constant 0 : i32
      %dma_start3A_417 = arith.constant 0 : i32
      %dma_start3A_418 = tpu.memref_slice %arg5[%add3A, %dma_start3A_416, %dma_start3A_417] : memref<32x4x64xi32, #tpu.memory_space<hbm>> -> memref<1x4x64xi32, #tpu.memory_space<hbm>>
      %dma_start3A_419 = tpu.memref_squeeze %dma_start3A_418 : memref<1x4x64xi32, #tpu.memory_space<hbm>> -> memref<4x64xi32, #tpu.memory_space<hbm>>
      tpu.enqueue_dma source(%arg9 : memref<4x64xi32, #tpu.memory_space<vmem>>) target(%dma_start3A_419 : memref<4x64xi32, #tpu.memory_space<hbm>>) target_semaphore(%run_scoped3A : memref<!tpu.dma_semaphore, #tpu.memory_space<semaphore_mem>>)
      %dma_wait3A_420 = arith.constant 0 : i32
      %dma_wait3A_421 = arith.constant 0 : i32
      %dma_wait3A_422 = tpu.memref_slice %arg5[%add3A, %dma_wait3A_420, %dma_wait3A_421] : memref<32x4x64xi32, #tpu.memory_space<hbm>> -> memref<1x4x64xi32, #tpu.memory_space<hbm>>
      %dma_wait3A_423 = tpu.memref_squeeze %dma_wait3A_422 : memref<1x4x64xi32, #tpu.memory_space<hbm>> -> memref<4x64xi32, #tpu.memory_space<hbm>>
      %dma_wait3A_424 = arith.constant 0 : i32
      %dma_wait3A_425 = arith.constant 0 : i32
      %dma_wait3A_426 = tpu.memref_slice %arg5[%add3A, %dma_wait3A_424, %dma_wait3A_425] : memref<32x4x64xi32, #tpu.memory_space<hbm>> -> memref<1x4x64xi32, #tpu.memory_space<hbm>>
      %dma_wait3A_427 = tpu.memref_squeeze %dma_wait3A_426 : memref<1x4x64xi32, #tpu.memory_space<hbm>> -> memref<4x64xi32, #tpu.memory_space<hbm>>
      tpu.wait_dma2 semaphore(%run_scoped3A : memref<!tpu.dma_semaphore, #tpu.memory_space<semaphore_mem>>) src(%arg9 : memref<4x64xi32, #tpu.memory_space<vmem>>) dst(%dma_wait3A_427 : memref<4x64xi32, #tpu.memory_space<hbm>>)
      tpu.yield
    }) : () -> ()
    %dma_start3A = arith.constant 0 : i32
    %dma_start3A_320 = tpu.memref_slice %arg4[%mul3A_2, %dma_start3A] : memref<8192x768xf32, #tpu.memory_space<hbm>> -> memref<64x768xf32, #tpu.memory_space<hbm>>
    %dma_start3A_321 = arith.constant 0 : i32
    %dma_start3A_322 = tpu.memref_slice %arg4[%mul3A_2, %dma_start3A_321] : memref<8192x768xf32, #tpu.memory_space<hbm>> -> memref<64x768xf32, #tpu.memory_space<hbm>>
    tpu.enqueue_dma source(%dma_start3A_322 : memref<64x768xf32, #tpu.memory_space<hbm>>) target(%arg10 : memref<64x768xf32, #tpu.memory_space<vmem>>) target_semaphore(%arg12 : memref<!tpu.dma_semaphore, #tpu.memory_space<semaphore_mem>>)
    %dma_wait3A = arith.constant 0 : i32
    %dma_wait3A_323 = tpu.memref_slice %arg4[%mul3A_2, %dma_wait3A] : memref<8192x768xf32, #tpu.memory_space<hbm>> -> memref<64x768xf32, #tpu.memory_space<hbm>>
    %dma_wait3A_324 = arith.constant 0 : i32
    %dma_wait3A_325 = tpu.memref_slice %arg4[%mul3A_2, %dma_wait3A_324] : memref<8192x768xf32, #tpu.memory_space<hbm>> -> memref<64x768xf32, #tpu.memory_space<hbm>>
    tpu.wait_dma2 semaphore(%arg12 : memref<!tpu.dma_semaphore, #tpu.memory_space<semaphore_mem>>) src(%dma_wait3A_325 : memref<64x768xf32, #tpu.memory_space<hbm>>) dst(%arg10 : memref<64x768xf32, #tpu.memory_space<vmem>>)
    %add3A_326 = arith.constant 64 : i32
    %add3A_327 = arith.addi %mul3A_2, %add3A_326 : i32
    %dma_start3A_328 = arith.constant 0 : i32
    %dma_start3A_329 = tpu.memref_slice %arg4[%add3A_327, %dma_start3A_328] : memref<8192x768xf32, #tpu.memory_space<hbm>> -> memref<64x768xf32, #tpu.memory_space<hbm>>
    %dma_start3A_330 = arith.constant 0 : i32
    %dma_start3A_331 = tpu.memref_slice %arg4[%add3A_327, %dma_start3A_330] : memref<8192x768xf32, #tpu.memory_space<hbm>> -> memref<64x768xf32, #tpu.memory_space<hbm>>
    tpu.enqueue_dma source(%dma_start3A_331 : memref<64x768xf32, #tpu.memory_space<hbm>>) target(%arg11 : memref<64x768xf32, #tpu.memory_space<vmem>>) target_semaphore(%arg12 : memref<!tpu.dma_semaphore, #tpu.memory_space<semaphore_mem>>)
    %dma_start3A_332 = arith.constant 0 : i32
    %dma_start3A_333 = arith.constant 0 : i32
    %dma_start3A_334 = tpu.memref_slice %arg9[%dma_start3A_332, %dma_start3A_333] : memref<4x64xi32, #tpu.memory_space<vmem>> -> memref<1x64xi32, #tpu.memory_space<vmem>>
    %dma_start3A_335 = tpu.memref_squeeze %dma_start3A_334 : memref<1x64xi32, #tpu.memory_space<vmem>> -> memref<64xi32, #tpu.memory_space<vmem>>
    %dma_start3A_336 = arith.constant 0 : i32
    %dma_start3A_337 = arith.constant 0 : i32
    %dma_start3A_338 = tpu.memref_slice %arg6[%dma_start3A_336, %dma_start3A_337] : memref<8192x768xf32, #tpu.memory_space<hbm>> -> memref<8192x768xf32, #tpu.memory_space<hbm>>
    tpu.enqueue_indirect_dma source(%arg10 : memref<64x768xf32, #tpu.memory_space<vmem>>) target(%dma_start3A_338 : memref<8192x768xf32, #tpu.memory_space<hbm>>) offsets(%dma_start3A_335 : memref<64xi32, #tpu.memory_space<vmem>>) semaphore(%arg13 : memref<!tpu.dma_semaphore, #tpu.memory_space<semaphore_mem>>)
    %dma_wait3A_339 = arith.constant 0 : i32
    %dma_wait3A_340 = tpu.memref_slice %arg4[%add3A_327, %dma_wait3A_339] : memref<8192x768xf32, #tpu.memory_space<hbm>> -> memref<64x768xf32, #tpu.memory_space<hbm>>
    %dma_wait3A_341 = arith.constant 0 : i32
    %dma_wait3A_342 = tpu.memref_slice %arg4[%add3A_327, %dma_wait3A_341] : memref<8192x768xf32, #tpu.memory_space<hbm>> -> memref<64x768xf32, #tpu.memory_space<hbm>>
    tpu.wait_dma2 semaphore(%arg12 : memref<!tpu.dma_semaphore, #tpu.memory_space<semaphore_mem>>) src(%dma_wait3A_342 : memref<64x768xf32, #tpu.memory_space<hbm>>) dst(%arg11 : memref<64x768xf32, #tpu.memory_space<vmem>>)
    %dma_wait3A_343 = arith.constant 0 : i32
    %dma_wait3A_344 = arith.constant 0 : i32
    %dma_wait3A_345 = tpu.memref_slice %arg9[%dma_wait3A_343, %dma_wait3A_344] : memref<4x64xi32, #tpu.memory_space<vmem>> -> memref<1x64xi32, #tpu.memory_space<vmem>>
    %dma_wait3A_346 = tpu.memref_squeeze %dma_wait3A_345 : memref<1x64xi32, #tpu.memory_space<vmem>> -> memref<64xi32, #tpu.memory_space<vmem>>
    %dma_wait3A_347 = arith.constant 0 : i32
    %dma_wait3A_348 = arith.constant 0 : i32
    %dma_wait3A_349 = tpu.memref_slice %arg6[%dma_wait3A_347, %dma_wait3A_348] : memref<8192x768xf32, #tpu.memory_space<hbm>> -> memref<8192x768xf32, #tpu.memory_space<hbm>>
    tpu.wait_indirect_dma semaphore(%arg13 : memref<!tpu.dma_semaphore, #tpu.memory_space<semaphore_mem>>) src(%arg10 : memref<64x768xf32, #tpu.memory_space<vmem>>) dst(%dma_wait3A_349 : memref<8192x768xf32, #tpu.memory_space<hbm>>)
    %add3A_350 = arith.constant 128 : i32
    %add3A_351 = arith.addi %mul3A_2, %add3A_350 : i32
    %dma_start3A_352 = arith.constant 0 : i32
    %dma_start3A_353 = tpu.memref_slice %arg4[%add3A_351, %dma_start3A_352] : memref<8192x768xf32, #tpu.memory_space<hbm>> -> memref<64x768xf32, #tpu.memory_space<hbm>>
    %dma_start3A_354 = arith.constant 0 : i32
    %dma_start3A_355 = tpu.memref_slice %arg4[%add3A_351, %dma_start3A_354] : memref<8192x768xf32, #tpu.memory_space<hbm>> -> memref<64x768xf32, #tpu.memory_space<hbm>>
    tpu.enqueue_dma source(%dma_start3A_355 : memref<64x768xf32, #tpu.memory_space<hbm>>) target(%arg10 : memref<64x768xf32, #tpu.memory_space<vmem>>) target_semaphore(%arg12 : memref<!tpu.dma_semaphore, #tpu.memory_space<semaphore_mem>>)
    %dma_start3A_356 = arith.constant 1 : i32
    %dma_start3A_357 = arith.constant 0 : i32
    %dma_start3A_358 = tpu.memref_slice %arg9[%dma_start3A_356, %dma_start3A_357] : memref<4x64xi32, #tpu.memory_space<vmem>> -> memref<1x64xi32, #tpu.memory_space<vmem>>
    %dma_start3A_359 = tpu.memref_squeeze %dma_start3A_358 : memref<1x64xi32, #tpu.memory_space<vmem>> -> memref<64xi32, #tpu.memory_space<vmem>>
    %dma_start3A_360 = arith.constant 0 : i32
    %dma_start3A_361 = arith.constant 0 : i32
    %dma_start3A_362 = tpu.memref_slice %arg6[%dma_start3A_360, %dma_start3A_361] : memref<8192x768xf32, #tpu.memory_space<hbm>> -> memref<8192x768xf32, #tpu.memory_space<hbm>>
    tpu.enqueue_indirect_dma source(%arg11 : memref<64x768xf32, #tpu.memory_space<vmem>>) target(%dma_start3A_362 : memref<8192x768xf32, #tpu.memory_space<hbm>>) offsets(%dma_start3A_359 : memref<64xi32, #tpu.memory_space<vmem>>) semaphore(%arg14 : memref<!tpu.dma_semaphore, #tpu.memory_space<semaphore_mem>>)
    %dma_wait3A_363 = arith.constant 0 : i32
    %dma_wait3A_364 = tpu.memref_slice %arg4[%add3A_351, %dma_wait3A_363] : memref<8192x768xf32, #tpu.memory_space<hbm>> -> memref<64x768xf32, #tpu.memory_space<hbm>>
    %dma_wait3A_365 = arith.constant 0 : i32
    %dma_wait3A_366 = tpu.memref_slice %arg4[%add3A_351, %dma_wait3A_365] : memref<8192x768xf32, #tpu.memory_space<hbm>> -> memref<64x768xf32, #tpu.memory_space<hbm>>
    tpu.wait_dma2 semaphore(%arg12 : memref<!tpu.dma_semaphore, #tpu.memory_space<semaphore_mem>>) src(%dma_wait3A_366 : memref<64x768xf32, #tpu.memory_space<hbm>>) dst(%arg10 : memref<64x768xf32, #tpu.memory_space<vmem>>)
    %dma_wait3A_367 = arith.constant 1 : i32
    %dma_wait3A_368 = arith.constant 0 : i32
    %dma_wait3A_369 = tpu.memref_slice %arg9[%dma_wait3A_367, %dma_wait3A_368] : memref<4x64xi32, #tpu.memory_space<vmem>> -> memref<1x64xi32, #tpu.memory_space<vmem>>
    %dma_wait3A_370 = tpu.memref_squeeze %dma_wait3A_369 : memref<1x64xi32, #tpu.memory_space<vmem>> -> memref<64xi32, #tpu.memory_space<vmem>>
    %dma_wait3A_371 = arith.constant 0 : i32
    %dma_wait3A_372 = arith.constant 0 : i32
    %dma_wait3A_373 = tpu.memref_slice %arg6[%dma_wait3A_371, %dma_wait3A_372] : memref<8192x768xf32, #tpu.memory_space<hbm>> -> memref<8192x768xf32, #tpu.memory_space<hbm>>
    tpu.wait_indirect_dma semaphore(%arg14 : memref<!tpu.dma_semaphore, #tpu.memory_space<semaphore_mem>>) src(%arg11 : memref<64x768xf32, #tpu.memory_space<vmem>>) dst(%dma_wait3A_373 : memref<8192x768xf32, #tpu.memory_space<hbm>>)
    %add3A_374 = arith.constant 192 : i32
    %add3A_375 = arith.addi %mul3A_2, %add3A_374 : i32
    %dma_start3A_376 = arith.constant 0 : i32
    %dma_start3A_377 = tpu.memref_slice %arg4[%add3A_375, %dma_start3A_376] : memref<8192x768xf32, #tpu.memory_space<hbm>> -> memref<64x768xf32, #tpu.memory_space<hbm>>
    %dma_start3A_378 = arith.constant 0 : i32
    %dma_start3A_379 = tpu.memref_slice %arg4[%add3A_375, %dma_start3A_378] : memref<8192x768xf32, #tpu.memory_space<hbm>> -> memref<64x768xf32, #tpu.memory_space<hbm>>
    tpu.enqueue_dma source(%dma_start3A_379 : memref<64x768xf32, #tpu.memory_space<hbm>>) target(%arg11 : memref<64x768xf32, #tpu.memory_space<vmem>>) target_semaphore(%arg12 : memref<!tpu.dma_semaphore, #tpu.memory_space<semaphore_mem>>)
    %dma_start3A_380 = arith.constant 2 : i32
    %dma_start3A_381 = arith.constant 0 : i32
    %dma_start3A_382 = tpu.memref_slice %arg9[%dma_start3A_380, %dma_start3A_381] : memref<4x64xi32, #tpu.memory_space<vmem>> -> memref<1x64xi32, #tpu.memory_space<vmem>>
    %dma_start3A_383 = tpu.memref_squeeze %dma_start3A_382 : memref<1x64xi32, #tpu.memory_space<vmem>> -> memref<64xi32, #tpu.memory_space<vmem>>
    %dma_start3A_384 = arith.constant 0 : i32
    %dma_start3A_385 = arith.constant 0 : i32
    %dma_start3A_386 = tpu.memref_slice %arg6[%dma_start3A_384, %dma_start3A_385] : memref<8192x768xf32, #tpu.memory_space<hbm>> -> memref<8192x768xf32, #tpu.memory_space<hbm>>
    tpu.enqueue_indirect_dma source(%arg10 : memref<64x768xf32, #tpu.memory_space<vmem>>) target(%dma_start3A_386 : memref<8192x768xf32, #tpu.memory_space<hbm>>) offsets(%dma_start3A_383 : memref<64xi32, #tpu.memory_space<vmem>>) semaphore(%arg13 : memref<!tpu.dma_semaphore, #tpu.memory_space<semaphore_mem>>)
    %dma_wait3A_387 = arith.constant 0 : i32
    %dma_wait3A_388 = tpu.memref_slice %arg4[%add3A_375, %dma_wait3A_387] : memref<8192x768xf32, #tpu.memory_space<hbm>> -> memref<64x768xf32, #tpu.memory_space<hbm>>
    %dma_wait3A_389 = arith.constant 0 : i32
    %dma_wait3A_390 = tpu.memref_slice %arg4[%add3A_375, %dma_wait3A_389] : memref<8192x768xf32, #tpu.memory_space<hbm>> -> memref<64x768xf32, #tpu.memory_space<hbm>>
    tpu.wait_dma2 semaphore(%arg12 : memref<!tpu.dma_semaphore, #tpu.memory_space<semaphore_mem>>) src(%dma_wait3A_390 : memref<64x768xf32, #tpu.memory_space<hbm>>) dst(%arg11 : memref<64x768xf32, #tpu.memory_space<vmem>>)
    %dma_start3A_391 = arith.constant 3 : i32
    %dma_start3A_392 = arith.constant 0 : i32
    %dma_start3A_393 = tpu.memref_slice %arg9[%dma_start3A_391, %dma_start3A_392] : memref<4x64xi32, #tpu.memory_space<vmem>> -> memref<1x64xi32, #tpu.memory_space<vmem>>
    %dma_start3A_394 = tpu.memref_squeeze %dma_start3A_393 : memref<1x64xi32, #tpu.memory_space<vmem>> -> memref<64xi32, #tpu.memory_space<vmem>>
    %dma_start3A_395 = arith.constant 0 : i32
    %dma_start3A_396 = arith.constant 0 : i32
    %dma_start3A_397 = tpu.memref_slice %arg6[%dma_start3A_395, %dma_start3A_396] : memref<8192x768xf32, #tpu.memory_space<hbm>> -> memref<8192x768xf32, #tpu.memory_space<hbm>>
    tpu.enqueue_indirect_dma source(%arg11 : memref<64x768xf32, #tpu.memory_space<vmem>>) target(%dma_start3A_397 : memref<8192x768xf32, #tpu.memory_space<hbm>>) offsets(%dma_start3A_394 : memref<64xi32, #tpu.memory_space<vmem>>) semaphore(%arg14 : memref<!tpu.dma_semaphore, #tpu.memory_space<semaphore_mem>>)
    %dma_wait3A_398 = arith.constant 2 : i32
    %dma_wait3A_399 = arith.constant 0 : i32
    %dma_wait3A_400 = tpu.memref_slice %arg9[%dma_wait3A_398, %dma_wait3A_399] : memref<4x64xi32, #tpu.memory_space<vmem>> -> memref<1x64xi32, #tpu.memory_space<vmem>>
    %dma_wait3A_401 = tpu.memref_squeeze %dma_wait3A_400 : memref<1x64xi32, #tpu.memory_space<vmem>> -> memref<64xi32, #tpu.memory_space<vmem>>
    %dma_wait3A_402 = arith.constant 0 : i32
    %dma_wait3A_403 = arith.constant 0 : i32
    %dma_wait3A_404 = tpu.memref_slice %arg6[%dma_wait3A_402, %dma_wait3A_403] : memref<8192x768xf32, #tpu.memory_space<hbm>> -> memref<8192x768xf32, #tpu.memory_space<hbm>>
    tpu.wait_indirect_dma semaphore(%arg13 : memref<!tpu.dma_semaphore, #tpu.memory_space<semaphore_mem>>) src(%arg10 : memref<64x768xf32, #tpu.memory_space<vmem>>) dst(%dma_wait3A_404 : memref<8192x768xf32, #tpu.memory_space<hbm>>)
    %dma_wait3A_405 = arith.constant 3 : i32
    %dma_wait3A_406 = arith.constant 0 : i32
    %dma_wait3A_407 = tpu.memref_slice %arg9[%dma_wait3A_405, %dma_wait3A_406] : memref<4x64xi32, #tpu.memory_space<vmem>> -> memref<1x64xi32, #tpu.memory_space<vmem>>
    %dma_wait3A_408 = tpu.memref_squeeze %dma_wait3A_407 : memref<1x64xi32, #tpu.memory_space<vmem>> -> memref<64xi32, #tpu.memory_space<vmem>>
    %dma_wait3A_409 = arith.constant 0 : i32
    %dma_wait3A_410 = arith.constant 0 : i32
    %dma_wait3A_411 = tpu.memref_slice %arg6[%dma_wait3A_409, %dma_wait3A_410] : memref<8192x768xf32, #tpu.memory_space<hbm>> -> memref<8192x768xf32, #tpu.memory_space<hbm>>
    tpu.wait_indirect_dma semaphore(%arg14 : memref<!tpu.dma_semaphore, #tpu.memory_space<semaphore_mem>>) src(%arg11 : memref<64x768xf32, #tpu.memory_space<vmem>>) dst(%dma_wait3A_411 : memref<8192x768xf32, #tpu.memory_space<hbm>>)
    return
  }
}

#map = affine_map<(d0, d1) -> (0, 0)>
#map1 = affine_map<(d0, d1) -> (0, 0, 0)>
module attributes {stable_mosaic.version = 14 : i64} {
  func.func @_permute_bwd(%arg0: i32, %arg1: i32, %arg2: memref<8192x768xf32, #tpu.memory_space<hbm>>, %arg3: memref<32x4x64xi32, #tpu.memory_space<hbm>>, %arg4: memref<8192x768xf32, #tpu.memory_space<hbm>>, %arg5: memref<4x64xi32, #tpu.memory_space<vmem>>, %arg6: memref<64x768xf32, #tpu.memory_space<vmem>>, %arg7: memref<64x768xf32, #tpu.memory_space<vmem>>, %arg8: memref<!tpu.dma_semaphore, #tpu.memory_space<semaphore_mem>>, %arg9: memref<!tpu.dma_semaphore, #tpu.memory_space<semaphore_mem>>, %arg10: memref<!tpu.dma_semaphore, #tpu.memory_space<semaphore_mem>>, %arg11: memref<!tpu.dma_semaphore, #tpu.memory_space<semaphore_mem>>) attributes {dimension_semantics = [#tpu.dimension_semantics<core_parallel>, #tpu.dimension_semantics<subcore_parallel>], iteration_bounds = array<i64: 2, 16>, scalar_prefetch = 0 : i64, scratch_operands = 7 : i64, tpu.core_type = #tpu.core_type<sc_vector_subcore>, window_params = [{transform_indices = #map}, {transform_indices = #map1}, {transform_indices = #map}]} {
    %mul3A = arith.constant 2 : i32
    %mul3A_0 = arith.muli %arg1, %mul3A : i32
    %add3A = arith.addi %mul3A_0, %arg0 : i32
    %mul3A_1 = arith.constant 256 : i32
    %mul3A_2 = arith.muli %add3A, %mul3A_1 : i32
    "tpu.region"() ({
      %run_scoped3A = tpu.sem_alloc : memref<!tpu.dma_semaphore, #tpu.memory_space<semaphore_mem>>
      %dma_start3A_97 = arith.constant 0 : i32
      %dma_start3A_98 = arith.constant 0 : i32
      %dma_start3A_99 = tpu.memref_slice %arg3[%add3A, %dma_start3A_97, %dma_start3A_98] : memref<32x4x64xi32, #tpu.memory_space<hbm>> -> memref<1x4x64xi32, #tpu.memory_space<hbm>>
      %dma_start3A_100 = tpu.memref_squeeze %dma_start3A_99 : memref<1x4x64xi32, #tpu.memory_space<hbm>> -> memref<4x64xi32, #tpu.memory_space<hbm>>
      %dma_start3A_101 = arith.constant 0 : i32
      %dma_start3A_102 = arith.constant 0 : i32
      %dma_start3A_103 = tpu.memref_slice %arg3[%add3A, %dma_start3A_101, %dma_start3A_102] : memref<32x4x64xi32, #tpu.memory_space<hbm>> -> memref<1x4x64xi32, #tpu.memory_space<hbm>>
      %dma_start3A_104 = tpu.memref_squeeze %dma_start3A_103 : memref<1x4x64xi32, #tpu.memory_space<hbm>> -> memref<4x64xi32, #tpu.memory_space<hbm>>
      tpu.enqueue_dma source(%dma_start3A_104 : memref<4x64xi32, #tpu.memory_space<hbm>>) target(%arg5 : memref<4x64xi32, #tpu.memory_space<vmem>>) target_semaphore(%run_scoped3A : memref<!tpu.dma_semaphore, #tpu.memory_space<semaphore_mem>>)
      %dma_wait3A_105 = arith.constant 0 : i32
      %dma_wait3A_106 = arith.constant 0 : i32
      %dma_wait3A_107 = tpu.memref_slice %arg3[%add3A, %dma_wait3A_105, %dma_wait3A_106] : memref<32x4x64xi32, #tpu.memory_space<hbm>> -> memref<1x4x64xi32, #tpu.memory_space<hbm>>
      %dma_wait3A_108 = tpu.memref_squeeze %dma_wait3A_107 : memref<1x4x64xi32, #tpu.memory_space<hbm>> -> memref<4x64xi32, #tpu.memory_space<hbm>>
      %dma_wait3A_109 = arith.constant 0 : i32
      %dma_wait3A_110 = arith.constant 0 : i32
      %dma_wait3A_111 = tpu.memref_slice %arg3[%add3A, %dma_wait3A_109, %dma_wait3A_110] : memref<32x4x64xi32, #tpu.memory_space<hbm>> -> memref<1x4x64xi32, #tpu.memory_space<hbm>>
      %dma_wait3A_112 = tpu.memref_squeeze %dma_wait3A_111 : memref<1x4x64xi32, #tpu.memory_space<hbm>> -> memref<4x64xi32, #tpu.memory_space<hbm>>
      tpu.wait_dma2 semaphore(%run_scoped3A : memref<!tpu.dma_semaphore, #tpu.memory_space<semaphore_mem>>) src(%dma_wait3A_112 : memref<4x64xi32, #tpu.memory_space<hbm>>) dst(%arg5 : memref<4x64xi32, #tpu.memory_space<vmem>>)
      tpu.yield
    }) : () -> ()
    %dma_start3A = arith.constant 0 : i32
    %dma_start3A_3 = arith.constant 0 : i32
    %dma_start3A_4 = tpu.memref_slice %arg5[%dma_start3A, %dma_start3A_3] : memref<4x64xi32, #tpu.memory_space<vmem>> -> memref<1x64xi32, #tpu.memory_space<vmem>>
    %dma_start3A_5 = tpu.memref_squeeze %dma_start3A_4 : memref<1x64xi32, #tpu.memory_space<vmem>> -> memref<64xi32, #tpu.memory_space<vmem>>
    %dma_start3A_6 = arith.constant 0 : i32
    %dma_start3A_7 = arith.constant 0 : i32
    %dma_start3A_8 = tpu.memref_slice %arg2[%dma_start3A_6, %dma_start3A_7] : memref<8192x768xf32, #tpu.memory_space<hbm>> -> memref<8192x768xf32, #tpu.memory_space<hbm>>
    tpu.enqueue_indirect_dma source(%dma_start3A_8 : memref<8192x768xf32, #tpu.memory_space<hbm>>) target(%arg6 : memref<64x768xf32, #tpu.memory_space<vmem>>) offsets(%dma_start3A_5 : memref<64xi32, #tpu.memory_space<vmem>>) semaphore(%arg8 : memref<!tpu.dma_semaphore, #tpu.memory_space<semaphore_mem>>)
    %dma_wait3A = arith.constant 0 : i32
    %dma_wait3A_9 = arith.constant 0 : i32
    %dma_wait3A_10 = tpu.memref_slice %arg5[%dma_wait3A, %dma_wait3A_9] : memref<4x64xi32, #tpu.memory_space<vmem>> -> memref<1x64xi32, #tpu.memory_space<vmem>>
    %dma_wait3A_11 = tpu.memref_squeeze %dma_wait3A_10 : memref<1x64xi32, #tpu.memory_space<vmem>> -> memref<64xi32, #tpu.memory_space<vmem>>
    %dma_wait3A_12 = arith.constant 0 : i32
    %dma_wait3A_13 = arith.constant 0 : i32
    %dma_wait3A_14 = tpu.memref_slice %arg2[%dma_wait3A_12, %dma_wait3A_13] : memref<8192x768xf32, #tpu.memory_space<hbm>> -> memref<8192x768xf32, #tpu.memory_space<hbm>>
    tpu.wait_indirect_dma semaphore(%arg8 : memref<!tpu.dma_semaphore, #tpu.memory_space<semaphore_mem>>) src(%dma_wait3A_14 : memref<8192x768xf32, #tpu.memory_space<hbm>>) dst(%arg6 : memref<64x768xf32, #tpu.memory_space<vmem>>)
    %dma_start3A_15 = arith.constant 1 : i32
    %dma_start3A_16 = arith.constant 0 : i32
    %dma_start3A_17 = tpu.memref_slice %arg5[%dma_start3A_15, %dma_start3A_16] : memref<4x64xi32, #tpu.memory_space<vmem>> -> memref<1x64xi32, #tpu.memory_space<vmem>>
    %dma_start3A_18 = tpu.memref_squeeze %dma_start3A_17 : memref<1x64xi32, #tpu.memory_space<vmem>> -> memref<64xi32, #tpu.memory_space<vmem>>
    %dma_start3A_19 = arith.constant 0 : i32
    %dma_start3A_20 = arith.constant 0 : i32
    %dma_start3A_21 = tpu.memref_slice %arg2[%dma_start3A_19, %dma_start3A_20] : memref<8192x768xf32, #tpu.memory_space<hbm>> -> memref<8192x768xf32, #tpu.memory_space<hbm>>
    tpu.enqueue_indirect_dma source(%dma_start3A_21 : memref<8192x768xf32, #tpu.memory_space<hbm>>) target(%arg7 : memref<64x768xf32, #tpu.memory_space<vmem>>) offsets(%dma_start3A_18 : memref<64xi32, #tpu.memory_space<vmem>>) semaphore(%arg9 : memref<!tpu.dma_semaphore, #tpu.memory_space<semaphore_mem>>)
    %add3A_22 = arith.constant 0 : i32
    %add3A_23 = arith.addi %mul3A_2, %add3A_22 : i32
    %dma_start3A_24 = arith.constant 0 : i32
    %dma_start3A_25 = tpu.memref_slice %arg4[%add3A_23, %dma_start3A_24] : memref<8192x768xf32, #tpu.memory_space<hbm>> -> memref<64x768xf32, #tpu.memory_space<hbm>>
    %dma_start3A_26 = arith.constant 0 : i32
    %dma_start3A_27 = tpu.memref_slice %arg4[%add3A_23, %dma_start3A_26] : memref<8192x768xf32, #tpu.memory_space<hbm>> -> memref<64x768xf32, #tpu.memory_space<hbm>>
    tpu.enqueue_dma source(%arg6 : memref<64x768xf32, #tpu.memory_space<vmem>>) target(%dma_start3A_27 : memref<64x768xf32, #tpu.memory_space<hbm>>) target_semaphore(%arg10 : memref<!tpu.dma_semaphore, #tpu.memory_space<semaphore_mem>>)
    %dma_wait3A_28 = arith.constant 1 : i32
    %dma_wait3A_29 = arith.constant 0 : i32
    %dma_wait3A_30 = tpu.memref_slice %arg5[%dma_wait3A_28, %dma_wait3A_29] : memref<4x64xi32, #tpu.memory_space<vmem>> -> memref<1x64xi32, #tpu.memory_space<vmem>>
    %dma_wait3A_31 = tpu.memref_squeeze %dma_wait3A_30 : memref<1x64xi32, #tpu.memory_space<vmem>> -> memref<64xi32, #tpu.memory_space<vmem>>
    %dma_wait3A_32 = arith.constant 0 : i32
    %dma_wait3A_33 = arith.constant 0 : i32
    %dma_wait3A_34 = tpu.memref_slice %arg2[%dma_wait3A_32, %dma_wait3A_33] : memref<8192x768xf32, #tpu.memory_space<hbm>> -> memref<8192x768xf32, #tpu.memory_space<hbm>>
    tpu.wait_indirect_dma semaphore(%arg9 : memref<!tpu.dma_semaphore, #tpu.memory_space<semaphore_mem>>) src(%dma_wait3A_34 : memref<8192x768xf32, #tpu.memory_space<hbm>>) dst(%arg7 : memref<64x768xf32, #tpu.memory_space<vmem>>)
    %dma_wait3A_35 = arith.constant 0 : i32
    %dma_wait3A_36 = tpu.memref_slice %arg4[%add3A_23, %dma_wait3A_35] : memref<8192x768xf32, #tpu.memory_space<hbm>> -> memref<64x768xf32, #tpu.memory_space<hbm>>
    %dma_wait3A_37 = arith.constant 0 : i32
    %dma_wait3A_38 = tpu.memref_slice %arg4[%add3A_23, %dma_wait3A_37] : memref<8192x768xf32, #tpu.memory_space<hbm>> -> memref<64x768xf32, #tpu.memory_space<hbm>>
    tpu.wait_dma2 semaphore(%arg10 : memref<!tpu.dma_semaphore, #tpu.memory_space<semaphore_mem>>) src(%arg6 : memref<64x768xf32, #tpu.memory_space<vmem>>) dst(%dma_wait3A_38 : memref<64x768xf32, #tpu.memory_space<hbm>>)
    %dma_start3A_39 = arith.constant 2 : i32
    %dma_start3A_40 = arith.constant 0 : i32
    %dma_start3A_41 = tpu.memref_slice %arg5[%dma_start3A_39, %dma_start3A_40] : memref<4x64xi32, #tpu.memory_space<vmem>> -> memref<1x64xi32, #tpu.memory_space<vmem>>
    %dma_start3A_42 = tpu.memref_squeeze %dma_start3A_41 : memref<1x64xi32, #tpu.memory_space<vmem>> -> memref<64xi32, #tpu.memory_space<vmem>>
    %dma_start3A_43 = arith.constant 0 : i32
    %dma_start3A_44 = arith.constant 0 : i32
    %dma_start3A_45 = tpu.memref_slice %arg2[%dma_start3A_43, %dma_start3A_44] : memref<8192x768xf32, #tpu.memory_space<hbm>> -> memref<8192x768xf32, #tpu.memory_space<hbm>>
    tpu.enqueue_indirect_dma source(%dma_start3A_45 : memref<8192x768xf32, #tpu.memory_space<hbm>>) target(%arg6 : memref<64x768xf32, #tpu.memory_space<vmem>>) offsets(%dma_start3A_42 : memref<64xi32, #tpu.memory_space<vmem>>) semaphore(%arg8 : memref<!tpu.dma_semaphore, #tpu.memory_space<semaphore_mem>>)
    %add3A_46 = arith.constant 64 : i32
    %add3A_47 = arith.addi %mul3A_2, %add3A_46 : i32
    %dma_start3A_48 = arith.constant 0 : i32
    %dma_start3A_49 = tpu.memref_slice %arg4[%add3A_47, %dma_start3A_48] : memref<8192x768xf32, #tpu.memory_space<hbm>> -> memref<64x768xf32, #tpu.memory_space<hbm>>
    %dma_start3A_50 = arith.constant 0 : i32
    %dma_start3A_51 = tpu.memref_slice %arg4[%add3A_47, %dma_start3A_50] : memref<8192x768xf32, #tpu.memory_space<hbm>> -> memref<64x768xf32, #tpu.memory_space<hbm>>
    tpu.enqueue_dma source(%arg7 : memref<64x768xf32, #tpu.memory_space<vmem>>) target(%dma_start3A_51 : memref<64x768xf32, #tpu.memory_space<hbm>>) target_semaphore(%arg11 : memref<!tpu.dma_semaphore, #tpu.memory_space<semaphore_mem>>)
    %dma_wait3A_52 = arith.constant 2 : i32
    %dma_wait3A_53 = arith.constant 0 : i32
    %dma_wait3A_54 = tpu.memref_slice %arg5[%dma_wait3A_52, %dma_wait3A_53] : memref<4x64xi32, #tpu.memory_space<vmem>> -> memref<1x64xi32, #tpu.memory_space<vmem>>
    %dma_wait3A_55 = tpu.memref_squeeze %dma_wait3A_54 : memref<1x64xi32, #tpu.memory_space<vmem>> -> memref<64xi32, #tpu.memory_space<vmem>>
    %dma_wait3A_56 = arith.constant 0 : i32
    %dma_wait3A_57 = arith.constant 0 : i32
    %dma_wait3A_58 = tpu.memref_slice %arg2[%dma_wait3A_56, %dma_wait3A_57] : memref<8192x768xf32, #tpu.memory_space<hbm>> -> memref<8192x768xf32, #tpu.memory_space<hbm>>
    tpu.wait_indirect_dma semaphore(%arg8 : memref<!tpu.dma_semaphore, #tpu.memory_space<semaphore_mem>>) src(%dma_wait3A_58 : memref<8192x768xf32, #tpu.memory_space<hbm>>) dst(%arg6 : memref<64x768xf32, #tpu.memory_space<vmem>>)
    %dma_wait3A_59 = arith.constant 0 : i32
    %dma_wait3A_60 = tpu.memref_slice %arg4[%add3A_47, %dma_wait3A_59] : memref<8192x768xf32, #tpu.memory_space<hbm>> -> memref<64x768xf32, #tpu.memory_space<hbm>>
    %dma_wait3A_61 = arith.constant 0 : i32
    %dma_wait3A_62 = tpu.memref_slice %arg4[%add3A_47, %dma_wait3A_61] : memref<8192x768xf32, #tpu.memory_space<hbm>> -> memref<64x768xf32, #tpu.memory_space<hbm>>
    tpu.wait_dma2 semaphore(%arg11 : memref<!tpu.dma_semaphore, #tpu.memory_space<semaphore_mem>>) src(%arg7 : memref<64x768xf32, #tpu.memory_space<vmem>>) dst(%dma_wait3A_62 : memref<64x768xf32, #tpu.memory_space<hbm>>)
    %dma_start3A_63 = arith.constant 3 : i32
    %dma_start3A_64 = arith.constant 0 : i32
    %dma_start3A_65 = tpu.memref_slice %arg5[%dma_start3A_63, %dma_start3A_64] : memref<4x64xi32, #tpu.memory_space<vmem>> -> memref<1x64xi32, #tpu.memory_space<vmem>>
    %dma_start3A_66 = tpu.memref_squeeze %dma_start3A_65 : memref<1x64xi32, #tpu.memory_space<vmem>> -> memref<64xi32, #tpu.memory_space<vmem>>
    %dma_start3A_67 = arith.constant 0 : i32
    %dma_start3A_68 = arith.constant 0 : i32
    %dma_start3A_69 = tpu.memref_slice %arg2[%dma_start3A_67, %dma_start3A_68] : memref<8192x768xf32, #tpu.memory_space<hbm>> -> memref<8192x768xf32, #tpu.memory_space<hbm>>
    tpu.enqueue_indirect_dma source(%dma_start3A_69 : memref<8192x768xf32, #tpu.memory_space<hbm>>) target(%arg7 : memref<64x768xf32, #tpu.memory_space<vmem>>) offsets(%dma_start3A_66 : memref<64xi32, #tpu.memory_space<vmem>>) semaphore(%arg9 : memref<!tpu.dma_semaphore, #tpu.memory_space<semaphore_mem>>)
    %add3A_70 = arith.constant 128 : i32
    %add3A_71 = arith.addi %mul3A_2, %add3A_70 : i32
    %dma_start3A_72 = arith.constant 0 : i32
    %dma_start3A_73 = tpu.memref_slice %arg4[%add3A_71, %dma_start3A_72] : memref<8192x768xf32, #tpu.memory_space<hbm>> -> memref<64x768xf32, #tpu.memory_space<hbm>>
    %dma_start3A_74 = arith.constant 0 : i32
    %dma_start3A_75 = tpu.memref_slice %arg4[%add3A_71, %dma_start3A_74] : memref<8192x768xf32, #tpu.memory_space<hbm>> -> memref<64x768xf32, #tpu.memory_space<hbm>>
    tpu.enqueue_dma source(%arg6 : memref<64x768xf32, #tpu.memory_space<vmem>>) target(%dma_start3A_75 : memref<64x768xf32, #tpu.memory_space<hbm>>) target_semaphore(%arg10 : memref<!tpu.dma_semaphore, #tpu.memory_space<semaphore_mem>>)
    %dma_wait3A_76 = arith.constant 3 : i32
    %dma_wait3A_77 = arith.constant 0 : i32
    %dma_wait3A_78 = tpu.memref_slice %arg5[%dma_wait3A_76, %dma_wait3A_77] : memref<4x64xi32, #tpu.memory_space<vmem>> -> memref<1x64xi32, #tpu.memory_space<vmem>>
    %dma_wait3A_79 = tpu.memref_squeeze %dma_wait3A_78 : memref<1x64xi32, #tpu.memory_space<vmem>> -> memref<64xi32, #tpu.memory_space<vmem>>
    %dma_wait3A_80 = arith.constant 0 : i32
    %dma_wait3A_81 = arith.constant 0 : i32
    %dma_wait3A_82 = tpu.memref_slice %arg2[%dma_wait3A_80, %dma_wait3A_81] : memref<8192x768xf32, #tpu.memory_space<hbm>> -> memref<8192x768xf32, #tpu.memory_space<hbm>>
    tpu.wait_indirect_dma semaphore(%arg9 : memref<!tpu.dma_semaphore, #tpu.memory_space<semaphore_mem>>) src(%dma_wait3A_82 : memref<8192x768xf32, #tpu.memory_space<hbm>>) dst(%arg7 : memref<64x768xf32, #tpu.memory_space<vmem>>)
    %add3A_83 = arith.constant 192 : i32
    %add3A_84 = arith.addi %mul3A_2, %add3A_83 : i32
    %dma_start3A_85 = arith.constant 0 : i32
    %dma_start3A_86 = tpu.memref_slice %arg4[%add3A_84, %dma_start3A_85] : memref<8192x768xf32, #tpu.memory_space<hbm>> -> memref<64x768xf32, #tpu.memory_space<hbm>>
    %dma_start3A_87 = arith.constant 0 : i32
    %dma_start3A_88 = tpu.memref_slice %arg4[%add3A_84, %dma_start3A_87] : memref<8192x768xf32, #tpu.memory_space<hbm>> -> memref<64x768xf32, #tpu.memory_space<hbm>>
    tpu.enqueue_dma source(%arg7 : memref<64x768xf32, #tpu.memory_space<vmem>>) target(%dma_start3A_88 : memref<64x768xf32, #tpu.memory_space<hbm>>) target_semaphore(%arg11 : memref<!tpu.dma_semaphore, #tpu.memory_space<semaphore_mem>>)
    %dma_wait3A_89 = arith.constant 0 : i32
    %dma_wait3A_90 = tpu.memref_slice %arg4[%add3A_71, %dma_wait3A_89] : memref<8192x768xf32, #tpu.memory_space<hbm>> -> memref<64x768xf32, #tpu.memory_space<hbm>>
    %dma_wait3A_91 = arith.constant 0 : i32
    %dma_wait3A_92 = tpu.memref_slice %arg4[%add3A_71, %dma_wait3A_91] : memref<8192x768xf32, #tpu.memory_space<hbm>> -> memref<64x768xf32, #tpu.memory_space<hbm>>
    tpu.wait_dma2 semaphore(%arg10 : memref<!tpu.dma_semaphore, #tpu.memory_space<semaphore_mem>>) src(%arg6 : memref<64x768xf32, #tpu.memory_space<vmem>>) dst(%dma_wait3A_92 : memref<64x768xf32, #tpu.memory_space<hbm>>)
    %dma_wait3A_93 = arith.constant 0 : i32
    %dma_wait3A_94 = tpu.memref_slice %arg4[%add3A_84, %dma_wait3A_93] : memref<8192x768xf32, #tpu.memory_space<hbm>> -> memref<64x768xf32, #tpu.memory_space<hbm>>
    %dma_wait3A_95 = arith.constant 0 : i32
    %dma_wait3A_96 = tpu.memref_slice %arg4[%add3A_84, %dma_wait3A_95] : memref<8192x768xf32, #tpu.memory_space<hbm>> -> memref<64x768xf32, #tpu.memory_space<hbm>>
    tpu.wait_dma2 semaphore(%arg11 : memref<!tpu.dma_semaphore, #tpu.memory_space<semaphore_mem>>) src(%arg7 : memref<64x768xf32, #tpu.memory_space<vmem>>) dst(%dma_wait3A_96 : memref<64x768xf32, #tpu.memory_space<hbm>>)
    return
  }
}

module attributes {stable_mosaic.version = 14 : i64} {
  func.func @_route_body(%arg0: i32, %arg1: memref<1024x768xf32, #tpu.memory_space<vmem>>, %arg2: memref<768x384xf32, #tpu.memory_space<vmem>>, %arg3: memref<1x384xf32, #tpu.memory_space<vmem>>, %arg4: memref<384x128xf32, #tpu.memory_space<vmem>>, %arg5: memref<1x128xf32, #tpu.memory_space<vmem>>, %arg6: memref<1x1024x1xf32, #tpu.memory_space<vmem>>, %arg7: memref<8x128xf32, #tpu.memory_space<vmem>>, %arg8: memref<1x128xf32, #tpu.memory_space<vmem>>) attributes {dimension_semantics = [#tpu.dimension_semantics<arbitrary>], iteration_bounds = array<i64: 8>, scalar_prefetch = 0 : i64, scratch_operands = 1 : i64, tpu.core_type = #tpu.core_type<tc>, window_params = [{transform_indices = @transform_0, window_bounds = array<i64: 1024, 768>}, {pipeline_mode = #tpu.pipeline_mode<synchronous>, transform_indices = @transform_1, window_bounds = array<i64: 768, 384>}, {pipeline_mode = #tpu.pipeline_mode<synchronous>, transform_indices = @transform_2, window_bounds = array<i64: 1, 384>}, {pipeline_mode = #tpu.pipeline_mode<synchronous>, transform_indices = @transform_3, window_bounds = array<i64: 384, 128>}, {pipeline_mode = #tpu.pipeline_mode<synchronous>, transform_indices = @transform_4, window_bounds = array<i64: 1, 128>}, {transform_indices = @transform_5, window_bounds = array<i64: 1, 1024, 1>}, {pipeline_mode = #tpu.pipeline_mode<synchronous>, transform_indices = @transform_6, window_bounds = array<i64: 8, 128>}]} {
    %eq3A = arith.constant 0 : i32
    %eq3A_0 = arith.cmpi eq, %arg0, %eq3A : i32
    %convert_element_type3A = arith.extui %eq3A_0 : i1 to i32
    %cond3A = arith.constant 0 : i32
    %cond3A_1 = arith.cmpi ne, %convert_element_type3A, %cond3A : i32
    scf.if %cond3A_1 {
      %broadcast_in_dim3A_107 = arith.constant 0.000000e+00 : f32
      %broadcast_in_dim3A_108 = vector.broadcast %broadcast_in_dim3A_107 : f32 to vector<1x128xf32>
      %swap3A_109 = arith.constant 0 : index
      %swap3A_110 = arith.constant 0 : index
      %swap3A_111 = vector.load %arg8[%swap3A_109, %swap3A_110] : memref<1x128xf32, #tpu.memory_space<vmem>>, vector<1x128xf32>
      tpu.vector_store %arg8[%swap3A_109, %swap3A_110], %broadcast_in_dim3A_108 {strides = array<i32>} : memref<1x128xf32, #tpu.memory_space<vmem>>, vector<1x128xf32>,
    } else {
    }
    %get3A = arith.constant 0 : index
    %get3A_2 = arith.constant 0 : index
    %get3A_3 = vector.load %arg1[%get3A, %get3A_2] : memref<1024x768xf32, #tpu.memory_space<vmem>>, vector<1024x768xf32>
    %get3A_4 = arith.constant 0 : index
    %get3A_5 = arith.constant 0 : index
    %get3A_6 = vector.load %arg2[%get3A_4, %get3A_5] : memref<768x384xf32, #tpu.memory_space<vmem>>, vector<768x384xf32>
    %dot_general3A = arith.constant dense<0.000000e+00> : vector<1024x384xf32>
    %dot_general3A_7 = tpu.matmul %get3A_3, %get3A_6, %dot_general3A {dimension_numbers = #tpu.dot_dimension_numbers<[1], [0], [0], [1], [0, 0, 1, 1], [], []>, transpose_lhs_hint = false} : vector<1024x768xf32>, vector<768x384xf32>, vector<1024x384xf32> -> vector<1024x384xf32>
    %get3A_8 = arith.constant 0 : index
    %get3A_9 = arith.constant 0 : index
    %get3A_10 = vector.load %arg3[%get3A_8, %get3A_9] : memref<1x384xf32, #tpu.memory_space<vmem>>, vector<1x384xf32>
    %add3A = vector.broadcast %get3A_10 : vector<1x384xf32> to vector<1024x384xf32>
    %add3A_11 = arith.addf %dot_general3A_7, %add3A : vector<1024x384xf32>
    %max3A = arith.constant 0.000000e+00 : f32
    %max3A_12 = vector.broadcast %max3A : f32 to vector<1024x384xf32>
    %max3A_13 = arith.maximumf %add3A_11, %max3A_12 : vector<1024x384xf32>
    %get3A_14 = arith.constant 0 : index
    %get3A_15 = arith.constant 0 : index
    %get3A_16 = vector.load %arg4[%get3A_14, %get3A_15] : memref<384x128xf32, #tpu.memory_space<vmem>>, vector<384x128xf32>
    %dot_general3A_17 = arith.constant dense<0.000000e+00> : vector<1024x128xf32>
    %dot_general3A_18 = tpu.matmul %max3A_13, %get3A_16, %dot_general3A_17 {dimension_numbers = #tpu.dot_dimension_numbers<[1], [0], [0], [1], [0, 0, 1, 1], [], []>, transpose_lhs_hint = false} : vector<1024x384xf32>, vector<384x128xf32>, vector<1024x128xf32> -> vector<1024x128xf32>
    %get3A_19 = arith.constant 0 : index
    %get3A_20 = arith.constant 0 : index
    %get3A_21 = vector.load %arg5[%get3A_19, %get3A_20] : memref<1x128xf32, #tpu.memory_space<vmem>>, vector<1x128xf32>
    %add3A_22 = vector.broadcast %get3A_21 : vector<1x128xf32> to vector<1024x128xf32>
    %add3A_23 = arith.addf %dot_general3A_18, %add3A_22 : vector<1024x128xf32>
    %reduce_max3A = arith.constant dense<0xFF800000> : vector<1024xf32>
    %reduce_max3A_24 = vector.multi_reduction <maximumf>, %add3A_23, %reduce_max3A [1] : vector<1024x128xf32> to vector<1024xf32>
    %broadcast_in_dim3A = vector.shape_cast %reduce_max3A_24 : vector<1024xf32> to vector<1024x1xf32>
    %sub3A = vector.broadcast %broadcast_in_dim3A : vector<1024x1xf32> to vector<1024x128xf32>
    %sub3A_25 = arith.subf %add3A_23, %sub3A : vector<1024x128xf32>
    %exp3A = math.exp %sub3A_25 : vector<1024x128xf32>
    %reduce_sum3A = arith.constant dense<0.000000e+00> : vector<1024xf32>
    %reduce_sum3A_26 = vector.multi_reduction <add>, %exp3A, %reduce_sum3A [1] : vector<1024x128xf32> to vector<1024xf32>
    %broadcast_in_dim3A_27 = vector.shape_cast %reduce_sum3A_26 : vector<1024xf32> to vector<1024x1xf32>
    %div3A = vector.broadcast %broadcast_in_dim3A_27 : vector<1024x1xf32> to vector<1024x128xf32>
    %div3A_28 = arith.divf %exp3A, %div3A : vector<1024x128xf32>
    %argmax3A = tpu.reduce_index %div3A_28 {axis = 1 : i32, kind = #tpu.reduction_kind<arg_max>} : vector<1024x128xf32> -> vector<1024xi32>
    %broadcast_in_dim3A_29 = vector.shape_cast %argmax3A : vector<1024xi32> to vector<1024x1xi32>
    %iota3A = tpu.iota {dimensions = array<i32: 1>} : vector<1024x128xi32>
    %eq3A_30 = vector.broadcast %broadcast_in_dim3A_29 : vector<1024x1xi32> to vector<1024x128xi32>
    %eq3A_31 = arith.cmpi eq, %iota3A, %eq3A_30 : vector<1024x128xi32>
    %convert_element_type3A_32 = arith.extui %eq3A_31 : vector<1024x128xi1> to vector<1024x128xi32>
    %convert_element_type3A_33 = arith.sitofp %convert_element_type3A_32 : vector<1024x128xi32> to vector<1024x128xf32>
    %iota3A_34 = tpu.iota {dimensions = array<i32: 0>} : vector<1024x1024xi32>
    %iota3A_35 = tpu.iota {dimensions = array<i32: 1>} : vector<1024x1024xi32>
    %gt3A = arith.cmpi sgt, %iota3A_34, %iota3A_35 : vector<1024x1024xi32>
    %convert_element_type3A_36 = arith.extui %gt3A : vector<1024x1024xi1> to vector<1024x1024xi32>
    %convert_element_type3A_37 = arith.sitofp %convert_element_type3A_36 : vector<1024x1024xi32> to vector<1024x1024xf32>
    %dot_general3A_38 = arith.constant dense<0.000000e+00> : vector<1024x128xf32>
    %dot_general3A_39 = tpu.matmul %convert_element_type3A_37, %convert_element_type3A_33, %dot_general3A_38 {dimension_numbers = #tpu.dot_dimension_numbers<[1], [0], [0], [1], [0, 0, 1, 1], [], []>, transpose_lhs_hint = false} : vector<1024x1024xf32>, vector<1024x128xf32>, vector<1024x128xf32> -> vector<1024x128xf32>
    %get3A_40 = arith.constant 0 : index
    %get3A_41 = arith.constant 0 : index
    %get3A_42 = vector.load %arg8[%get3A_40, %get3A_41] : memref<1x128xf32, #tpu.memory_space<vmem>>, vector<1x128xf32>
    %add3A_43 = vector.broadcast %get3A_42 : vector<1x128xf32> to vector<1024x128xf32>
    %add3A_44 = arith.addf %dot_general3A_39, %add3A_43 : vector<1024x128xf32>
    %mul3A = arith.mulf %convert_element_type3A_33, %add3A_44 : vector<1024x128xf32>
    %reduce_sum3A_45 = arith.constant dense<0.000000e+00> : vector<1024xf32>
    %reduce_sum3A_46 = vector.multi_reduction <add>, %mul3A, %reduce_sum3A_45 [1] : vector<1024x128xf32> to vector<1024xf32>
    %broadcast_in_dim3A_47 = vector.shape_cast %reduce_sum3A_46 : vector<1024xf32> to vector<1024x1xf32>
    %convert_element_type3A_48 = arith.sitofp %broadcast_in_dim3A_29 : vector<1024x1xi32> to vector<1024x1xf32>
    %mul3A_49 = arith.constant 8.192000e+03 : f32
    %mul3A_50 = vector.broadcast %mul3A_49 : f32 to vector<1024x1xf32>
    %mul3A_51 = arith.mulf %convert_element_type3A_48, %mul3A_50 : vector<1024x1xf32>
    %add3A_52 = arith.addf %broadcast_in_dim3A_47, %mul3A_51 : vector<1024x1xf32>
    %swap3A = arith.constant 0 : index
    %swap3A_53 = arith.constant 0 : index
    %swap3A_54 = arith.constant 0 : index
    %swap3A_55 = vector.load %arg6[%swap3A, %swap3A_53, %swap3A_54] : memref<1x1024x1xf32, #tpu.memory_space<vmem>>, vector<1x1024x1xf32>
    %swap3A_56 = vector.shape_cast %swap3A_55 : vector<1x1024x1xf32> to vector<1024x1xf32>
    %swap3A_57 = vector.shape_cast %add3A_52 : vector<1024x1xf32> to vector<1x1024x1xf32>
    tpu.vector_store %arg6[%swap3A, %swap3A_53, %swap3A_54], %swap3A_57 {strides = array<i32>} : memref<1x1024x1xf32, #tpu.memory_space<vmem>>, vector<1x1024x1xf32>,
    %reduce_sum3A_58 = arith.constant dense<0.000000e+00> : vector<128xf32>
    %reduce_sum3A_59 = vector.multi_reduction <add>, %convert_element_type3A_33, %reduce_sum3A_58 [0] : vector<1024x128xf32> to vector<128xf32>
    %broadcast_in_dim3A_60 = vector.shape_cast %reduce_sum3A_59 : vector<128xf32> to vector<1x128xf32>
    %add3A_61 = arith.addf %get3A_42, %broadcast_in_dim3A_60 : vector<1x128xf32>
    %swap3A_62 = arith.constant 0 : index
    %swap3A_63 = arith.constant 0 : index
    %swap3A_64 = vector.load %arg8[%swap3A_62, %swap3A_63] : memref<1x128xf32, #tpu.memory_space<vmem>>, vector<1x128xf32>
    tpu.vector_store %arg8[%swap3A_62, %swap3A_63], %add3A_61 {strides = array<i32>} : memref<1x128xf32, #tpu.memory_space<vmem>>, vector<1x128xf32>,
    %iota3A_65 = tpu.iota {dimensions = array<i32: 1>} : vector<1x128xi32>
    %slice3A = vector.extract_strided_slice %add3A_61 {offsets = [0, 127], sizes = [1, 1], strides = [1, 1]} : vector<1x128xf32> to vector<1x1xf32>
    %slice3A_66 = vector.extract_strided_slice %add3A_61 {offsets = [0, 0], sizes = [1, 127], strides = [1, 1]} : vector<1x128xf32> to vector<1x127xf32>
    %concatenate3A = tpu.concatenate %slice3A, %slice3A_66 in 1 : vector<1x1xf32>, vector<1x127xf32> -> vector<1x128xf32>
    %ge3A = arith.constant 1 : i32
    %ge3A_67 = vector.broadcast %ge3A : i32 to vector<1x128xi32>
    %ge3A_68 = arith.cmpi sge, %iota3A_65, %ge3A_67 : vector<1x128xi32>
    %jit3A = arith.constant 0.000000e+00 : f32
    %broadcast_in_dim3A_69 = vector.broadcast %jit3A : f32 to vector<1x128xf32>
    %select_n3A = arith.select %ge3A_68, %concatenate3A, %broadcast_in_dim3A_69 : vector<1x128xi1>, vector<1x128xf32>
    %add3A_70 = arith.addf %add3A_61, %select_n3A : vector<1x128xf32>
    %slice3A_71 = vector.extract_strided_slice %add3A_70 {offsets = [0, 126], sizes = [1, 2], strides = [1, 1]} : vector<1x128xf32> to vector<1x2xf32>
    %slice3A_72 = vector.extract_strided_slice %add3A_70 {offsets = [0, 0], sizes = [1, 126], strides = [1, 1]} : vector<1x128xf32> to vector<1x126xf32>
    %concatenate3A_73 = tpu.concatenate %slice3A_71, %slice3A_72 in 1 : vector<1x2xf32>, vector<1x126xf32> -> vector<1x128xf32>
    %ge3A_74 = arith.constant 2 : i32
    %ge3A_75 = vector.broadcast %ge3A_74 : i32 to vector<1x128xi32>
    %ge3A_76 = arith.cmpi sge, %iota3A_65, %ge3A_75 : vector<1x128xi32>
    %jit3A_77 = arith.constant 0.000000e+00 : f32
    %broadcast_in_dim3A_78 = vector.broadcast %jit3A_77 : f32 to vector<1x128xf32>
    %select_n3A_79 = arith.select %ge3A_76, %concatenate3A_73, %broadcast_in_dim3A_78 : vector<1x128xi1>, vector<1x128xf32>
    %add3A_80 = arith.addf %add3A_70, %select_n3A_79 : vector<1x128xf32>
    %slice3A_81 = vector.extract_strided_slice %add3A_80 {offsets = [0, 124], sizes = [1, 4], strides = [1, 1]} : vector<1x128xf32> to vector<1x4xf32>
    %slice3A_82 = vector.extract_strided_slice %add3A_80 {offsets = [0, 0], sizes = [1, 124], strides = [1, 1]} : vector<1x128xf32> to vector<1x124xf32>
    %concatenate3A_83 = tpu.concatenate %slice3A_81, %slice3A_82 in 1 : vector<1x4xf32>, vector<1x124xf32> -> vector<1x128xf32>
    %ge3A_84 = arith.constant 4 : i32
    %ge3A_85 = vector.broadcast %ge3A_84 : i32 to vector<1x128xi32>
    %ge3A_86 = arith.cmpi sge, %iota3A_65, %ge3A_85 : vector<1x128xi32>
    %jit3A_87 = arith.constant 0.000000e+00 : f32
    %broadcast_in_dim3A_88 = vector.broadcast %jit3A_87 : f32 to vector<1x128xf32>
    %select_n3A_89 = arith.select %ge3A_86, %concatenate3A_83, %broadcast_in_dim3A_88 : vector<1x128xi1>, vector<1x128xf32>
    %add3A_90 = arith.addf %add3A_80, %select_n3A_89 : vector<1x128xf32>
    %slice3A_91 = vector.extract_strided_slice %add3A_90 {offsets = [0, 120], sizes = [1, 8], strides = [1, 1]} : vector<1x128xf32> to vector<1x8xf32>
    %slice3A_92 = vector.extract_strided_slice %add3A_90 {offsets = [0, 0], sizes = [1, 120], strides = [1, 1]} : vector<1x128xf32> to vector<1x120xf32>
    %concatenate3A_93 = tpu.concatenate %slice3A_91, %slice3A_92 in 1 : vector<1x8xf32>, vector<1x120xf32> -> vector<1x128xf32>
    %ge3A_94 = arith.constant 8 : i32
    %ge3A_95 = vector.broadcast %ge3A_94 : i32 to vector<1x128xi32>
    %ge3A_96 = arith.cmpi sge, %iota3A_65, %ge3A_95 : vector<1x128xi32>
    %jit3A_97 = arith.constant 0.000000e+00 : f32
    %broadcast_in_dim3A_98 = vector.broadcast %jit3A_97 : f32 to vector<1x128xf32>
    %select_n3A_99 = arith.select %ge3A_96, %concatenate3A_93, %broadcast_in_dim3A_98 : vector<1x128xi1>, vector<1x128xf32>
    %add3A_100 = arith.addf %add3A_90, %select_n3A_99 : vector<1x128xf32>
    %sub3A_101 = arith.subf %add3A_100, %add3A_61 : vector<1x128xf32>
    %broadcast_in_dim3A_102 = vector.shape_cast %sub3A_101 : vector<1x128xf32> to vector<1x128xf32>
    %broadcast_in_dim3A_103 = vector.broadcast %broadcast_in_dim3A_102 : vector<1x128xf32> to vector<8x128xf32>
    %swap3A_104 = arith.constant 0 : index
    %swap3A_105 = arith.constant 0 : index
    %swap3A_106 = vector.load %arg7[%swap3A_104, %swap3A_105] : memref<8x128xf32, #tpu.memory_space<vmem>>, vector<8x128xf32>
    tpu.vector_store %arg7[%swap3A_104, %swap3A_105], %broadcast_in_dim3A_103 {strides = array<i32>} : memref<8x128xf32, #tpu.memory_space<vmem>>, vector<8x128xf32>,
    return
  }
  func.func @transform_0(%arg0: i32) -> (i32, i32) {
    %c0_i32 = arith.constant 0 : i32
    %c0_i32_0 = arith.constant 0 : i32
    return %arg0, %c0_i32 : i32, i32
  }
  func.func @transform_1(%arg0: i32) -> (i32, i32) {
    %c0_i32 = arith.constant 0 : i32
    %c0_i32_0 = arith.constant 0 : i32
    %c0_i32_1 = arith.constant 0 : i32
    return %c0_i32, %c0_i32_0 : i32, i32
  }
  func.func @transform_2(%arg0: i32) -> (i32, i32) {
    %c0_i32 = arith.constant 0 : i32
    %c0_i32_0 = arith.constant 0 : i32
    %c0_i32_1 = arith.constant 0 : i32
    return %c0_i32, %c0_i32_0 : i32, i32
  }
  func.func @transform_3(%arg0: i32) -> (i32, i32) {
    %c0_i32 = arith.constant 0 : i32
    %c0_i32_0 = arith.constant 0 : i32
    %c0_i32_1 = arith.constant 0 : i32
    return %c0_i32, %c0_i32_0 : i32, i32
  }
  func.func @transform_4(%arg0: i32) -> (i32, i32) {
    %c0_i32 = arith.constant 0 : i32
    %c0_i32_0 = arith.constant 0 : i32
    %c0_i32_1 = arith.constant 0 : i32
    return %c0_i32, %c0_i32_0 : i32, i32
  }
  func.func @transform_5(%arg0: i32) -> (i32, i32, i32) {
    %c0_i32 = arith.constant 0 : i32
    %c0_i32_0 = arith.constant 0 : i32
    %c0_i32_1 = arith.constant 0 : i32
    return %arg0, %c0_i32, %c0_i32_0 : i32, i32, i32
  }
  func.func @transform_6(%arg0: i32) -> (i32, i32) {
    %c0_i32 = arith.constant 0 : i32
    %c0_i32_0 = arith.constant 0 : i32
    %c0_i32_1 = arith.constant 0 : i32
    return %c0_i32, %c0_i32_0 : i32, i32
  }
}

module attributes {stable_mosaic.version = 14 : i64} {
  func.func @_expert_body(%arg0: i32, %arg1: memref<512x768xf32, #tpu.memory_space<vmem>>, %arg2: memref<16xi32, #tpu.memory_space<smem>>, %arg3: memref<8x768x768xf32, #tpu.memory_space<vmem>>, %arg4: memref<8x768xf32, #tpu.memory_space<vmem>>, %arg5: memref<512x768xf32, #tpu.memory_space<vmem>>) attributes {dimension_semantics = [#tpu.dimension_semantics<arbitrary>], iteration_bounds = array<i64: 16>, scalar_prefetch = 0 : i64, scratch_operands = 0 : i64, tpu.core_type = #tpu.core_type<tc>, window_params = [{transform_indices = @transform_0, window_bounds = array<i64: 512, 768>}, {transform_indices = @transform_1, window_bounds = array<i64: 16>}, {pipeline_mode = #tpu.pipeline_mode<synchronous>, transform_indices = @transform_2, window_bounds = array<i64: 8, 768, 768>}, {pipeline_mode = #tpu.pipeline_mode<synchronous>, transform_indices = @transform_3, window_bounds = array<i64: 8, 768>}, {transform_indices = @transform_4, window_bounds = array<i64: 512, 768>}]} {
    %get3A = arith.constant 0 : index
    %get3A_0 = arith.constant 0 : index
    %get3A_1 = vector.load %arg1[%get3A, %get3A_0] : memref<512x768xf32, #tpu.memory_space<vmem>>, vector<512x768xf32>
    %mul3A = arith.constant 512 : i32
    %mul3A_2 = arith.muli %arg0, %mul3A : i32
    %iota3A = tpu.iota {dimensions = array<i32: 0>} : vector<512x1xi32>
    %add3A = vector.broadcast %mul3A_2 : i32 to vector<512x1xi32>
    %add3A_3 = arith.addi %add3A, %iota3A : vector<512x1xi32>
    %broadcast_in_dim3A = arith.constant 0.000000e+00 : f32
    %broadcast_in_dim3A_4 = vector.broadcast %broadcast_in_dim3A : f32 to vector<512x768xf32>
    %swap3A = arith.constant 0 : index
    %swap3A_5 = arith.constant 0 : index
    %swap3A_6 = vector.load %arg5[%swap3A, %swap3A_5] : memref<512x768xf32, #tpu.memory_space<vmem>>, vector<512x768xf32>
    tpu.vector_store %arg5[%swap3A, %swap3A_5], %broadcast_in_dim3A_4 {strides = array<i32>} : memref<512x768xf32, #tpu.memory_space<vmem>>, vector<512x768xf32>,
    %get3A_7 = arith.constant 0 : index
    %get3A_8 = memref.load %arg2[%get3A_7] : memref<16xi32, #tpu.memory_space<smem>>
    %get3A_9 = arith.constant 1 : index
    %get3A_10 = memref.load %arg2[%get3A_9] : memref<16xi32, #tpu.memory_space<smem>>
    %add3A_11 = arith.constant 512 : i32
    %add3A_12 = arith.addi %mul3A_2, %add3A_11 : i32
    %lt3A = arith.cmpi slt, %get3A_8, %add3A_12 : i32
    %gt3A = arith.cmpi sgt, %get3A_10, %mul3A_2 : i32
    %and3A = arith.andi %lt3A, %gt3A : i1
    %convert_element_type3A = arith.extui %and3A : i1 to i32
    %cond3A = arith.constant 0 : i32
    %cond3A_13 = arith.cmpi ne, %convert_element_type3A, %cond3A : i32
    scf.if %cond3A_13 {
      %ge3A = vector.broadcast %get3A_8 : i32 to vector<512x1xi32>
      %ge3A_98 = arith.cmpi sge, %add3A_3, %ge3A : vector<512x1xi32>
      %lt3A_99 = vector.broadcast %get3A_10 : i32 to vector<512x1xi32>
      %lt3A_100 = arith.cmpi slt, %add3A_3, %lt3A_99 : vector<512x1xi32>
      %and3A_101 = arith.andi %ge3A_98, %lt3A_100 : vector<512x1xi1>
      %convert_element_type3A_102 = arith.extui %and3A_101 : vector<512x1xi1> to vector<512x1xi32>
      %convert_element_type3A_103 = arith.sitofp %convert_element_type3A_102 : vector<512x1xi32> to vector<512x1xf32>
      %get3A_104 = arith.constant 0 : index
      %get3A_105 = arith.constant 0 : index
      %get3A_106 = arith.constant 0 : index
      %get3A_107 = vector.load %arg3[%get3A_104, %get3A_105, %get3A_106] : memref<8x768x768xf32, #tpu.memory_space<vmem>>, vector<1x768x768xf32>
      %get3A_108 = vector.shape_cast %get3A_107 : vector<1x768x768xf32> to vector<768x768xf32>
      %dot_general3A = arith.constant dense<0.000000e+00> : vector<512x768xf32>
      %dot_general3A_109 = tpu.matmul %get3A_1, %get3A_108, %dot_general3A {dimension_numbers = #tpu.dot_dimension_numbers<[1], [0], [0], [1], [0, 0, 1, 1], [], []>, transpose_lhs_hint = false} : vector<512x768xf32>, vector<768x768xf32>, vector<512x768xf32> -> vector<512x768xf32>
      %get3A_110 = arith.constant 0 : index
      %get3A_111 = arith.constant 0 : index
      %get3A_112 = vector.load %arg5[%get3A_110, %get3A_111] : memref<512x768xf32, #tpu.memory_space<vmem>>, vector<512x768xf32>
      %get3A_113 = arith.constant 0 : index
      %get3A_114 = arith.constant 0 : index
      %get3A_115 = vector.load %arg4[%get3A_113, %get3A_114] : memref<8x768xf32, #tpu.memory_space<vmem>>, vector<1x768xf32>
      %get3A_116 = vector.shape_cast %get3A_115 : vector<1x768xf32> to vector<768xf32>
      %broadcast_in_dim3A_117 = vector.shape_cast %get3A_116 : vector<768xf32> to vector<1x768xf32>
      %add3A_118 = vector.broadcast %broadcast_in_dim3A_117 : vector<1x768xf32> to vector<512x768xf32>
      %add3A_119 = arith.addf %dot_general3A_109, %add3A_118 : vector<512x768xf32>
      %mul3A_120 = vector.broadcast %convert_element_type3A_103 : vector<512x1xf32> to vector<512x768xf32>
      %mul3A_121 = arith.mulf %mul3A_120, %add3A_119 : vector<512x768xf32>
      %add3A_122 = arith.addf %get3A_112, %mul3A_121 : vector<512x768xf32>
      %swap3A_123 = arith.constant 0 : index
      %swap3A_124 = arith.constant 0 : index
      %swap3A_125 = vector.load %arg5[%swap3A_123, %swap3A_124] : memref<512x768xf32, #tpu.memory_space<vmem>>, vector<512x768xf32>
      tpu.vector_store %arg5[%swap3A_123, %swap3A_124], %add3A_122 {strides = array<i32>} : memref<512x768xf32, #tpu.memory_space<vmem>>, vector<512x768xf32>,
    } else {
    }
    %get3A_14 = arith.constant 1 : index
    %get3A_15 = memref.load %arg2[%get3A_14] : memref<16xi32, #tpu.memory_space<smem>>
    %get3A_16 = arith.constant 2 : index
    %get3A_17 = memref.load %arg2[%get3A_16] : memref<16xi32, #tpu.memory_space<smem>>
    %add3A_18 = arith.constant 512 : i32
    %add3A_19 = arith.addi %mul3A_2, %add3A_18 : i32
    %lt3A_20 = arith.cmpi slt, %get3A_15, %add3A_19 : i32
    %gt3A_21 = arith.cmpi sgt, %get3A_17, %mul3A_2 : i32
    %and3A_22 = arith.andi %lt3A_20, %gt3A_21 : i1
    %convert_element_type3A_23 = arith.extui %and3A_22 : i1 to i32
    %cond3A_24 = arith.constant 0 : i32
    %cond3A_25 = arith.cmpi ne, %convert_element_type3A_23, %cond3A_24 : i32
    scf.if %cond3A_25 {
      %ge3A = vector.broadcast %get3A_15 : i32 to vector<512x1xi32>
      %ge3A_98 = arith.cmpi sge, %add3A_3, %ge3A : vector<512x1xi32>
      %lt3A_99 = vector.broadcast %get3A_17 : i32 to vector<512x1xi32>
      %lt3A_100 = arith.cmpi slt, %add3A_3, %lt3A_99 : vector<512x1xi32>
      %and3A_101 = arith.andi %ge3A_98, %lt3A_100 : vector<512x1xi1>
      %convert_element_type3A_102 = arith.extui %and3A_101 : vector<512x1xi1> to vector<512x1xi32>
      %convert_element_type3A_103 = arith.sitofp %convert_element_type3A_102 : vector<512x1xi32> to vector<512x1xf32>
      %get3A_104 = arith.constant 1 : index
      %get3A_105 = arith.constant 0 : index
      %get3A_106 = arith.constant 0 : index
      %get3A_107 = vector.load %arg3[%get3A_104, %get3A_105, %get3A_106] : memref<8x768x768xf32, #tpu.memory_space<vmem>>, vector<1x768x768xf32>
      %get3A_108 = vector.shape_cast %get3A_107 : vector<1x768x768xf32> to vector<768x768xf32>
      %dot_general3A = arith.constant dense<0.000000e+00> : vector<512x768xf32>
      %dot_general3A_109 = tpu.matmul %get3A_1, %get3A_108, %dot_general3A {dimension_numbers = #tpu.dot_dimension_numbers<[1], [0], [0], [1], [0, 0, 1, 1], [], []>, transpose_lhs_hint = false} : vector<512x768xf32>, vector<768x768xf32>, vector<512x768xf32> -> vector<512x768xf32>
      %get3A_110 = arith.constant 0 : index
      %get3A_111 = arith.constant 0 : index
      %get3A_112 = vector.load %arg5[%get3A_110, %get3A_111] : memref<512x768xf32, #tpu.memory_space<vmem>>, vector<512x768xf32>
      %get3A_113 = arith.constant 1 : index
      %get3A_114 = arith.constant 0 : index
      %get3A_115 = vector.load %arg4[%get3A_113, %get3A_114] : memref<8x768xf32, #tpu.memory_space<vmem>>, vector<1x768xf32>
      %get3A_116 = vector.shape_cast %get3A_115 : vector<1x768xf32> to vector<768xf32>
      %broadcast_in_dim3A_117 = vector.shape_cast %get3A_116 : vector<768xf32> to vector<1x768xf32>
      %add3A_118 = vector.broadcast %broadcast_in_dim3A_117 : vector<1x768xf32> to vector<512x768xf32>
      %add3A_119 = arith.addf %dot_general3A_109, %add3A_118 : vector<512x768xf32>
      %mul3A_120 = vector.broadcast %convert_element_type3A_103 : vector<512x1xf32> to vector<512x768xf32>
      %mul3A_121 = arith.mulf %mul3A_120, %add3A_119 : vector<512x768xf32>
      %add3A_122 = arith.addf %get3A_112, %mul3A_121 : vector<512x768xf32>
      %swap3A_123 = arith.constant 0 : index
      %swap3A_124 = arith.constant 0 : index
      %swap3A_125 = vector.load %arg5[%swap3A_123, %swap3A_124] : memref<512x768xf32, #tpu.memory_space<vmem>>, vector<512x768xf32>
      tpu.vector_store %arg5[%swap3A_123, %swap3A_124], %add3A_122 {strides = array<i32>} : memref<512x768xf32, #tpu.memory_space<vmem>>, vector<512x768xf32>,
    } else {
    }
    %get3A_26 = arith.constant 2 : index
    %get3A_27 = memref.load %arg2[%get3A_26] : memref<16xi32, #tpu.memory_space<smem>>
    %get3A_28 = arith.constant 3 : index
    %get3A_29 = memref.load %arg2[%get3A_28] : memref<16xi32, #tpu.memory_space<smem>>
    %add3A_30 = arith.constant 512 : i32
    %add3A_31 = arith.addi %mul3A_2, %add3A_30 : i32
    %lt3A_32 = arith.cmpi slt, %get3A_27, %add3A_31 : i32
    %gt3A_33 = arith.cmpi sgt, %get3A_29, %mul3A_2 : i32
    %and3A_34 = arith.andi %lt3A_32, %gt3A_33 : i1
    %convert_element_type3A_35 = arith.extui %and3A_34 : i1 to i32
    %cond3A_36 = arith.constant 0 : i32
    %cond3A_37 = arith.cmpi ne, %convert_element_type3A_35, %cond3A_36 : i32
    scf.if %cond3A_37 {
      %ge3A = vector.broadcast %get3A_27 : i32 to vector<512x1xi32>
      %ge3A_98 = arith.cmpi sge, %add3A_3, %ge3A : vector<512x1xi32>
      %lt3A_99 = vector.broadcast %get3A_29 : i32 to vector<512x1xi32>
      %lt3A_100 = arith.cmpi slt, %add3A_3, %lt3A_99 : vector<512x1xi32>
      %and3A_101 = arith.andi %ge3A_98, %lt3A_100 : vector<512x1xi1>
      %convert_element_type3A_102 = arith.extui %and3A_101 : vector<512x1xi1> to vector<512x1xi32>
      %convert_element_type3A_103 = arith.sitofp %convert_element_type3A_102 : vector<512x1xi32> to vector<512x1xf32>
      %get3A_104 = arith.constant 2 : index
      %get3A_105 = arith.constant 0 : index
      %get3A_106 = arith.constant 0 : index
      %get3A_107 = vector.load %arg3[%get3A_104, %get3A_105, %get3A_106] : memref<8x768x768xf32, #tpu.memory_space<vmem>>, vector<1x768x768xf32>
      %get3A_108 = vector.shape_cast %get3A_107 : vector<1x768x768xf32> to vector<768x768xf32>
      %dot_general3A = arith.constant dense<0.000000e+00> : vector<512x768xf32>
      %dot_general3A_109 = tpu.matmul %get3A_1, %get3A_108, %dot_general3A {dimension_numbers = #tpu.dot_dimension_numbers<[1], [0], [0], [1], [0, 0, 1, 1], [], []>, transpose_lhs_hint = false} : vector<512x768xf32>, vector<768x768xf32>, vector<512x768xf32> -> vector<512x768xf32>
      %get3A_110 = arith.constant 0 : index
      %get3A_111 = arith.constant 0 : index
      %get3A_112 = vector.load %arg5[%get3A_110, %get3A_111] : memref<512x768xf32, #tpu.memory_space<vmem>>, vector<512x768xf32>
      %get3A_113 = arith.constant 2 : index
      %get3A_114 = arith.constant 0 : index
      %get3A_115 = vector.load %arg4[%get3A_113, %get3A_114] : memref<8x768xf32, #tpu.memory_space<vmem>>, vector<1x768xf32>
      %get3A_116 = vector.shape_cast %get3A_115 : vector<1x768xf32> to vector<768xf32>
      %broadcast_in_dim3A_117 = vector.shape_cast %get3A_116 : vector<768xf32> to vector<1x768xf32>
      %add3A_118 = vector.broadcast %broadcast_in_dim3A_117 : vector<1x768xf32> to vector<512x768xf32>
      %add3A_119 = arith.addf %dot_general3A_109, %add3A_118 : vector<512x768xf32>
      %mul3A_120 = vector.broadcast %convert_element_type3A_103 : vector<512x1xf32> to vector<512x768xf32>
      %mul3A_121 = arith.mulf %mul3A_120, %add3A_119 : vector<512x768xf32>
      %add3A_122 = arith.addf %get3A_112, %mul3A_121 : vector<512x768xf32>
      %swap3A_123 = arith.constant 0 : index
      %swap3A_124 = arith.constant 0 : index
      %swap3A_125 = vector.load %arg5[%swap3A_123, %swap3A_124] : memref<512x768xf32, #tpu.memory_space<vmem>>, vector<512x768xf32>
      tpu.vector_store %arg5[%swap3A_123, %swap3A_124], %add3A_122 {strides = array<i32>} : memref<512x768xf32, #tpu.memory_space<vmem>>, vector<512x768xf32>,
    } else {
    }
    %get3A_38 = arith.constant 3 : index
    %get3A_39 = memref.load %arg2[%get3A_38] : memref<16xi32, #tpu.memory_space<smem>>
    %get3A_40 = arith.constant 4 : index
    %get3A_41 = memref.load %arg2[%get3A_40] : memref<16xi32, #tpu.memory_space<smem>>
    %add3A_42 = arith.constant 512 : i32
    %add3A_43 = arith.addi %mul3A_2, %add3A_42 : i32
    %lt3A_44 = arith.cmpi slt, %get3A_39, %add3A_43 : i32
    %gt3A_45 = arith.cmpi sgt, %get3A_41, %mul3A_2 : i32
    %and3A_46 = arith.andi %lt3A_44, %gt3A_45 : i1
    %convert_element_type3A_47 = arith.extui %and3A_46 : i1 to i32
    %cond3A_48 = arith.constant 0 : i32
    %cond3A_49 = arith.cmpi ne, %convert_element_type3A_47, %cond3A_48 : i32
    scf.if %cond3A_49 {
      %ge3A = vector.broadcast %get3A_39 : i32 to vector<512x1xi32>
      %ge3A_98 = arith.cmpi sge, %add3A_3, %ge3A : vector<512x1xi32>
      %lt3A_99 = vector.broadcast %get3A_41 : i32 to vector<512x1xi32>
      %lt3A_100 = arith.cmpi slt, %add3A_3, %lt3A_99 : vector<512x1xi32>
      %and3A_101 = arith.andi %ge3A_98, %lt3A_100 : vector<512x1xi1>
      %convert_element_type3A_102 = arith.extui %and3A_101 : vector<512x1xi1> to vector<512x1xi32>
      %convert_element_type3A_103 = arith.sitofp %convert_element_type3A_102 : vector<512x1xi32> to vector<512x1xf32>
      %get3A_104 = arith.constant 3 : index
      %get3A_105 = arith.constant 0 : index
      %get3A_106 = arith.constant 0 : index
      %get3A_107 = vector.load %arg3[%get3A_104, %get3A_105, %get3A_106] : memref<8x768x768xf32, #tpu.memory_space<vmem>>, vector<1x768x768xf32>
      %get3A_108 = vector.shape_cast %get3A_107 : vector<1x768x768xf32> to vector<768x768xf32>
      %dot_general3A = arith.constant dense<0.000000e+00> : vector<512x768xf32>
      %dot_general3A_109 = tpu.matmul %get3A_1, %get3A_108, %dot_general3A {dimension_numbers = #tpu.dot_dimension_numbers<[1], [0], [0], [1], [0, 0, 1, 1], [], []>, transpose_lhs_hint = false} : vector<512x768xf32>, vector<768x768xf32>, vector<512x768xf32> -> vector<512x768xf32>
      %get3A_110 = arith.constant 0 : index
      %get3A_111 = arith.constant 0 : index
      %get3A_112 = vector.load %arg5[%get3A_110, %get3A_111] : memref<512x768xf32, #tpu.memory_space<vmem>>, vector<512x768xf32>
      %get3A_113 = arith.constant 3 : index
      %get3A_114 = arith.constant 0 : index
      %get3A_115 = vector.load %arg4[%get3A_113, %get3A_114] : memref<8x768xf32, #tpu.memory_space<vmem>>, vector<1x768xf32>
      %get3A_116 = vector.shape_cast %get3A_115 : vector<1x768xf32> to vector<768xf32>
      %broadcast_in_dim3A_117 = vector.shape_cast %get3A_116 : vector<768xf32> to vector<1x768xf32>
      %add3A_118 = vector.broadcast %broadcast_in_dim3A_117 : vector<1x768xf32> to vector<512x768xf32>
      %add3A_119 = arith.addf %dot_general3A_109, %add3A_118 : vector<512x768xf32>
      %mul3A_120 = vector.broadcast %convert_element_type3A_103 : vector<512x1xf32> to vector<512x768xf32>
      %mul3A_121 = arith.mulf %mul3A_120, %add3A_119 : vector<512x768xf32>
      %add3A_122 = arith.addf %get3A_112, %mul3A_121 : vector<512x768xf32>
      %swap3A_123 = arith.constant 0 : index
      %swap3A_124 = arith.constant 0 : index
      %swap3A_125 = vector.load %arg5[%swap3A_123, %swap3A_124] : memref<512x768xf32, #tpu.memory_space<vmem>>, vector<512x768xf32>
      tpu.vector_store %arg5[%swap3A_123, %swap3A_124], %add3A_122 {strides = array<i32>} : memref<512x768xf32, #tpu.memory_space<vmem>>, vector<512x768xf32>,
    } else {
    }
    %get3A_50 = arith.constant 4 : index
    %get3A_51 = memref.load %arg2[%get3A_50] : memref<16xi32, #tpu.memory_space<smem>>
    %get3A_52 = arith.constant 5 : index
    %get3A_53 = memref.load %arg2[%get3A_52] : memref<16xi32, #tpu.memory_space<smem>>
    %add3A_54 = arith.constant 512 : i32
    %add3A_55 = arith.addi %mul3A_2, %add3A_54 : i32
    %lt3A_56 = arith.cmpi slt, %get3A_51, %add3A_55 : i32
    %gt3A_57 = arith.cmpi sgt, %get3A_53, %mul3A_2 : i32
    %and3A_58 = arith.andi %lt3A_56, %gt3A_57 : i1
    %convert_element_type3A_59 = arith.extui %and3A_58 : i1 to i32
    %cond3A_60 = arith.constant 0 : i32
    %cond3A_61 = arith.cmpi ne, %convert_element_type3A_59, %cond3A_60 : i32
    scf.if %cond3A_61 {
      %ge3A = vector.broadcast %get3A_51 : i32 to vector<512x1xi32>
      %ge3A_98 = arith.cmpi sge, %add3A_3, %ge3A : vector<512x1xi32>
      %lt3A_99 = vector.broadcast %get3A_53 : i32 to vector<512x1xi32>
      %lt3A_100 = arith.cmpi slt, %add3A_3, %lt3A_99 : vector<512x1xi32>
      %and3A_101 = arith.andi %ge3A_98, %lt3A_100 : vector<512x1xi1>
      %convert_element_type3A_102 = arith.extui %and3A_101 : vector<512x1xi1> to vector<512x1xi32>
      %convert_element_type3A_103 = arith.sitofp %convert_element_type3A_102 : vector<512x1xi32> to vector<512x1xf32>
      %get3A_104 = arith.constant 4 : index
      %get3A_105 = arith.constant 0 : index
      %get3A_106 = arith.constant 0 : index
      %get3A_107 = vector.load %arg3[%get3A_104, %get3A_105, %get3A_106] : memref<8x768x768xf32, #tpu.memory_space<vmem>>, vector<1x768x768xf32>
      %get3A_108 = vector.shape_cast %get3A_107 : vector<1x768x768xf32> to vector<768x768xf32>
      %dot_general3A = arith.constant dense<0.000000e+00> : vector<512x768xf32>
      %dot_general3A_109 = tpu.matmul %get3A_1, %get3A_108, %dot_general3A {dimension_numbers = #tpu.dot_dimension_numbers<[1], [0], [0], [1], [0, 0, 1, 1], [], []>, transpose_lhs_hint = false} : vector<512x768xf32>, vector<768x768xf32>, vector<512x768xf32> -> vector<512x768xf32>
      %get3A_110 = arith.constant 0 : index
      %get3A_111 = arith.constant 0 : index
      %get3A_112 = vector.load %arg5[%get3A_110, %get3A_111] : memref<512x768xf32, #tpu.memory_space<vmem>>, vector<512x768xf32>
      %get3A_113 = arith.constant 4 : index
      %get3A_114 = arith.constant 0 : index
      %get3A_115 = vector.load %arg4[%get3A_113, %get3A_114] : memref<8x768xf32, #tpu.memory_space<vmem>>, vector<1x768xf32>
      %get3A_116 = vector.shape_cast %get3A_115 : vector<1x768xf32> to vector<768xf32>
      %broadcast_in_dim3A_117 = vector.shape_cast %get3A_116 : vector<768xf32> to vector<1x768xf32>
      %add3A_118 = vector.broadcast %broadcast_in_dim3A_117 : vector<1x768xf32> to vector<512x768xf32>
      %add3A_119 = arith.addf %dot_general3A_109, %add3A_118 : vector<512x768xf32>
      %mul3A_120 = vector.broadcast %convert_element_type3A_103 : vector<512x1xf32> to vector<512x768xf32>
      %mul3A_121 = arith.mulf %mul3A_120, %add3A_119 : vector<512x768xf32>
      %add3A_122 = arith.addf %get3A_112, %mul3A_121 : vector<512x768xf32>
      %swap3A_123 = arith.constant 0 : index
      %swap3A_124 = arith.constant 0 : index
      %swap3A_125 = vector.load %arg5[%swap3A_123, %swap3A_124] : memref<512x768xf32, #tpu.memory_space<vmem>>, vector<512x768xf32>
      tpu.vector_store %arg5[%swap3A_123, %swap3A_124], %add3A_122 {strides = array<i32>} : memref<512x768xf32, #tpu.memory_space<vmem>>, vector<512x768xf32>,
    } else {
    }
    %get3A_62 = arith.constant 5 : index
    %get3A_63 = memref.load %arg2[%get3A_62] : memref<16xi32, #tpu.memory_space<smem>>
    %get3A_64 = arith.constant 6 : index
    %get3A_65 = memref.load %arg2[%get3A_64] : memref<16xi32, #tpu.memory_space<smem>>
    %add3A_66 = arith.constant 512 : i32
    %add3A_67 = arith.addi %mul3A_2, %add3A_66 : i32
    %lt3A_68 = arith.cmpi slt, %get3A_63, %add3A_67 : i32
    %gt3A_69 = arith.cmpi sgt, %get3A_65, %mul3A_2 : i32
    %and3A_70 = arith.andi %lt3A_68, %gt3A_69 : i1
    %convert_element_type3A_71 = arith.extui %and3A_70 : i1 to i32
    %cond3A_72 = arith.constant 0 : i32
    %cond3A_73 = arith.cmpi ne, %convert_element_type3A_71, %cond3A_72 : i32
    scf.if %cond3A_73 {
      %ge3A = vector.broadcast %get3A_63 : i32 to vector<512x1xi32>
      %ge3A_98 = arith.cmpi sge, %add3A_3, %ge3A : vector<512x1xi32>
      %lt3A_99 = vector.broadcast %get3A_65 : i32 to vector<512x1xi32>
      %lt3A_100 = arith.cmpi slt, %add3A_3, %lt3A_99 : vector<512x1xi32>
      %and3A_101 = arith.andi %ge3A_98, %lt3A_100 : vector<512x1xi1>
      %convert_element_type3A_102 = arith.extui %and3A_101 : vector<512x1xi1> to vector<512x1xi32>
      %convert_element_type3A_103 = arith.sitofp %convert_element_type3A_102 : vector<512x1xi32> to vector<512x1xf32>
      %get3A_104 = arith.constant 5 : index
      %get3A_105 = arith.constant 0 : index
      %get3A_106 = arith.constant 0 : index
      %get3A_107 = vector.load %arg3[%get3A_104, %get3A_105, %get3A_106] : memref<8x768x768xf32, #tpu.memory_space<vmem>>, vector<1x768x768xf32>
      %get3A_108 = vector.shape_cast %get3A_107 : vector<1x768x768xf32> to vector<768x768xf32>
      %dot_general3A = arith.constant dense<0.000000e+00> : vector<512x768xf32>
      %dot_general3A_109 = tpu.matmul %get3A_1, %get3A_108, %dot_general3A {dimension_numbers = #tpu.dot_dimension_numbers<[1], [0], [0], [1], [0, 0, 1, 1], [], []>, transpose_lhs_hint = false} : vector<512x768xf32>, vector<768x768xf32>, vector<512x768xf32> -> vector<512x768xf32>
      %get3A_110 = arith.constant 0 : index
      %get3A_111 = arith.constant 0 : index
      %get3A_112 = vector.load %arg5[%get3A_110, %get3A_111] : memref<512x768xf32, #tpu.memory_space<vmem>>, vector<512x768xf32>
      %get3A_113 = arith.constant 5 : index
      %get3A_114 = arith.constant 0 : index
      %get3A_115 = vector.load %arg4[%get3A_113, %get3A_114] : memref<8x768xf32, #tpu.memory_space<vmem>>, vector<1x768xf32>
      %get3A_116 = vector.shape_cast %get3A_115 : vector<1x768xf32> to vector<768xf32>
      %broadcast_in_dim3A_117 = vector.shape_cast %get3A_116 : vector<768xf32> to vector<1x768xf32>
      %add3A_118 = vector.broadcast %broadcast_in_dim3A_117 : vector<1x768xf32> to vector<512x768xf32>
      %add3A_119 = arith.addf %dot_general3A_109, %add3A_118 : vector<512x768xf32>
      %mul3A_120 = vector.broadcast %convert_element_type3A_103 : vector<512x1xf32> to vector<512x768xf32>
      %mul3A_121 = arith.mulf %mul3A_120, %add3A_119 : vector<512x768xf32>
      %add3A_122 = arith.addf %get3A_112, %mul3A_121 : vector<512x768xf32>
      %swap3A_123 = arith.constant 0 : index
      %swap3A_124 = arith.constant 0 : index
      %swap3A_125 = vector.load %arg5[%swap3A_123, %swap3A_124] : memref<512x768xf32, #tpu.memory_space<vmem>>, vector<512x768xf32>
      tpu.vector_store %arg5[%swap3A_123, %swap3A_124], %add3A_122 {strides = array<i32>} : memref<512x768xf32, #tpu.memory_space<vmem>>, vector<512x768xf32>,
    } else {
    }
    %get3A_74 = arith.constant 6 : index
    %get3A_75 = memref.load %arg2[%get3A_74] : memref<16xi32, #tpu.memory_space<smem>>
    %get3A_76 = arith.constant 7 : index
    %get3A_77 = memref.load %arg2[%get3A_76] : memref<16xi32, #tpu.memory_space<smem>>
    %add3A_78 = arith.constant 512 : i32
    %add3A_79 = arith.addi %mul3A_2, %add3A_78 : i32
    %lt3A_80 = arith.cmpi slt, %get3A_75, %add3A_79 : i32
    %gt3A_81 = arith.cmpi sgt, %get3A_77, %mul3A_2 : i32
    %and3A_82 = arith.andi %lt3A_80, %gt3A_81 : i1
    %convert_element_type3A_83 = arith.extui %and3A_82 : i1 to i32
    %cond3A_84 = arith.constant 0 : i32
    %cond3A_85 = arith.cmpi ne, %convert_element_type3A_83, %cond3A_84 : i32
    scf.if %cond3A_85 {
      %ge3A = vector.broadcast %get3A_75 : i32 to vector<512x1xi32>
      %ge3A_98 = arith.cmpi sge, %add3A_3, %ge3A : vector<512x1xi32>
      %lt3A_99 = vector.broadcast %get3A_77 : i32 to vector<512x1xi32>
      %lt3A_100 = arith.cmpi slt, %add3A_3, %lt3A_99 : vector<512x1xi32>
      %and3A_101 = arith.andi %ge3A_98, %lt3A_100 : vector<512x1xi1>
      %convert_element_type3A_102 = arith.extui %and3A_101 : vector<512x1xi1> to vector<512x1xi32>
      %convert_element_type3A_103 = arith.sitofp %convert_element_type3A_102 : vector<512x1xi32> to vector<512x1xf32>
      %get3A_104 = arith.constant 6 : index
      %get3A_105 = arith.constant 0 : index
      %get3A_106 = arith.constant 0 : index
      %get3A_107 = vector.load %arg3[%get3A_104, %get3A_105, %get3A_106] : memref<8x768x768xf32, #tpu.memory_space<vmem>>, vector<1x768x768xf32>
      %get3A_108 = vector.shape_cast %get3A_107 : vector<1x768x768xf32> to vector<768x768xf32>
      %dot_general3A = arith.constant dense<0.000000e+00> : vector<512x768xf32>
      %dot_general3A_109 = tpu.matmul %get3A_1, %get3A_108, %dot_general3A {dimension_numbers = #tpu.dot_dimension_numbers<[1], [0], [0], [1], [0, 0, 1, 1], [], []>, transpose_lhs_hint = false} : vector<512x768xf32>, vector<768x768xf32>, vector<512x768xf32> -> vector<512x768xf32>
      %get3A_110 = arith.constant 0 : index
      %get3A_111 = arith.constant 0 : index
      %get3A_112 = vector.load %arg5[%get3A_110, %get3A_111] : memref<512x768xf32, #tpu.memory_space<vmem>>, vector<512x768xf32>
      %get3A_113 = arith.constant 6 : index
      %get3A_114 = arith.constant 0 : index
      %get3A_115 = vector.load %arg4[%get3A_113, %get3A_114] : memref<8x768xf32, #tpu.memory_space<vmem>>, vector<1x768xf32>
      %get3A_116 = vector.shape_cast %get3A_115 : vector<1x768xf32> to vector<768xf32>
      %broadcast_in_dim3A_117 = vector.shape_cast %get3A_116 : vector<768xf32> to vector<1x768xf32>
      %add3A_118 = vector.broadcast %broadcast_in_dim3A_117 : vector<1x768xf32> to vector<512x768xf32>
      %add3A_119 = arith.addf %dot_general3A_109, %add3A_118 : vector<512x768xf32>
      %mul3A_120 = vector.broadcast %convert_element_type3A_103 : vector<512x1xf32> to vector<512x768xf32>
      %mul3A_121 = arith.mulf %mul3A_120, %add3A_119 : vector<512x768xf32>
      %add3A_122 = arith.addf %get3A_112, %mul3A_121 : vector<512x768xf32>
      %swap3A_123 = arith.constant 0 : index
      %swap3A_124 = arith.constant 0 : index
      %swap3A_125 = vector.load %arg5[%swap3A_123, %swap3A_124] : memref<512x768xf32, #tpu.memory_space<vmem>>, vector<512x768xf32>
      tpu.vector_store %arg5[%swap3A_123, %swap3A_124], %add3A_122 {strides = array<i32>} : memref<512x768xf32, #tpu.memory_space<vmem>>, vector<512x768xf32>,
    } else {
    }
    %get3A_86 = arith.constant 7 : index
    %get3A_87 = memref.load %arg2[%get3A_86] : memref<16xi32, #tpu.memory_space<smem>>
    %get3A_88 = arith.constant 8 : index
    %get3A_89 = memref.load %arg2[%get3A_88] : memref<16xi32, #tpu.memory_space<smem>>
    %add3A_90 = arith.constant 512 : i32
    %add3A_91 = arith.addi %mul3A_2, %add3A_90 : i32
    %lt3A_92 = arith.cmpi slt, %get3A_87, %add3A_91 : i32
    %gt3A_93 = arith.cmpi sgt, %get3A_89, %mul3A_2 : i32
    %and3A_94 = arith.andi %lt3A_92, %gt3A_93 : i1
    %convert_element_type3A_95 = arith.extui %and3A_94 : i1 to i32
    %cond3A_96 = arith.constant 0 : i32
    %cond3A_97 = arith.cmpi ne, %convert_element_type3A_95, %cond3A_96 : i32
    scf.if %cond3A_97 {
      %ge3A = vector.broadcast %get3A_87 : i32 to vector<512x1xi32>
      %ge3A_98 = arith.cmpi sge, %add3A_3, %ge3A : vector<512x1xi32>
      %lt3A_99 = vector.broadcast %get3A_89 : i32 to vector<512x1xi32>
      %lt3A_100 = arith.cmpi slt, %add3A_3, %lt3A_99 : vector<512x1xi32>
      %and3A_101 = arith.andi %ge3A_98, %lt3A_100 : vector<512x1xi1>
      %convert_element_type3A_102 = arith.extui %and3A_101 : vector<512x1xi1> to vector<512x1xi32>
      %convert_element_type3A_103 = arith.sitofp %convert_element_type3A_102 : vector<512x1xi32> to vector<512x1xf32>
      %get3A_104 = arith.constant 7 : index
      %get3A_105 = arith.constant 0 : index
      %get3A_106 = arith.constant 0 : index
      %get3A_107 = vector.load %arg3[%get3A_104, %get3A_105, %get3A_106] : memref<8x768x768xf32, #tpu.memory_space<vmem>>, vector<1x768x768xf32>
      %get3A_108 = vector.shape_cast %get3A_107 : vector<1x768x768xf32> to vector<768x768xf32>
      %dot_general3A = arith.constant dense<0.000000e+00> : vector<512x768xf32>
      %dot_general3A_109 = tpu.matmul %get3A_1, %get3A_108, %dot_general3A {dimension_numbers = #tpu.dot_dimension_numbers<[1], [0], [0], [1], [0, 0, 1, 1], [], []>, transpose_lhs_hint = false} : vector<512x768xf32>, vector<768x768xf32>, vector<512x768xf32> -> vector<512x768xf32>
      %get3A_110 = arith.constant 0 : index
      %get3A_111 = arith.constant 0 : index
      %get3A_112 = vector.load %arg5[%get3A_110, %get3A_111] : memref<512x768xf32, #tpu.memory_space<vmem>>, vector<512x768xf32>
      %get3A_113 = arith.constant 7 : index
      %get3A_114 = arith.constant 0 : index
      %get3A_115 = vector.load %arg4[%get3A_113, %get3A_114] : memref<8x768xf32, #tpu.memory_space<vmem>>, vector<1x768xf32>
      %get3A_116 = vector.shape_cast %get3A_115 : vector<1x768xf32> to vector<768xf32>
      %broadcast_in_dim3A_117 = vector.shape_cast %get3A_116 : vector<768xf32> to vector<1x768xf32>
      %add3A_118 = vector.broadcast %broadcast_in_dim3A_117 : vector<1x768xf32> to vector<512x768xf32>
      %add3A_119 = arith.addf %dot_general3A_109, %add3A_118 : vector<512x768xf32>
      %mul3A_120 = vector.broadcast %convert_element_type3A_103 : vector<512x1xf32> to vector<512x768xf32>
      %mul3A_121 = arith.mulf %mul3A_120, %add3A_119 : vector<512x768xf32>
      %add3A_122 = arith.addf %get3A_112, %mul3A_121 : vector<512x768xf32>
      %swap3A_123 = arith.constant 0 : index
      %swap3A_124 = arith.constant 0 : index
      %swap3A_125 = vector.load %arg5[%swap3A_123, %swap3A_124] : memref<512x768xf32, #tpu.memory_space<vmem>>, vector<512x768xf32>
      tpu.vector_store %arg5[%swap3A_123, %swap3A_124], %add3A_122 {strides = array<i32>} : memref<512x768xf32, #tpu.memory_space<vmem>>, vector<512x768xf32>,
    } else {
    }
    return
  }
  func.func @transform_0(%arg0: i32) -> (i32, i32) {
    %c0_i32 = arith.constant 0 : i32
    %c0_i32_0 = arith.constant 0 : i32
    return %arg0, %c0_i32 : i32, i32
  }
  func.func @transform_1(%arg0: i32) -> i32 {
    %c0_i32 = arith.constant 0 : i32
    %c0_i32_0 = arith.constant 0 : i32
    return %c0_i32 : i32
  }
  func.func @transform_2(%arg0: i32) -> (i32, i32, i32) {
    %c0_i32 = arith.constant 0 : i32
    %c0_i32_0 = arith.constant 0 : i32
    %c0_i32_1 = arith.constant 0 : i32
    %c0_i32_2 = arith.constant 0 : i32
    return %c0_i32, %c0_i32_0, %c0_i32_1 : i32, i32, i32
  }
  func.func @transform_3(%arg0: i32) -> (i32, i32) {
    %c0_i32 = arith.constant 0 : i32
    %c0_i32_0 = arith.constant 0 : i32
    %c0_i32_1 = arith.constant 0 : i32
    return %c0_i32, %c0_i32_0 : i32, i32
  }
  func.func @transform_4(%arg0: i32) -> (i32, i32) {
    %c0_i32 = arith.constant 0 : i32
    %c0_i32_0 = arith.constant 0 : i32
    return %arg0, %c0_i32 : i32, i32
  }
}

</mosaic_0001>

<sc_bundles>
// kernel: kernel.6.cloned.1.call-start
scs
__scs_entry_jumppad:
0x0: {  	(pc) =	sbr.rel $0x88, $3  }
0x1: {  	(tag) =	ssettag $0x0;
	lr =	simm.s32 $0x1  }
0x2: {  	[smem:$0x3F9A] =	sst lr;
	_ =	strace $0xD0000000  }
0x3: {  	_ = 	snop  }
0x4: {  	_ = 	snop  }
0x5: {  	_ = 	snop  }
0x6: {  	_ = 	snop  }
0x7: {  	_ = 	snop  }
__scs_overlays_trampoline_lowered:
0x8: {  	[smem:$0x3FA9] =	sst s0  }
0x9: {  	[smem:$0x3FAA] =	sst s1  }
0xa: {  	[smem:$0x3FAB] =	sst s2  }
0xb: {  	[smem:$0x3FAC] =	sst s3  }
0xc: {  	[smem:$0x3FAD] =	sst s4  }
0xd: {  	[smem:$0x3FAE] =	sst s5  }
0xe: {  	[smem:$0x3FAF] =	sst s6  }
0xf: {  	[smem:$0x3FB0] =	sst s7  }
0x10: {  	[smem:$0x3FB1] =	sst s8  }
0x11: {  	[smem:$0x3FB2] =	sst s9;
	s0 =	simm.s32 @!p0 $0x0  }
0x12: {  	s1 =	sld [smem:$0x3F98];
	s0 =	simm.s32 @p0 $0x1  }
0x13: {  	[smem:$0x3FB3] =	sst s0;
	s0 =	simm.s32 @!p1 $0x0  }
0x14: {  	s2 =	sld [smem:$0x3F97];
	s0 =	simm.s32 @p1 $0x1  }
0x15: {  	[smem:$0x3FB4] =	sst s0;
	s0 =	simm.s32 @!p2 $0x0  }
0x16: {  	s3 =	sld [smem:$0x3FDB];
	s0 =	simm.s32 @p2 $0x1  }
0x17: {  	s4 =	simm.s32 $0x1BF5;
	[smem:$0x3FB6] =	sst s0  }
0x18: {  	s0 =	sld [smem:$0x3F99];
	_ =	swait.ge [sflag:s4], $0x0  }
0x19: {  	s7 =	sld [smem:$0x3F9A]  }
0x1a: {  	s8 =	sadd.s32 $0xFFFFE003, lr  }
0x1b: {  	s9 =	sadd.s32 $0xFFFFFEF7, lr;
	s5 =	simm.s32 $0xFFFFFFFF;
	p2 =	slt.u32 s8, $0xFFFFF086  }
0x1c: {  	p1 =	slt.u32 s9, $0xF7A;
	s5 =	simm.s32 @!p2 $0x0  }
0x1d: {  	s5 =	simm.s32 @p1 $0x1;
	p0 =	seq.s32 s7, s2  }
0x1e: {  	s7 =	smul.u32 @!p0 $0xF7A, s2;
	p2 =	seq.s32 @!p0 s5, $0x0  }
0x1f: {  	s9 =	smul.u32 $0xF7A, s1;
	s8 =	simm.s32 @!p0 $0x1BF5;
	p2 =	por !p2, p0  }
0x20: {  	[sflag:s8] =	ssyncset.s32 @!p0 $0xFFFFF086;
	s6 =	sadd.s32 @!p0 s3, s7;
	s7 =	simm.s32 @!p0 $0x108  }
0x21: {  	s3 =	sadd.s32 s3, s9;
	s6 =	sadd.s32 @!p0 $0x88, s6;
	s7 =	simm.s32 @p2 $0x1082  }
0x22: {  	[simem:s7], [sflag:s8] =	dma.local @!p0 [hbm:s6], $0xF7A  }
0x23: {  	s9 =	sor.u32 $0xD0000000, s2;
	s6 =	simm.s32 $0x108;
	_ =	swait.ge @!p0 [sflag:s8], $0x0  }
0x24: {  	s3 =	sadd.s32 $0x88, s3;
	s6 =	simm.s32 @!p1 $0x1082;
	[sflag:s4] =	ssyncset.s32 $0xFFFFF086  }
0x25: {  	[simem:s6], [sflag:s4] =	dma.local [hbm:s3], $0xF7A  }
0x26: {  	[smem:$0x3F9A] =	sst s1;
	(tag) =	ssettag s2;
	_ =	strace s9  }
0x27: {  	s1 =	sld [smem:$0x3FAA]  }
0x28: {  	s2 =	sld [smem:$0x3FAB]  }
0x29: {  	s4 =	sld [smem:$0x3FAD]  }
0x2a: {  	p0 =	seq.s32 s5, $0x0;
	s5 =	sld [smem:$0x3FAE]  }
0x2b: {  	s6 =	sld [smem:$0x3FAF]  }
0x2c: {  	s7 =	sld [smem:$0x3FB0]  }
0x2d: {  	s3 =	simm.s32 $0x108;
	s8 =	sld [smem:$0x3FB1]  }
0x2e: {  	s3 =	simm.s32 @!p0 $0x1082;
	s9 =	sld [smem:$0x3FB2]  }
0x2f: {  	lr =	sadd.s32 s0, s3;
	s0 =	sld [smem:$0x3FA9]  }
0x30: {  	s3 =	sld [smem:$0x3FAC]  }
0x31: {  	[smem:$0x3FB5] =	sst s10  }
0x32: {  	s10 =	sld [smem:$0x3FB3];
	_ =	sdelay $0x3  }
0x33: {  	p0 =	seq.s32 s10, $0x1;
	s10 =	sld [smem:$0x3FB5];
	_ =	sdelay $0x3  }
0x34: {  	[smem:$0x3FB5] =	sst s10  }
0x35: {  	s10 =	sld [smem:$0x3FB4];
	_ =	sdelay $0x3  }
0x36: {  	p1 =	seq.s32 s10, $0x1;
	s10 =	sld [smem:$0x3FB5];
	_ =	sdelay $0x3  }
0x37: {  	[smem:$0x3FB5] =	sst s10  }
0x38: {  	s10 =	sld [smem:$0x3FB6]  }
0x39: {  	_ = 	snop;
	(pc) =	sbr.ind lr, $3  }
0x3a: {  	_ = 	snop  }
0x3b: {  	_ = 	snop  }
0x3c: {  	p2 =	seq.s32 s10, $0x1;
	s10 =	sld [smem:$0x3FB5]  }
0x3d: {  	_ =	shalt  }
0x3e: {  	_ =	shalt  }
0x3f: {  	_ =	shalt  }
0x40: {  	_ =	shalt  }
0x41: {  	_ =	shalt  }
0x42: {  	_ =	shalt  }
0x43: {  	_ =	shalt  }
0x44: {  	_ =	shalt  }
0x45: {  	_ =	shalt  }
0x46: {  	_ =	shalt  }
0x47: {  	_ =	shalt  }
0x48: {  	_ =	shalt  }
0x49: {  	_ =	shalt  }
0x4a: {  	_ =	shalt  }
0x4b: {  	_ =	shalt  }
0x4c: {  	_ =	shalt  }
0x4d: {  	_ =	shalt  }
0x4e: {  	_ =	shalt  }
0x4f: {  	_ =	shalt  }
0x50: {  	_ =	shalt  }
0x51: {  	_ =	shalt  }
0x52: {  	_ =	shalt  }
0x53: {  	_ =	shalt  }
0x54: {  	_ =	shalt  }
0x55: {  	_ =	shalt  }
0x56: {  	_ =	shalt  }
0x57: {  	_ =	shalt  }
0x58: {  	_ =	shalt  }
0x59: {  	_ =	shalt  }
0x5a: {  	_ =	shalt  }
0x5b: {  	_ =	shalt  }
0x5c: {  	_ =	shalt  }
0x5d: {  	_ =	shalt  }
0x5e: {  	_ =	shalt  }
0x5f: {  	_ =	shalt  }
0x60: {  	_ =	shalt  }
0x61: {  	_ =	shalt  }
0x62: {  	_ =	shalt  }
0x63: {  	_ =	shalt  }
0x64: {  	_ =	shalt  }
0x65: {  	_ =	shalt  }
0x66: {  	_ =	shalt  }
0x67: {  	_ =	shalt  }
0x68: {  	_ =	shalt  }
0x69: {  	_ =	shalt  }
0x6a: {  	_ =	shalt  }
0x6b: {  	_ =	shalt  }
0x6c: {  	_ =	shalt  }
0x6d: {  	_ =	shalt  }
0x6e: {  	_ =	shalt  }
0x6f: {  	_ =	shalt  }
0x70: {  	_ =	shalt  }
0x71: {  	_ =	shalt  }
0x72: {  	_ =	shalt  }
0x73: {  	_ =	shalt  }
0x74: {  	_ =	shalt  }
0x75: {  	_ =	shalt  }
0x76: {  	_ =	shalt  }
0x77: {  	_ =	shalt  }
0x78: {  	_ =	shalt  }
0x79: {  	_ =	shalt  }
0x7a: {  	_ =	shalt  }
0x7b: {  	_ =	shalt  }
0x7c: {  	_ =	shalt  }
0x7d: {  	_ =	shalt  }
0x7e: {  	_ =	shalt  }
0x7f: {  	_ =	shalt  }
0x80: {  	_ =	shalt  }
0x81: {  	_ =	shalt  }
0x82: {  	_ =	shalt  }
0x83: {  	_ =	shalt  }
0x84: {  	_ =	shalt  }
0x85: {  	_ =	shalt  }
0x86: {  	_ =	shalt  }
0x87: {  	_ =	shalt  }
.Lfunc_end0:
.L_simem_size_0:
called_computation_lowered:
.L_overlay_start_0:
0x88: {  	s2 =	sld [smem:$0x3FD9]  }
0x89: {  	s3 =	sld [smem:$0x3FFE];
	_ =	sdelay $0x1  }
0x8a: {  	s1 =	srdreg.scid  }
0x8b: {  	s0 =	sand.u32 $0x1, s1  }
0x8c: {  	s17 =	sshll.u32 s0, $0xA;
	s2 =	sadd.s32 s3, s2  }
0x8d: {  	s2 =	sadd.s32 s2, s17  }
0x8e: {  	[smem:$0x3FC1] =	sst s2  }
0x8f: {  	_ = 	snop  }
0x90: {  	s2 =	sld [smem:$0x3FC9]  }
0x91: {  	s18 =	sld [smem:$0x3FD0];
	(tm) =	ssettm $0x1  }
0x92: {  	s4 =	sld [smem:$0x3FFB];
	_ =	sdelay $0x3  }
0x93: {  	_ =	strace s4  }
0x94: {  	s4 =	sld [smem:$0x3FFC];
	_ =	sdelay $0x3  }
0x95: {  	_ =	strace s4  }
0x96: {  	s4 =	sld [smem:$0x3FFD];
	_ =	sdelay $0x3  }
0x97: {  	_ =	strace s4  }
0x98: {  	_ =	strace $0x8FFFFFFF  }
0x99: {  	s19 =	sld [smem:$0x3FDB];
	_ =	sdelay $0x1  }
0x9a: {  	s5 =	simm.s32 $_scs_section_size  }
0x9b: {  	s6 =	simm.s32 $_size__tile_overlayer_lowered;
	s7 =	simm.s32 $_tile_overlayer_lowered  }
0x9c: {  	s22 =	simm.s32 $0x1BFF;
	s21 =	sshll.u32 s7, $0x1;
	s4 =	sadd.s32 s5, s19  }
0x9d: {  	s8 =	simm.s32 $0x0;
	s20 =	sshll.u32 s6, $0x1;
	s6 =	sadd.s32 s21, s4  }
0x9e: {  	[timem:s8], [sflag:s22] =	dma.local [hbm:s6], s20  }
0x9f: {  	_ =	swait.ge [sflag:s22], s20  }
0xa0: {  	s5 =	ssub.s32 $0x0, s20;
	[sflag:s22] =	ssyncset.done $0x0  }
0xa1: {  	[sflag:s22] =	ssyncadd.s32 s5;
	_ =	sdelay $0x1  }
0xa2: {  	s23 =	simm.s32 $0x1B8B  }
0xa3: {  	_ =	swait.ge [sflag:s23], $0x1  }
0xa4: {  	[sflag:s23] =	ssyncset.done $0x0  }
0xa5: {  	s25 =	simm.s32 $0x1B8E;
	s24 =	sld [smem:$0x3FFE];
	[sflag:s23] =	ssyncadd.s32 $0xFFFFFFFF  }
0xa6: {  	s26 =	simm.s32 $execute0_lowered;
	[smem:$0x3FD2] =	sst s25  }
0xa7: {  	s6 =	sshll.u32 s26, $0x1;
	_ =	strace $0x80000046;
	[dreg:$0x1] =	wrdreg $0xFFFFFFFF  }
0xa8: {  	s28 =	simm.s32 $_size_execute0_lowered;
	s4 =	sadd.s32 s4, s6;
	[dreg:$0x0] =	wrdreg $0x0  }
0xa9: {  	s6 =	sshll.u32 s28, $0x1;
	[dreg:$0x2] =	wrdreg s4  }
0xaa: {  	[dreg:$0x3] =	wrdreg s6  }
0xab: {  	[dreg:$0x4] =	wrdreg $0xC0  }
0xac: {  	_ =	task [dreg:s8], $0x5FFFF  }
0xad: {  	[dreg:$0x1] =	wrdreg $0xFFFFFFFF  }
0xae: {  	[dreg:$0x0] =	wrdreg $0x60  }
0xaf: {  	[dreg:$0x2] =	wrdreg s24  }
0xb0: {  	[dreg:$0x3] =	wrdreg s2  }
0xb1: {  	[dreg:$0x4] =	wrdreg s18  }
0xb2: {  	[dreg:$0x5] =	wrdreg $0x9  }
0xb3: {  	_ =	task.clear_ibuf [dreg:s8], $0x6FFFF;
	_ =	strace $0x90000046  }
0xb4: {  	s29 =	simm.s32 $0x9;
	_ =	strace $0x80000048  }
0xb5: {  	_ =	swait.ge [sflag:s29], $0x1  }
0xb6: {  	[sflag:s29] =	ssyncadd.s32 $0xFFFFFFFF  }
0xb7: {  	_ =	strace $0x90000048  }
0xb8: {  	_ =	sfence  }
0xb9: {  	s30 =	sld [smem:$0x0];
	_ =	sdelay $0x2  }
0xba: {  	s31 =	sshll.u32 s1, $0xD;
	s1 =	sshrl.u32 s1, $0x2  }
0xbb: {  	s3 =	sand.u32 $0x4000, s31;
	s1 =	sadd.s32 s1, s30  }
0xbc: {  	s0 =	sor.u32 s3, s0;
	s1 =	sshll.u32 s1, $0x11  }
0xbd: {  	s0 =	sor.u32 s1, s0  }
0xbe: {  	s0 =	sadd.s32 $0x8F2B, s0  }
0xbf: {  	[sflag:s0] =	ssyncadd.remote.s32 $0x1  }
0xc0: {  	_ =	sfence.sel $0xFFFF  }
0xc1: {  	[dreg:$0x0] =	wrdreg $0xFFFFFFFF;
	(pc) =	sbr.abs _section_cstart, $3  }
0xc2: {  	[dreg:$0x1] =	wrdreg $0xFFFFFFFF  }
0xc3: {  	_ =	task.clear_ibuf [dreg:s8], $0x2FFFF;
	_ =	strace $0x9FFFFFFF  }
0xc4: {  	(tm) =	ssettm $0x7FFFFFFF  }
0xc5: {  	_ =	shalt  }
tec
execute0_lowered:
.L_overlay_start_1:
0x0: {  	(tag) =	ssettag $0x1  }
0x1: {  	s0 =	rddreg [dreg:$0x0]  }
0x2: {  	s1 =	rddreg [dreg:$0x1]  }
0x3: {  	s2 =	rddreg [dreg:$0x2]  }
0x4: {  	s4 =	srdreg.scid;
	s5 =	stileid.u32;
	s3 =	simm.s32 $0x0  }
0x5: {  	s25 =	simm.s32 $0x100;
	s26 =	simm.s32 $0x180;
	s13 =	simm.s32 $0xC380  }
0x6: {  	s9 =	simm.s32 $0xE380;
	s12 =	simm.s32 $0xEB80;
	s14 =	simm.s32 $0xF380  }
0x7: {  	s15 =	simm.s32 $0xFB80;
	s16 =	simm.s32 $0x10380;
	s28 =	simm.s32 $0x15380  }
0x8: {  	s29 =	simm.s32 $0x15B80;
	s30 =	simm.s32 $0x16380;
	s31 =	simm.s32 $0x16B80  }
0x9: {  	s4 =	sand.u32 $0x1, s4;
	[smem:$0x7FF] =	sst s3;
	s7 =	sadd.s32 $0x2000, s0  }
0xa: {  	s5 =	sshll.u32 s5, $0x1;
	_ =	strace $0x80000047;
	[dreg:$0x4] =	wrdreg s7  }
0xb: {  	s5 =	sor.u32 s4, s5;
	s4 =	ssub.s32 $0x2, s4;
	[dreg:$0xa] =	wrdreg s25  }
0xc: {  	[dreg:$0xb] =	wrdreg s26;
	s25 =	simm.s32 $0x14380;
	s26 =	simm.s32 $0x14B80  }
0xd: {  	s6 =	sshll.u32 s5, $0x5;
	s19 =	smul.u32 $0x6000, s5;
	s8 =	sshll.u32 s5, $0x6  }
0xe: {  	s5 =	smul.u32 $0x30000, s5;
	s22 =	sshrl.u32 s4, $0x1;
	s6 =	sadd.s32 s6, s0  }
0xf: {  	s0 =	sadd.s32 s8, s0;
	s4 =	ssub.s32 s4, s22;
	s8 =	simm.s32 $0xDB80  }
0x10: {  	s22 =	simm.s32 $0x12B80;
	s6 =	sadd.s32 $0x1C00, s6;
	s0 =	sadd.s32 $0x2200, s0  }
0x11: {  	s20 =	sadd.s32 s1, s19;
	s5 =	sshrl.u32 s5, $0x3;
	[dreg:$0x5] =	wrdreg s6  }
0x12: {  	s7 =	smax.u32 s4, $0x1;
	s19 =	simm.s32 $0x11380;
	[dreg:$0x6] =	wrdreg s0  }
0x13: {  	[dreg:$0xc] =	wrdreg s20;
	s21 =	sadd.s32 $0x1800, s20;
	s1 =	sadd.s32 s1, s5  }
0x14: {  	s5 =	sadd.s32 $0x100, s2;
	s6 =	sadd.s32 $0x200, s2;
	s20 =	simm.s32 $0x11B80  }
0x15: {  	v2 =	vlaneseq.u32;
	[dreg:$0x7] =	wrdreg s21;
	s23 =	sadd.s32 $0x3000, s1;
	s24 =	sadd.s32 $0x4800, s1  }
0x16: {  	vm0 =	vmmov $0xffff;
	v1 =	vshrl.u32 v2, $0x3;
	s1 =	simm.s32 $0x1;
	s21 =	simm.s32 $0x12380;
	[dreg:$0x8] =	wrdreg s23  }
0x17: {  	v0 =	vand.u32 $0x7, v2;
	v2 =	vor.u32 $0x8, v2;
	v1 =	vmul.u32 $0x8, v1;
	[dreg:$0x9] =	wrdreg s24;
	s23 =	simm.s32 $0x13380;
	s24 =	simm.s32 $0x13B80  }
.LBB2_1:
0x18: {  	s17 =	rddreg [dreg:$0x5];
	s0 =	simm.s32 $0x4  }
0x19: {  	[tilespmem:s3], [sflag:$0x4] =	stream.linear.gather [hbm4b:s17+s3], $0x100, $0x38;
	[tilespmem:$0x18380] =	vst v63  }
0x1a: {  	_ =	swait.ge [sflag:s0], $0x100  }
0x1b: {  	s4 =	rddreg [dreg:$0x4];
	[sflag:s0] =	ssyncset.done $0x0  }
0x1c: {  	s18 =	rddreg [dreg:$0xa];
	[sflag:s0] =	ssyncadd.s32 $0xFFFFFF00  }
0x1d: {  	[tilespmem:s18], [sflag:$0x4] =	stream.linear.gather [hbm4b:s4+s3], $0x10, $0x38;
	[tilespmem:$0x18380] =	vst v63  }
0x1e: {  	_ =	swait.ge [sflag:s0], $0x10  }
0x1f: {  	[sflag:s0] =	ssyncset.done $0x0  }
0x20: {  	[sflag:s0] =	ssyncadd.s32 $0xFFFFFFF0  }
0x21: {  	v3 =	vld [tilespmem:$0x0]  }
0x22: {  	v4 =	vld [tilespmem:$0x100]  }
0x23: {  	v5 =	vld [tilespmem:$0x10]  }
0x24: {  	v6 =	vld [tilespmem:$0x20]  }
0x25: {  	v7 =	vld [tilespmem:$0x30]  }
0x26: {  	v9 =	vld [tilespmem:$0x40]  }
0x27: {  	v10 =	vld [tilespmem:$0x50]  }
0x28: {  	v12 =	vld [tilespmem:$0x60]  }
0x29: {  	v54 =	vld [tilespmem:$0x80]  }
0x2a: {  	v15 =	vld [tilespmem:$0x90]  }
0x2b: {  	v58 =	vld [tilespmem:$0xA0]  }
0x2c: {  	v60 =	vld [tilespmem:$0xB0]  }
0x2d: {  	v18 =	vld [tilespmem:$0xC0]  }
0x2e: {  	v24 =	vld [tilespmem:$0xD0];
	v3 =	vtrunc.f32 v3;
	v4 =	vtrunc.f32 v4  }
0x2f: {  	v27 =	vld [tilespmem:$0xE0];
	v5 =	vtrunc.f32 v5;
	v6 =	vtrunc.f32 v6  }
0x30: {  	v30 =	vld [tilespmem:$0xF0];
	v7 =	vtrunc.f32 v7;
	v9 =	vtrunc.f32 v9  }
0x31: {  	v10 =	vtrunc.f32 v10;
	v53 =	vtrunc.f32 v12  }
0x32: {  	v12 =	vtrunc.f32 v54;
	v59 =	vtrunc.f32 v15  }
0x33: {  	v20 =	vtrunc.f32 v58;
	v23 =	vtrunc.f32 v60  }
0x34: {  	v26 =	vtrunc.f32 v18;
	v36 =	vtrunc.f32 v24  }
0x35: {  	v38 =	vtrunc.f32 v27;
	v40 =	vtrunc.f32 v30  }
0x36: {  	v3 =	vcvt.f32.s32 v3;
	v4 =	vcvt.f32.s32 v4  }
0x37: {  	v5 =	vcvt.f32.s32 v5;
	v6 =	vcvt.f32.s32 v6  }
0x38: {  	v7 =	vcvt.f32.s32 v7;
	v9 =	vcvt.f32.s32 v9  }
0x39: {  	v10 =	vcvt.f32.s32 v10;
	v12 =	vcvt.f32.s32 v12  }
0x3a: {  	v22 =	vcvt.f32.s32 v20;
	v25 =	vcvt.f32.s32 v23  }
0x3b: {  	v37 =	vcvt.f32.s32 v36;
	v39 =	vcvt.f32.s32 v38;
	v8 =	vshrl.u32 v3, $0xD  }
0x3c: {  	v3 =	vand.u32 $0x1FFF, v3;
	v11 =	vshrl.u32 v5, $0xD;
	v50 =	vshrl.u32 v6, $0xD  }
0x3d: {  	v5 =	vand.u32 $0x1FFF, v5;
	v13 =	vshrl.u32 v7, $0xD;
	v6 =	vand.u32 $0x1FFF, v6  }
0x3e: {  	v7 =	vand.u32 $0x1FFF, v7;
	v14 =	vshrl.u32 v9, $0xD;
	v56 =	vshrl.u32 v10, $0xD  }
0x3f: {  	v52 =	vld [tilespmem:$0x70];
	v9 =	vand.u32 $0x1FFF, v9;
	v10 =	vand.u32 $0x1FFF, v10;
	v62 =	vshrl.u32 v12, $0xD  }
0x40: {  	v21 =	vand.u32 $0x1FFF, v12;
	v29 =	vshrl.u32 v22, $0xD;
	v32 =	vshrl.u32 v25, $0xD  }
0x41: {  	v33 =	vand.u32 $0x1FFF, v22;
	v8 =	vperm.xlane v4, v8;
	v49 =	vperm.xlane v4, v11  }
0x42: {  	v42 =	vshrl.u32 v37, $0xD;
	v11 =	vperm.xlane v4, v50;
	v51 =	vperm.xlane v4, v13  }
0x43: {  	v44 =	vshrl.u32 v39, $0xD;
	v55 =	vperm.xlane v4, v14;
	v14 =	vperm.xlane v4, v56  }
0x44: {  	v13 =	vtrunc.f32 v52;
	v31 =	vperm.xlane v4, v29;
	v3 =	vadd.s32 v8, v3  }
0x45: {  	v43 =	vperm.xlane v4, v42;
	v13 =	vcvt.f32.s32 v13;
	v5 =	vadd.s32 v49, v5;
	[tilespmem:$0x180] =	vst v3  }
0x46: {  	v6 =	vadd.s32 v11, v6;
	v11 =	vcvt.f32.s32 v53;
	v7 =	vadd.s32 v51, v7;
	[tilespmem:$0x190] =	vst v5  }
0x47: {  	v8 =	vadd.s32 v55, v9;
	v10 =	vadd.s32 v14, v10;
	v14 =	vcvt.f32.s32 v59;
	[tilespmem:$0x1A0] =	vst v6  }
0x48: {  	v17 =	vshrl.u32 v13, $0xD;
	v13 =	vand.u32 $0x1FFF, v13;
	[tilespmem:$0x200] =	vst v8;
	v8 =	vadd.s32 v31, v33  }
0x49: {  	[tilespmem:$0x210] =	vst v10;
	v10 =	vcvt.f32.s32 v40;
	v16 =	vshrl.u32 v11, $0xD;
	v61 =	vperm.xlane v4, v17  }
0x4a: {  	[tilespmem:$0x1B0] =	vst v7;
	v11 =	vand.u32 $0x1FFF, v11;
	v17 =	vperm.xlane v4, v62;
	v19 =	vshrl.u32 v14, $0xD  }
0x4b: {  	[tilespmem:$0x2A0] =	vst v8;
	v57 =	vperm.xlane v4, v16;
	v3 =	vadd.s32 v61, v13;
	v13 =	vcvt.f32.s32 v26  }
0x4c: {  	v28 =	vand.u32 $0x1FFF, v14;
	v63 =	vperm.xlane v4, v19;
	v5 =	vadd.s32 v17, v21;
	[tilespmem:$0x230] =	vst v3  }
0x4d: {  	v9 =	vadd.s32 v57, v11;
	v11 =	vperm.xlane v4, v32;
	[tilespmem:$0x280] =	vst v5;
	v34 =	vshrl.u32 v13, $0xD  }
0x4e: {  	v7 =	vadd.s32 v63, v28;
	v3 =	vand.u32 $0x1FFF, v25;
	[tilespmem:$0x220] =	vst v9;
	v35 =	vperm.xlane v4, v34  }
0x4f: {  	v45 =	vperm.xlane v4, v44;
	[tilespmem:$0x290] =	vst v7;
	v41 =	vand.u32 $0x1FFF, v13;
	v3 =	vadd.s32 v11, v3  }
0x50: {  	v46 =	vshrl.u32 v10, $0xD;
	[tilespmem:$0x2B0] =	vst v3;
	v3 =	vand.u32 $0x1FFF, v37;
	v7 =	vadd.s32 v35, v41  }
0x51: {  	v5 =	vand.u32 $0x1FFF, v39;
	v4 =	vperm.xlane v4, v46;
	v3 =	vadd.s32 v43, v3;
	[tilespmem:$0x300] =	vst v7  }
0x52: {  	v47 =	vand.u32 $0x1FFF, v10;
	[tilespmem:$0x310] =	vst v3;
	v3 =	vadd.s32 v45, v5  }
0x53: {  	s10 =	rddreg [dreg:$0x6];
	[tilespmem:$0x320] =	vst v3;
	v3 =	vadd.s32 v4, v47  }
0x54: {  	s11 =	rddreg [dreg:$0xb];
	[tilespmem:$0x330] =	vst v3  }
0x55: {  	[hbm4b:s10+s3] =	stream.linear.scatter [tilespmem:s11], [sflag:$0x4], $0x200, $0x38;
	[tilespmem:$0x18380] =	vst v63  }
0x56: {  	_ =	swait.ge [sflag:s0], $0x200  }
0x57: {  	[sflag:s0] =	ssyncset.done $0x0  }
0x58: {  	s11 =	simm.s32 $0x380;
	s4 =	rddreg [dreg:$0xc];
	[sflag:s0] =	ssyncadd.s32 $0xFFFFFE00  }
0x59: {  	[tilespmem:s11], [sflag:$0x1] =	stream.linear.gather [hbm4b:s4+s3], $0xC000, $0x38;
	[tilespmem:$0x18380] =	vst v63  }
0x5a: {  	_ =	swait.ge [sflag:s1], $0xC000  }
0x5b: {  	[sflag:s1] =	ssyncset.done $0x0  }
0x5c: {  	s10 =	rddreg [dreg:$0x7];
	[sflag:s1] =	ssyncadd.s32 $0xFFFF4000  }
0x5d: {  	[tilespmem:s13], [sflag:$0x1] =	stream.linear.gather [hbm4b:s10+s3], $0xC000, $0x38;
	[tilespmem:$0x18380] =	vst v63  }
0x5e: {  	v3 =	vld [tilespmem:$0x180];
	_ =	sdelay $0x4  }
0x5f: {  	v48 =	vshrl.u32 v3, $0x3  }
0x60: {  	v4 =	vmul.u32 $0x30, v48  }
0x61: {  	v3 =	vand.u32 $0x7, v3  }
0x62: {  	v3 =	vor.u32 v3, v4  }
0x63: {  	v4 =	vperm.xlane v3, v0;
	_ =	sdelay $0x1  }
0x64: {  	v4 =	vadd.s32 v1, v4;
	_ =	sdelay $0x3  }
0x65: {  	v3 =	vperm.xlane v3, v2  }
0x66: {  	[hbm4b:s2+s3] =	stream.indirect_vreg.scatter [tilespmem:s11], [sflag:$0x2], $0x80, v4, vm0, $0xb8;
	[tilespmem:$0x18380] =	vst v63  }
0x67: {  	s17 =	simm.s32 $0xB80;
	v3 =	vadd.s32 v1, v3  }
0x68: {  	[hbm4b:s5+s3] =	stream.indirect_vreg.scatter [tilespmem:s17], [sflag:$0x2], $0x80, v4, vm0, $0xb8;
	[tilespmem:$0x18380] =	vst v63  }
0x69: {  	s18 =	simm.s32 $0x1380  }
0x6a: {  	[hbm4b:s6+s3] =	stream.indirect_vreg.scatter [tilespmem:s18], [sflag:$0x2], $0x80, v4, vm0, $0xb8;
	[tilespmem:$0x18380] =	vst v63  }
0x6b: {  	s4 =	simm.s32 $0x1B80  }
0x6c: {  	[hbm4b:s2+s3] =	stream.indirect_vreg.scatter [tilespmem:s4], [sflag:$0x2], $0x80, v3, vm0, $0xb8;
	[tilespmem:$0x18380] =	vst v63  }
0x6d: {  	s10 =	simm.s32 $0x2380  }
0x6e: {  	[hbm4b:s5+s3] =	stream.indirect_vreg.scatter [tilespmem:s10], [sflag:$0x2], $0x80, v3, vm0, $0xb8;
	[tilespmem:$0x18380] =	vst v63  }
0x6f: {  	s17 =	simm.s32 $0x2B80  }
0x70: {  	[hbm4b:s6+s3] =	stream.indirect_vreg.scatter [tilespmem:s17], [sflag:$0x2], $0x80, v3, vm0, $0xb8;
	[tilespmem:$0x18380] =	vst v63  }
0x71: {  	v3 =	vld [tilespmem:$0x190];
	_ =	sdelay $0x4  }
0x72: {  	v49 =	vshrl.u32 v3, $0x3  }
0x73: {  	v4 =	vmul.u32 $0x30, v49  }
0x74: {  	v3 =	vand.u32 $0x7, v3  }
0x75: {  	v3 =	vor.u32 v3, v4  }
0x76: {  	v4 =	vperm.xlane v3, v0;
	_ =	sdelay $0x1  }
0x77: {  	v4 =	vadd.s32 v1, v4;
	_ =	sdelay $0x3  }
0x78: {  	s18 =	simm.s32 $0x3380;
	v3 =	vperm.xlane v3, v2  }
0x79: {  	[hbm4b:s2+s3] =	stream.indirect_vreg.scatter [tilespmem:s18], [sflag:$0x2], $0x80, v4, vm0, $0xb8;
	[tilespmem:$0x18380] =	vst v63  }
0x7a: {  	s4 =	simm.s32 $0x3B80;
	v3 =	vadd.s32 v1, v3  }
0x7b: {  	[hbm4b:s5+s3] =	stream.indirect_vreg.scatter [tilespmem:s4], [sflag:$0x2], $0x80, v4, vm0, $0xb8;
	[tilespmem:$0x18380] =	vst v63  }
0x7c: {  	s10 =	simm.s32 $0x4380  }
0x7d: {  	[hbm4b:s6+s3] =	stream.indirect_vreg.scatter [tilespmem:s10], [sflag:$0x2], $0x80, v4, vm0, $0xb8;
	[tilespmem:$0x18380] =	vst v63  }
0x7e: {  	s17 =	simm.s32 $0x4B80  }
0x7f: {  	[hbm4b:s2+s3] =	stream.indirect_vreg.scatter [tilespmem:s17], [sflag:$0x2], $0x80, v3, vm0, $0xb8;
	[tilespmem:$0x18380] =	vst v63  }
0x80: {  	s18 =	simm.s32 $0x5380  }
0x81: {  	[hbm4b:s5+s3] =	stream.indirect_vreg.scatter [tilespmem:s18], [sflag:$0x2], $0x80, v3, vm0, $0xb8;
	[tilespmem:$0x18380] =	vst v63  }
0x82: {  	s4 =	simm.s32 $0x5B80  }
0x83: {  	[hbm4b:s6+s3] =	stream.indirect_vreg.scatter [tilespmem:s4], [sflag:$0x2], $0x80, v3, vm0, $0xb8;
	[tilespmem:$0x18380] =	vst v63  }
0x84: {  	v3 =	vld [tilespmem:$0x1A0];
	_ =	sdelay $0x4  }
0x85: {  	v50 =	vshrl.u32 v3, $0x3  }
0x86: {  	v4 =	vmul.u32 $0x30, v50  }
0x87: {  	v3 =	vand.u32 $0x7, v3  }
0x88: {  	v3 =	vor.u32 v3, v4  }
0x89: {  	v4 =	vperm.xlane v3, v0;
	_ =	sdelay $0x1  }
0x8a: {  	v4 =	vadd.s32 v1, v4;
	_ =	sdelay $0x3  }
0x8b: {  	s10 =	simm.s32 $0x6380;
	v3 =	vperm.xlane v3, v2  }
0x8c: {  	[hbm4b:s2+s3] =	stream.indirect_vreg.scatter [tilespmem:s10], [sflag:$0x2], $0x80, v4, vm0, $0xb8;
	[tilespmem:$0x18380] =	vst v63  }
0x8d: {  	s17 =	simm.s32 $0x6B80;
	v3 =	vadd.s32 v1, v3  }
0x8e: {  	[hbm4b:s5+s3] =	stream.indirect_vreg.scatter [tilespmem:s17], [sflag:$0x2], $0x80, v4, vm0, $0xb8;
	[tilespmem:$0x18380] =	vst v63  }
0x8f: {  	s18 =	simm.s32 $0x7380  }
0x90: {  	[hbm4b:s6+s3] =	stream.indirect_vreg.scatter [tilespmem:s18], [sflag:$0x2], $0x80, v4, vm0, $0xb8;
	[tilespmem:$0x18380] =	vst v63  }
0x91: {  	s4 =	simm.s32 $0x7B80  }
0x92: {  	[hbm4b:s2+s3] =	stream.indirect_vreg.scatter [tilespmem:s4], [sflag:$0x2], $0x80, v3, vm0, $0xb8;
	[tilespmem:$0x18380] =	vst v63  }
0x93: {  	s10 =	simm.s32 $0x8380  }
0x94: {  	[hbm4b:s5+s3] =	stream.indirect_vreg.scatter [tilespmem:s10], [sflag:$0x2], $0x80, v3, vm0, $0xb8;
	[tilespmem:$0x18380] =	vst v63  }
0x95: {  	s17 =	simm.s32 $0x8B80  }
0x96: {  	[hbm4b:s6+s3] =	stream.indirect_vreg.scatter [tilespmem:s17], [sflag:$0x2], $0x80, v3, vm0, $0xb8;
	[tilespmem:$0x18380] =	vst v63  }
0x97: {  	v3 =	vld [tilespmem:$0x1B0];
	_ =	sdelay $0x4  }
0x98: {  	v51 =	vshrl.u32 v3, $0x3  }
0x99: {  	v4 =	vmul.u32 $0x30, v51  }
0x9a: {  	v3 =	vand.u32 $0x7, v3  }
0x9b: {  	v3 =	vor.u32 v3, v4  }
0x9c: {  	v4 =	vperm.xlane v3, v0;
	_ =	sdelay $0x1  }
0x9d: {  	v4 =	vadd.s32 v1, v4;
	_ =	sdelay $0x3  }
0x9e: {  	s18 =	simm.s32 $0x9380;
	v3 =	vperm.xlane v3, v2  }
0x9f: {  	[hbm4b:s2+s3] =	stream.indirect_vreg.scatter [tilespmem:s18], [sflag:$0x2], $0x80, v4, vm0, $0xb8;
	[tilespmem:$0x18380] =	vst v63  }
0xa0: {  	s4 =	simm.s32 $0x9B80;
	v3 =	vadd.s32 v1, v3  }
0xa1: {  	[hbm4b:s5+s3] =	stream.indirect_vreg.scatter [tilespmem:s4], [sflag:$0x2], $0x80, v4, vm0, $0xb8;
	[tilespmem:$0x18380] =	vst v63  }
0xa2: {  	s10 =	simm.s32 $0xA380  }
0xa3: {  	[hbm4b:s6+s3] =	stream.indirect_vreg.scatter [tilespmem:s10], [sflag:$0x2], $0x80, v4, vm0, $0xb8;
	[tilespmem:$0x18380] =	vst v63  }
0xa4: {  	s17 =	simm.s32 $0xAB80  }
0xa5: {  	[hbm4b:s2+s3] =	stream.indirect_vreg.scatter [tilespmem:s17], [sflag:$0x2], $0x80, v3, vm0, $0xb8;
	[tilespmem:$0x18380] =	vst v63  }
0xa6: {  	s18 =	simm.s32 $0xB380  }
0xa7: {  	[hbm4b:s5+s3] =	stream.indirect_vreg.scatter [tilespmem:s18], [sflag:$0x2], $0x80, v3, vm0, $0xb8;
	[tilespmem:$0x18380] =	vst v63  }
0xa8: {  	s4 =	simm.s32 $0xBB80  }
0xa9: {  	[hbm4b:s6+s3] =	stream.indirect_vreg.scatter [tilespmem:s4], [sflag:$0x2], $0x80, v3, vm0, $0xb8;
	[tilespmem:$0x18380] =	vst v63  }
0xaa: {  	_ =	swait.ge [sflag:s1], $0xC000  }
0xab: {  	[sflag:s1] =	ssyncset.done $0x0  }
0xac: {  	s0 =	simm.s32 $0x2;
	[sflag:s1] =	ssyncadd.s32 $0xFFFF4000  }
0xad: {  	_ =	swait.ge [sflag:s0], $0xC000  }
0xae: {  	[sflag:s0] =	ssyncset.done $0x0  }
0xaf: {  	s10 =	rddreg [dreg:$0x8];
	[sflag:s0] =	ssyncadd.s32 $0xFFFF4000  }
0xb0: {  	[tilespmem:s11], [sflag:$0x1] =	stream.linear.gather [hbm4b:s10+s3], $0xC000, $0x38;
	[tilespmem:$0x18380] =	vst v63  }
0xb1: {  	v3 =	vld [tilespmem:$0x200];
	_ =	sdelay $0x4  }
0xb2: {  	v52 =	vshrl.u32 v3, $0x3  }
0xb3: {  	v4 =	vmul.u32 $0x30, v52  }
0xb4: {  	v3 =	vand.u32 $0x7, v3  }
0xb5: {  	v3 =	vor.u32 v3, v4  }
0xb6: {  	v4 =	vperm.xlane v3, v0;
	_ =	sdelay $0x1  }
0xb7: {  	v4 =	vadd.s32 v1, v4;
	_ =	sdelay $0x3  }
0xb8: {  	v3 =	vperm.xlane v3, v2  }
0xb9: {  	[hbm4b:s2+s3] =	stream.indirect_vreg.scatter [tilespmem:s13], [sflag:$0x3], $0x80, v4, vm0, $0xb8;
	[tilespmem:$0x18380] =	vst v63  }
0xba: {  	s4 =	simm.s32 $0xCB80;
	v3 =	vadd.s32 v1, v3  }
0xbb: {  	[hbm4b:s5+s3] =	stream.indirect_vreg.scatter [tilespmem:s4], [sflag:$0x3], $0x80, v4, vm0, $0xb8;
	[tilespmem:$0x18380] =	vst v63  }
0xbc: {  	s4 =	simm.s32 $0xD380  }
0xbd: {  	[hbm4b:s6+s3] =	stream.indirect_vreg.scatter [tilespmem:s4], [sflag:$0x3], $0x80, v4, vm0, $0xb8;
	[tilespmem:$0x18380] =	vst v63  }
0xbe: {  	_ = 	snop  }
0xbf: {  	[hbm4b:s2+s3] =	stream.indirect_vreg.scatter [tilespmem:s8], [sflag:$0x3], $0x80, v3, vm0, $0xb8;
	[tilespmem:$0x18380] =	vst v63  }
0xc0: {  	_ = 	snop  }
0xc1: {  	[hbm4b:s5+s3] =	stream.indirect_vreg.scatter [tilespmem:s9], [sflag:$0x3], $0x80, v3, vm0, $0xb8;
	[tilespmem:$0x18380] =	vst v63  }
0xc2: {  	_ = 	snop  }
0xc3: {  	[hbm4b:s6+s3] =	stream.indirect_vreg.scatter [tilespmem:s12], [sflag:$0x3], $0x80, v3, vm0, $0xb8;
	[tilespmem:$0x18380] =	vst v63  }
0xc4: {  	v3 =	vld [tilespmem:$0x210];
	_ =	sdelay $0x4  }
0xc5: {  	v53 =	vshrl.u32 v3, $0x3  }
0xc6: {  	v4 =	vmul.u32 $0x30, v53  }
0xc7: {  	v3 =	vand.u32 $0x7, v3  }
0xc8: {  	v3 =	vor.u32 v3, v4  }
0xc9: {  	v4 =	vperm.xlane v3, v0;
	_ =	sdelay $0x1  }
0xca: {  	v4 =	vadd.s32 v1, v4;
	_ =	sdelay $0x3  }
0xcb: {  	v3 =	vperm.xlane v3, v2  }
0xcc: {  	[hbm4b:s2+s3] =	stream.indirect_vreg.scatter [tilespmem:s14], [sflag:$0x3], $0x80, v4, vm0, $0xb8;
	[tilespmem:$0x18380] =	vst v63  }
0xcd: {  	v3 =	vadd.s32 v1, v3  }
0xce: {  	[hbm4b:s5+s3] =	stream.indirect_vreg.scatter [tilespmem:s15], [sflag:$0x3], $0x80, v4, vm0, $0xb8;
	[tilespmem:$0x18380] =	vst v63  }
0xcf: {  	_ = 	snop  }
0xd0: {  	[hbm4b:s6+s3] =	stream.indirect_vreg.scatter [tilespmem:s16], [sflag:$0x3], $0x80, v4, vm0, $0xb8;
	[tilespmem:$0x18380] =	vst v63  }
0xd1: {  	s18 =	simm.s32 $0x10B80  }
0xd2: {  	[hbm4b:s2+s3] =	stream.indirect_vreg.scatter [tilespmem:s18], [sflag:$0x3], $0x80, v3, vm0, $0xb8;
	[tilespmem:$0x18380] =	vst v63  }
0xd3: {  	_ = 	snop  }
0xd4: {  	[hbm4b:s5+s3] =	stream.indirect_vreg.scatter [tilespmem:s19], [sflag:$0x3], $0x80, v3, vm0, $0xb8;
	[tilespmem:$0x18380] =	vst v63  }
0xd5: {  	_ = 	snop  }
0xd6: {  	[hbm4b:s6+s3] =	stream.indirect_vreg.scatter [tilespmem:s20], [sflag:$0x3], $0x80, v3, vm0, $0xb8;
	[tilespmem:$0x18380] =	vst v63  }
0xd7: {  	v3 =	vld [tilespmem:$0x220];
	_ =	sdelay $0x4  }
0xd8: {  	v54 =	vshrl.u32 v3, $0x3  }
0xd9: {  	v4 =	vmul.u32 $0x30, v54  }
0xda: {  	v3 =	vand.u32 $0x7, v3  }
0xdb: {  	v3 =	vor.u32 v3, v4  }
0xdc: {  	v4 =	vperm.xlane v3, v0;
	_ =	sdelay $0x1  }
0xdd: {  	v4 =	vadd.s32 v1, v4;
	_ =	sdelay $0x3  }
0xde: {  	v3 =	vperm.xlane v3, v2  }
0xdf: {  	[hbm4b:s2+s3] =	stream.indirect_vreg.scatter [tilespmem:s21], [sflag:$0x3], $0x80, v4, vm0, $0xb8;
	[tilespmem:$0x18380] =	vst v63  }
0xe0: {  	v3 =	vadd.s32 v1, v3  }
0xe1: {  	[hbm4b:s5+s3] =	stream.indirect_vreg.scatter [tilespmem:s22], [sflag:$0x3], $0x80, v4, vm0, $0xb8;
	[tilespmem:$0x18380] =	vst v63  }
0xe2: {  	_ = 	snop  }
0xe3: {  	[hbm4b:s6+s3] =	stream.indirect_vreg.scatter [tilespmem:s23], [sflag:$0x3], $0x80, v4, vm0, $0xb8;
	[tilespmem:$0x18380] =	vst v63  }
0xe4: {  	_ = 	snop  }
0xe5: {  	[hbm4b:s2+s3] =	stream.indirect_vreg.scatter [tilespmem:s24], [sflag:$0x3], $0x80, v3, vm0, $0xb8;
	[tilespmem:$0x18380] =	vst v63  }
0xe6: {  	_ = 	snop  }
0xe7: {  	[hbm4b:s5+s3] =	stream.indirect_vreg.scatter [tilespmem:s25], [sflag:$0x3], $0x80, v3, vm0, $0xb8;
	[tilespmem:$0x18380] =	vst v63  }
0xe8: {  	_ = 	snop  }
0xe9: {  	[hbm4b:s6+s3] =	stream.indirect_vreg.scatter [tilespmem:s26], [sflag:$0x3], $0x80, v3, vm0, $0xb8;
	[tilespmem:$0x18380] =	vst v63  }
0xea: {  	v3 =	vld [tilespmem:$0x230];
	_ =	sdelay $0x4  }
0xeb: {  	v55 =	vshrl.u32 v3, $0x3  }
0xec: {  	v4 =	vmul.u32 $0x30, v55  }
0xed: {  	v3 =	vand.u32 $0x7, v3  }
0xee: {  	v3 =	vor.u32 v3, v4  }
0xef: {  	v4 =	vperm.xlane v3, v0;
	_ =	sdelay $0x1  }
0xf0: {  	v4 =	vadd.s32 v1, v4;
	_ =	sdelay $0x3  }
0xf1: {  	v3 =	vperm.xlane v3, v2  }
0xf2: {  	[hbm4b:s2+s3] =	stream.indirect_vreg.scatter [tilespmem:s28], [sflag:$0x3], $0x80, v4, vm0, $0xb8;
	[tilespmem:$0x18380] =	vst v63  }
0xf3: {  	v3 =	vadd.s32 v1, v3  }
0xf4: {  	[hbm4b:s5+s3] =	stream.indirect_vreg.scatter [tilespmem:s29], [sflag:$0x3], $0x80, v4, vm0, $0xb8;
	[tilespmem:$0x18380] =	vst v63  }
0xf5: {  	_ = 	snop  }
0xf6: {  	[hbm4b:s6+s3] =	stream.indirect_vreg.scatter [tilespmem:s30], [sflag:$0x3], $0x80, v4, vm0, $0xb8;
	[tilespmem:$0x18380] =	vst v63  }
0xf7: {  	_ = 	snop  }
0xf8: {  	[hbm4b:s2+s3] =	stream.indirect_vreg.scatter [tilespmem:s31], [sflag:$0x3], $0x80, v3, vm0, $0xb8;
	[tilespmem:$0x18380] =	vst v63  }
0xf9: {  	s10 =	simm.s32 $0x17380  }
0xfa: {  	[hbm4b:s5+s3] =	stream.indirect_vreg.scatter [tilespmem:s10], [sflag:$0x3], $0x80, v3, vm0, $0xb8;
	[tilespmem:$0x18380] =	vst v63  }
0xfb: {  	s17 =	simm.s32 $0x17B80  }
0xfc: {  	[hbm4b:s6+s3] =	stream.indirect_vreg.scatter [tilespmem:s17], [sflag:$0x3], $0x80, v3, vm0, $0xb8;
	[tilespmem:$0x18380] =	vst v63  }
0xfd: {  	_ =	swait.ge [sflag:s1], $0xC000  }
0xfe: {  	[sflag:s1] =	ssyncset.done $0x0  }
0xff: {  	s10 =	simm.s32 $0x3;
	[sflag:s1] =	ssyncadd.s32 $0xFFFF4000  }
0x100: {  	_ =	swait.ge [sflag:s10], $0xC000  }
0x101: {  	[sflag:s10] =	ssyncset.done $0x0  }
0x102: {  	s17 =	rddreg [dreg:$0x9];
	[sflag:s10] =	ssyncadd.s32 $0xFFFF4000  }
0x103: {  	[tilespmem:s13], [sflag:$0x1] =	stream.linear.gather [hbm4b:s17+s3], $0xC000, $0x38;
	[tilespmem:$0x18380] =	vst v63  }
0x104: {  	v3 =	vld [tilespmem:$0x280];
	_ =	sdelay $0x4  }
0x105: {  	v56 =	vshrl.u32 v3, $0x3  }
0x106: {  	v4 =	vmul.u32 $0x30, v56  }
0x107: {  	v3 =	vand.u32 $0x7, v3  }
0x108: {  	v3 =	vor.u32 v3, v4  }
0x109: {  	v4 =	vperm.xlane v3, v0;
	_ =	sdelay $0x1  }
0x10a: {  	v4 =	vadd.s32 v1, v4;
	_ =	sdelay $0x3  }
0x10b: {  	v3 =	vperm.xlane v3, v2  }
0x10c: {  	[hbm4b:s2+s3] =	stream.indirect_vreg.scatter [tilespmem:s11], [sflag:$0x2], $0x80, v4, vm0, $0xb8;
	[tilespmem:$0x18380] =	vst v63  }
0x10d: {  	s17 =	simm.s32 $0xB80;
	v3 =	vadd.s32 v1, v3  }
0x10e: {  	[hbm4b:s5+s3] =	stream.indirect_vreg.scatter [tilespmem:s17], [sflag:$0x2], $0x80, v4, vm0, $0xb8;
	[tilespmem:$0x18380] =	vst v63  }
0x10f: {  	s17 =	simm.s32 $0x1380  }
0x110: {  	[hbm4b:s6+s3] =	stream.indirect_vreg.scatter [tilespmem:s17], [sflag:$0x2], $0x80, v4, vm0, $0xb8;
	[tilespmem:$0x18380] =	vst v63  }
0x111: {  	s17 =	simm.s32 $0x1B80  }
0x112: {  	[hbm4b:s2+s3] =	stream.indirect_vreg.scatter [tilespmem:s17], [sflag:$0x2], $0x80, v3, vm0, $0xb8;
	[tilespmem:$0x18380] =	vst v63  }
0x113: {  	s17 =	simm.s32 $0x2380  }
0x114: {  	[hbm4b:s5+s3] =	stream.indirect_vreg.scatter [tilespmem:s17], [sflag:$0x2], $0x80, v3, vm0, $0xb8;
	[tilespmem:$0x18380] =	vst v63  }
0x115: {  	s17 =	simm.s32 $0x2B80  }
0x116: {  	[hbm4b:s6+s3] =	stream.indirect_vreg.scatter [tilespmem:s17], [sflag:$0x2], $0x80, v3, vm0, $0xb8;
	[tilespmem:$0x18380] =	vst v63  }
0x117: {  	v3 =	vld [tilespmem:$0x290];
	_ =	sdelay $0x4  }
0x118: {  	v57 =	vshrl.u32 v3, $0x3  }
0x119: {  	v4 =	vmul.u32 $0x30, v57  }
0x11a: {  	v3 =	vand.u32 $0x7, v3  }
0x11b: {  	v3 =	vor.u32 v3, v4  }
0x11c: {  	v4 =	vperm.xlane v3, v0;
	_ =	sdelay $0x1  }
0x11d: {  	v4 =	vadd.s32 v1, v4;
	_ =	sdelay $0x3  }
0x11e: {  	s17 =	simm.s32 $0x3380;
	v3 =	vperm.xlane v3, v2  }
0x11f: {  	[hbm4b:s2+s3] =	stream.indirect_vreg.scatter [tilespmem:s17], [sflag:$0x2], $0x80, v4, vm0, $0xb8;
	[tilespmem:$0x18380] =	vst v63  }
0x120: {  	v3 =	vadd.s32 v1, v3;
	s17 =	simm.s32 $0x3B80  }
0x121: {  	[hbm4b:s5+s3] =	stream.indirect_vreg.scatter [tilespmem:s17], [sflag:$0x2], $0x80, v4, vm0, $0xb8;
	[tilespmem:$0x18380] =	vst v63  }
0x122: {  	s17 =	simm.s32 $0x4380  }
0x123: {  	[hbm4b:s6+s3] =	stream.indirect_vreg.scatter [tilespmem:s17], [sflag:$0x2], $0x80, v4, vm0, $0xb8;
	[tilespmem:$0x18380] =	vst v63  }
0x124: {  	s17 =	simm.s32 $0x4B80  }
0x125: {  	[hbm4b:s2+s3] =	stream.indirect_vreg.scatter [tilespmem:s17], [sflag:$0x2], $0x80, v3, vm0, $0xb8;
	[tilespmem:$0x18380] =	vst v63  }
0x126: {  	s17 =	simm.s32 $0x5380  }
0x127: {  	[hbm4b:s5+s3] =	stream.indirect_vreg.scatter [tilespmem:s17], [sflag:$0x2], $0x80, v3, vm0, $0xb8;
	[tilespmem:$0x18380] =	vst v63  }
0x128: {  	s17 =	simm.s32 $0x5B80  }
0x129: {  	[hbm4b:s6+s3] =	stream.indirect_vreg.scatter [tilespmem:s17], [sflag:$0x2], $0x80, v3, vm0, $0xb8;
	[tilespmem:$0x18380] =	vst v63  }
0x12a: {  	v3 =	vld [tilespmem:$0x2A0];
	_ =	sdelay $0x4  }
0x12b: {  	v58 =	vshrl.u32 v3, $0x3  }
0x12c: {  	v4 =	vmul.u32 $0x30, v58  }
0x12d: {  	v3 =	vand.u32 $0x7, v3  }
0x12e: {  	v3 =	vor.u32 v3, v4  }
0x12f: {  	v4 =	vperm.xlane v3, v0;
	_ =	sdelay $0x1  }
0x130: {  	v4 =	vadd.s32 v1, v4;
	_ =	sdelay $0x3  }
0x131: {  	s17 =	simm.s32 $0x6380;
	v3 =	vperm.xlane v3, v2  }
0x132: {  	[hbm4b:s2+s3] =	stream.indirect_vreg.scatter [tilespmem:s17], [sflag:$0x2], $0x80, v4, vm0, $0xb8;
	[tilespmem:$0x18380] =	vst v63  }
0x133: {  	v3 =	vadd.s32 v1, v3;
	s17 =	simm.s32 $0x6B80  }
0x134: {  	[hbm4b:s5+s3] =	stream.indirect_vreg.scatter [tilespmem:s17], [sflag:$0x2], $0x80, v4, vm0, $0xb8;
	[tilespmem:$0x18380] =	vst v63  }
0x135: {  	s17 =	simm.s32 $0x7380  }
0x136: {  	[hbm4b:s6+s3] =	stream.indirect_vreg.scatter [tilespmem:s17], [sflag:$0x2], $0x80, v4, vm0, $0xb8;
	[tilespmem:$0x18380] =	vst v63  }
0x137: {  	s17 =	simm.s32 $0x7B80  }
0x138: {  	[hbm4b:s2+s3] =	stream.indirect_vreg.scatter [tilespmem:s17], [sflag:$0x2], $0x80, v3, vm0, $0xb8;
	[tilespmem:$0x18380] =	vst v63  }
0x139: {  	s17 =	simm.s32 $0x8380  }
0x13a: {  	[hbm4b:s5+s3] =	stream.indirect_vreg.scatter [tilespmem:s17], [sflag:$0x2], $0x80, v3, vm0, $0xb8;
	[tilespmem:$0x18380] =	vst v63  }
0x13b: {  	s17 =	simm.s32 $0x8B80  }
0x13c: {  	[hbm4b:s6+s3] =	stream.indirect_vreg.scatter [tilespmem:s17], [sflag:$0x2], $0x80, v3, vm0, $0xb8;
	[tilespmem:$0x18380] =	vst v63  }
0x13d: {  	v3 =	vld [tilespmem:$0x2B0];
	_ =	sdelay $0x4  }
0x13e: {  	v59 =	vshrl.u32 v3, $0x3  }
0x13f: {  	v4 =	vmul.u32 $0x30, v59  }
0x140: {  	v3 =	vand.u32 $0x7, v3  }
0x141: {  	v3 =	vor.u32 v3, v4  }
0x142: {  	v4 =	vperm.xlane v3, v0;
	_ =	sdelay $0x1  }
0x143: {  	v4 =	vadd.s32 v1, v4;
	_ =	sdelay $0x3  }
0x144: {  	s17 =	simm.s32 $0x9380;
	v3 =	vperm.xlane v3, v2  }
0x145: {  	[hbm4b:s2+s3] =	stream.indirect_vreg.scatter [tilespmem:s17], [sflag:$0x2], $0x80, v4, vm0, $0xb8;
	[tilespmem:$0x18380] =	vst v63  }
0x146: {  	v3 =	vadd.s32 v1, v3;
	s17 =	simm.s32 $0x9B80  }
0x147: {  	[hbm4b:s5+s3] =	stream.indirect_vreg.scatter [tilespmem:s17], [sflag:$0x2], $0x80, v4, vm0, $0xb8;
	[tilespmem:$0x18380] =	vst v63  }
0x148: {  	s17 =	simm.s32 $0xA380  }
0x149: {  	[hbm4b:s6+s3] =	stream.indirect_vreg.scatter [tilespmem:s17], [sflag:$0x2], $0x80, v4, vm0, $0xb8;
	[tilespmem:$0x18380] =	vst v63  }
0x14a: {  	s17 =	simm.s32 $0xAB80  }
0x14b: {  	[hbm4b:s2+s3] =	stream.indirect_vreg.scatter [tilespmem:s17], [sflag:$0x2], $0x80, v3, vm0, $0xb8;
	[tilespmem:$0x18380] =	vst v63  }
0x14c: {  	s17 =	simm.s32 $0xB380  }
0x14d: {  	[hbm4b:s5+s3] =	stream.indirect_vreg.scatter [tilespmem:s17], [sflag:$0x2], $0x80, v3, vm0, $0xb8;
	[tilespmem:$0x18380] =	vst v63  }
0x14e: {  	s17 =	simm.s32 $0xBB80  }
0x14f: {  	[hbm4b:s6+s3] =	stream.indirect_vreg.scatter [tilespmem:s17], [sflag:$0x2], $0x80, v3, vm0, $0xb8;
	[tilespmem:$0x18380] =	vst v63  }
0x150: {  	_ =	swait.ge [sflag:s1], $0xC000  }
0x151: {  	[sflag:s1] =	ssyncset.done $0x0  }
0x152: {  	[sflag:s1] =	ssyncadd.s32 $0xFFFF4000  }
0x153: {  	v3 =	vld [tilespmem:$0x300];
	_ =	sdelay $0x4  }
0x154: {  	v60 =	vshrl.u32 v3, $0x3  }
0x155: {  	v4 =	vmul.u32 $0x30, v60  }
0x156: {  	v3 =	vand.u32 $0x7, v3  }
0x157: {  	v3 =	vor.u32 v3, v4  }
0x158: {  	v4 =	vperm.xlane v3, v0;
	_ =	sdelay $0x1  }
0x159: {  	v4 =	vadd.s32 v1, v4;
	_ =	sdelay $0x3  }
0x15a: {  	v3 =	vperm.xlane v3, v2  }
0x15b: {  	[hbm4b:s2+s3] =	stream.indirect_vreg.scatter [tilespmem:s13], [sflag:$0x3], $0x80, v4, vm0, $0xb8;
	[tilespmem:$0x18380] =	vst v63  }
0x15c: {  	s17 =	simm.s32 $0xCB80;
	v3 =	vadd.s32 v1, v3  }
0x15d: {  	[hbm4b:s5+s3] =	stream.indirect_vreg.scatter [tilespmem:s17], [sflag:$0x3], $0x80, v4, vm0, $0xb8;
	[tilespmem:$0x18380] =	vst v63  }
0x15e: {  	_ = 	snop  }
0x15f: {  	[hbm4b:s6+s3] =	stream.indirect_vreg.scatter [tilespmem:s4], [sflag:$0x3], $0x80, v4, vm0, $0xb8;
	[tilespmem:$0x18380] =	vst v63  }
0x160: {  	_ = 	snop  }
0x161: {  	[hbm4b:s2+s3] =	stream.indirect_vreg.scatter [tilespmem:s8], [sflag:$0x3], $0x80, v3, vm0, $0xb8;
	[tilespmem:$0x18380] =	vst v63  }
0x162: {  	_ = 	snop  }
0x163: {  	[hbm4b:s5+s3] =	stream.indirect_vreg.scatter [tilespmem:s9], [sflag:$0x3], $0x80, v3, vm0, $0xb8;
	[tilespmem:$0x18380] =	vst v63  }
0x164: {  	_ = 	snop  }
0x165: {  	[hbm4b:s6+s3] =	stream.indirect_vreg.scatter [tilespmem:s12], [sflag:$0x3], $0x80, v3, vm0, $0xb8;
	[tilespmem:$0x18380] =	vst v63  }
0x166: {  	v3 =	vld [tilespmem:$0x310];
	_ =	sdelay $0x4  }
0x167: {  	v61 =	vshrl.u32 v3, $0x3  }
0x168: {  	v4 =	vmul.u32 $0x30, v61  }
0x169: {  	v3 =	vand.u32 $0x7, v3  }
0x16a: {  	v3 =	vor.u32 v3, v4  }
0x16b: {  	v4 =	vperm.xlane v3, v0;
	_ =	sdelay $0x1  }
0x16c: {  	v4 =	vadd.s32 v1, v4;
	_ =	sdelay $0x3  }
0x16d: {  	v3 =	vperm.xlane v3, v2  }
0x16e: {  	[hbm4b:s2+s3] =	stream.indirect_vreg.scatter [tilespmem:s14], [sflag:$0x3], $0x80, v4, vm0, $0xb8;
	[tilespmem:$0x18380] =	vst v63  }
0x16f: {  	v3 =	vadd.s32 v1, v3  }
0x170: {  	[hbm4b:s5+s3] =	stream.indirect_vreg.scatter [tilespmem:s15], [sflag:$0x3], $0x80, v4, vm0, $0xb8;
	[tilespmem:$0x18380] =	vst v63  }
0x171: {  	_ = 	snop  }
0x172: {  	[hbm4b:s6+s3] =	stream.indirect_vreg.scatter [tilespmem:s16], [sflag:$0x3], $0x80, v4, vm0, $0xb8;
	[tilespmem:$0x18380] =	vst v63  }
0x173: {  	_ = 	snop  }
0x174: {  	[hbm4b:s2+s3] =	stream.indirect_vreg.scatter [tilespmem:s18], [sflag:$0x3], $0x80, v3, vm0, $0xb8;
	[tilespmem:$0x18380] =	vst v63  }
0x175: {  	_ = 	snop  }
0x176: {  	[hbm4b:s5+s3] =	stream.indirect_vreg.scatter [tilespmem:s19], [sflag:$0x3], $0x80, v3, vm0, $0xb8;
	[tilespmem:$0x18380] =	vst v63  }
0x177: {  	_ = 	snop  }
0x178: {  	[hbm4b:s6+s3] =	stream.indirect_vreg.scatter [tilespmem:s20], [sflag:$0x3], $0x80, v3, vm0, $0xb8;
	[tilespmem:$0x18380] =	vst v63  }
0x179: {  	v3 =	vld [tilespmem:$0x320];
	_ =	sdelay $0x4  }
0x17a: {  	v62 =	vshrl.u32 v3, $0x3  }
0x17b: {  	v4 =	vmul.u32 $0x30, v62  }
0x17c: {  	v3 =	vand.u32 $0x7, v3  }
0x17d: {  	v3 =	vor.u32 v3, v4  }
0x17e: {  	v4 =	vperm.xlane v3, v0;
	_ =	sdelay $0x1  }
0x17f: {  	v4 =	vadd.s32 v1, v4;
	_ =	sdelay $0x3  }
0x180: {  	v3 =	vperm.xlane v3, v2  }
0x181: {  	[hbm4b:s2+s3] =	stream.indirect_vreg.scatter [tilespmem:s21], [sflag:$0x3], $0x80, v4, vm0, $0xb8;
	[tilespmem:$0x18380] =	vst v63  }
0x182: {  	v3 =	vadd.s32 v1, v3  }
0x183: {  	[hbm4b:s5+s3] =	stream.indirect_vreg.scatter [tilespmem:s22], [sflag:$0x3], $0x80, v4, vm0, $0xb8;
	[tilespmem:$0x18380] =	vst v63  }
0x184: {  	_ = 	snop  }
0x185: {  	[hbm4b:s6+s3] =	stream.indirect_vreg.scatter [tilespmem:s23], [sflag:$0x3], $0x80, v4, vm0, $0xb8;
	[tilespmem:$0x18380] =	vst v63  }
0x186: {  	_ = 	snop  }
0x187: {  	[hbm4b:s2+s3] =	stream.indirect_vreg.scatter [tilespmem:s24], [sflag:$0x3], $0x80, v3, vm0, $0xb8;
	[tilespmem:$0x18380] =	vst v63  }
0x188: {  	_ = 	snop  }
0x189: {  	[hbm4b:s5+s3] =	stream.indirect_vreg.scatter [tilespmem:s25], [sflag:$0x3], $0x80, v3, vm0, $0xb8;
	[tilespmem:$0x18380] =	vst v63  }
0x18a: {  	_ = 	snop  }
0x18b: {  	[hbm4b:s6+s3] =	stream.indirect_vreg.scatter [tilespmem:s26], [sflag:$0x3], $0x80, v3, vm0, $0xb8;
	[tilespmem:$0x18380] =	vst v63  }
0x18c: {  	v3 =	vld [tilespmem:$0x330];
	_ =	sdelay $0x4  }
0x18d: {  	v63 =	vshrl.u32 v3, $0x3  }
0x18e: {  	v4 =	vmul.u32 $0x30, v63  }
0x18f: {  	v3 =	vand.u32 $0x7, v3  }
0x190: {  	v3 =	vor.u32 v3, v4  }
0x191: {  	v4 =	vperm.xlane v3, v0;
	_ =	sdelay $0x1  }
0x192: {  	v4 =	vadd.s32 v1, v4;
	_ =	sdelay $0x3  }
0x193: {  	v3 =	vperm.xlane v3, v2  }
0x194: {  	[hbm4b:s2+s3] =	stream.indirect_vreg.scatter [tilespmem:s28], [sflag:$0x3], $0x80, v4, vm0, $0xb8;
	[tilespmem:$0x18380] =	vst v63  }
0x195: {  	v3 =	vadd.s32 v1, v3  }
0x196: {  	[hbm4b:s5+s3] =	stream.indirect_vreg.scatter [tilespmem:s29], [sflag:$0x3], $0x80, v4, vm0, $0xb8;
	[tilespmem:$0x18380] =	vst v63  }
0x197: {  	_ = 	snop  }
0x198: {  	[hbm4b:s6+s3] =	stream.indirect_vreg.scatter [tilespmem:s30], [sflag:$0x3], $0x80, v4, vm0, $0xb8;
	[tilespmem:$0x18380] =	vst v63  }
0x199: {  	_ = 	snop  }
0x19a: {  	[hbm4b:s2+s3] =	stream.indirect_vreg.scatter [tilespmem:s31], [sflag:$0x3], $0x80, v3, vm0, $0xb8;
	[tilespmem:$0x18380] =	vst v63  }
0x19b: {  	s17 =	simm.s32 $0x17380  }
0x19c: {  	[hbm4b:s5+s3] =	stream.indirect_vreg.scatter [tilespmem:s17], [sflag:$0x3], $0x80, v3, vm0, $0xb8;
	[tilespmem:$0x18380] =	vst v63  }
0x19d: {  	s18 =	simm.s32 $0x17B80  }
0x19e: {  	[hbm4b:s6+s3] =	stream.indirect_vreg.scatter [tilespmem:s18], [sflag:$0x3], $0x80, v3, vm0, $0xb8;
	[tilespmem:$0x18380] =	vst v63  }
0x19f: {  	p0 =	sne.s32 s7, $0x1;
	_ =	swait.ge [sflag:s0], $0xC000  }
.Ltmp0:
0x1a0: {  	[sflag:s0] =	ssyncset.done $0x0;
	(pc) =	sbr.rel @p0 .LBB2_1-.Ltmp0, $4  }
0x1a1: {  	[sflag:s0] =	ssyncadd.s32 $0xFFFF4000  }
0x1a2: {  	_ =	swait.ge [sflag:s10], $0xC000  }
0x1a3: {  	[sflag:s10] =	ssyncset.done $0x0  }
0x1a4: {  	s7 =	sadd.s32 $0xFFFFFFFF, s7;
	[sflag:s10] =	ssyncadd.s32 $0xFFFF4000  }
0x1a5: {  	_ =	sfence.sel $0x180000  }
0x1a6: {  	[bflag:$0x0] =	sbarrier.arrive $0xFFFF  }
0x1a7: {  	_ =	strace $0x90000047  }
0x1a8: {  	s0 =	stileid.u32;
	[bflag:$0x2] =	sbarrier.arrive $0xFFFF  }
0x1a9: {  	p0 =	sne.s32 s0, $0x0;
	s0 =	rddreg [dreg:$0x3]  }
0x1aa: {  	s0 =	sadd.s32 @!p0 $0x100000, s0  }
0x1ab: {  	[sflag:s0] =	ssyncadd.tile.s32 @!p0 $0x1;
	_ =	shalt  }
.Lfunc_end2:
_tile_overlayer_lowered:
.L_overlay_start_2:
0x1ac: {  	(tag) =	ssettag $0x2  }
0x1ad: {  	s0 =	rddreg [dreg:$0x0];
	s2 =	stileid.u32  }
0x1ae: {  	s1 =	rddreg [dreg:$0x1];
	p0 =	sne.s32 s2, $0x0  }
0x1af: {  	s3 =	rddreg [dreg:$0x2];
	[bflag:$0x3] =	sbarrier.arrive $0xFFFF;
	s2 =	simm.s32 @!p0 $0x1C04  }
0x1b0: {  	[timem:s3], [sflag:s2] =	dma.local @!p0 [hbm:s0], s1  }
0x1b1: {  	s0 =	simm.s32 @!p0 $0x4  }
0x1b2: {  	_ =	swait.ge @!p0 [sflag:s0], s1  }
0x1b3: {  	s1 =	ssub.s32 @!p0 $0x0, s1;
	[sflag:s0] =	ssyncset.done @!p0 $0x0  }
0x1b4: {  	[sflag:s0] =	ssyncadd.s32 @!p0 s1  }
0x1b5: {  	[bflag:$0x3] =	sbarrier.arrive $0xFFFF  }
0x1b6: {  	_ =	shalt  }

// kernel: kernel.9.cloned.1.call-start
scs
__scs_entry_jumppad:
0x0: {  	(pc) =	sbr.rel $0x88, $3  }
0x1: {  	(tag) =	ssettag $0x0;
	lr =	simm.s32 $0x1  }
0x2: {  	[smem:$0x3F9A] =	sst lr;
	_ =	strace $0xD0000000  }
0x3: {  	_ = 	snop  }
0x4: {  	_ = 	snop  }
0x5: {  	_ = 	snop  }
0x6: {  	_ = 	snop  }
0x7: {  	_ = 	snop  }
__scs_overlays_trampoline_lowered:
0x8: {  	[smem:$0x3FA9] =	sst s0  }
0x9: {  	[smem:$0x3FAA] =	sst s1  }
0xa: {  	[smem:$0x3FAB] =	sst s2  }
0xb: {  	[smem:$0x3FAC] =	sst s3  }
0xc: {  	[smem:$0x3FAD] =	sst s4  }
0xd: {  	[smem:$0x3FAE] =	sst s5  }
0xe: {  	[smem:$0x3FAF] =	sst s6  }
0xf: {  	[smem:$0x3FB0] =	sst s7  }
0x10: {  	[smem:$0x3FB1] =	sst s8  }
0x11: {  	[smem:$0x3FB2] =	sst s9;
	s0 =	simm.s32 @!p0 $0x0  }
0x12: {  	s1 =	sld [smem:$0x3F98];
	s0 =	simm.s32 @p0 $0x1  }
0x13: {  	[smem:$0x3FB3] =	sst s0;
	s0 =	simm.s32 @!p1 $0x0  }
0x14: {  	s2 =	sld [smem:$0x3F97];
	s0 =	simm.s32 @p1 $0x1  }
0x15: {  	[smem:$0x3FB4] =	sst s0;
	s0 =	simm.s32 @!p2 $0x0  }
0x16: {  	s3 =	sld [smem:$0x3FDB];
	s0 =	simm.s32 @p2 $0x1  }
0x17: {  	s4 =	simm.s32 $0x1BF5;
	[smem:$0x3FB6] =	sst s0  }
0x18: {  	s0 =	sld [smem:$0x3F99];
	_ =	swait.ge [sflag:s4], $0x0  }
0x19: {  	s7 =	sld [smem:$0x3F9A]  }
0x1a: {  	s8 =	sadd.s32 $0xFFFFE003, lr  }
0x1b: {  	s9 =	sadd.s32 $0xFFFFFEF7, lr;
	s5 =	simm.s32 $0xFFFFFFFF;
	p2 =	slt.u32 s8, $0xFFFFF086  }
0x1c: {  	p1 =	slt.u32 s9, $0xF7A;
	s5 =	simm.s32 @!p2 $0x0  }
0x1d: {  	s5 =	simm.s32 @p1 $0x1;
	p0 =	seq.s32 s7, s2  }
0x1e: {  	s7 =	smul.u32 @!p0 $0xF7A, s2;
	p2 =	seq.s32 @!p0 s5, $0x0  }
0x1f: {  	s9 =	smul.u32 $0xF7A, s1;
	s8 =	simm.s32 @!p0 $0x1BF5;
	p2 =	por !p2, p0  }
0x20: {  	[sflag:s8] =	ssyncset.s32 @!p0 $0xFFFFF086;
	s6 =	sadd.s32 @!p0 s3, s7;
	s7 =	simm.s32 @!p0 $0x108  }
0x21: {  	s3 =	sadd.s32 s3, s9;
	s6 =	sadd.s32 @!p0 $0x88, s6;
	s7 =	simm.s32 @p2 $0x1082  }
0x22: {  	[simem:s7], [sflag:s8] =	dma.local @!p0 [hbm:s6], $0xF7A  }
0x23: {  	s9 =	sor.u32 $0xD0000000, s2;
	s6 =	simm.s32 $0x108;
	_ =	swait.ge @!p0 [sflag:s8], $0x0  }
0x24: {  	s3 =	sadd.s32 $0x88, s3;
	s6 =	simm.s32 @!p1 $0x1082;
	[sflag:s4] =	ssyncset.s32 $0xFFFFF086  }
0x25: {  	[simem:s6], [sflag:s4] =	dma.local [hbm:s3], $0xF7A  }
0x26: {  	[smem:$0x3F9A] =	sst s1;
	(tag) =	ssettag s2;
	_ =	strace s9  }
0x27: {  	s1 =	sld [smem:$0x3FAA]  }
0x28: {  	s2 =	sld [smem:$0x3FAB]  }
0x29: {  	s4 =	sld [smem:$0x3FAD]  }
0x2a: {  	p0 =	seq.s32 s5, $0x0;
	s5 =	sld [smem:$0x3FAE]  }
0x2b: {  	s6 =	sld [smem:$0x3FAF]  }
0x2c: {  	s7 =	sld [smem:$0x3FB0]  }
0x2d: {  	s3 =	simm.s32 $0x108;
	s8 =	sld [smem:$0x3FB1]  }
0x2e: {  	s3 =	simm.s32 @!p0 $0x1082;
	s9 =	sld [smem:$0x3FB2]  }
0x2f: {  	lr =	sadd.s32 s0, s3;
	s0 =	sld [smem:$0x3FA9]  }
0x30: {  	s3 =	sld [smem:$0x3FAC]  }
0x31: {  	[smem:$0x3FB5] =	sst s10  }
0x32: {  	s10 =	sld [smem:$0x3FB3];
	_ =	sdelay $0x3  }
0x33: {  	p0 =	seq.s32 s10, $0x1;
	s10 =	sld [smem:$0x3FB5];
	_ =	sdelay $0x3  }
0x34: {  	[smem:$0x3FB5] =	sst s10  }
0x35: {  	s10 =	sld [smem:$0x3FB4];
	_ =	sdelay $0x3  }
0x36: {  	p1 =	seq.s32 s10, $0x1;
	s10 =	sld [smem:$0x3FB5];
	_ =	sdelay $0x3  }
0x37: {  	[smem:$0x3FB5] =	sst s10  }
0x38: {  	s10 =	sld [smem:$0x3FB6]  }
0x39: {  	_ = 	snop;
	(pc) =	sbr.ind lr, $3  }
0x3a: {  	_ = 	snop  }
0x3b: {  	_ = 	snop  }
0x3c: {  	p2 =	seq.s32 s10, $0x1;
	s10 =	sld [smem:$0x3FB5]  }
0x3d: {  	_ =	shalt  }
0x3e: {  	_ =	shalt  }
0x3f: {  	_ =	shalt  }
0x40: {  	_ =	shalt  }
0x41: {  	_ =	shalt  }
0x42: {  	_ =	shalt  }
0x43: {  	_ =	shalt  }
0x44: {  	_ =	shalt  }
0x45: {  	_ =	shalt  }
0x46: {  	_ =	shalt  }
0x47: {  	_ =	shalt  }
0x48: {  	_ =	shalt  }
0x49: {  	_ =	shalt  }
0x4a: {  	_ =	shalt  }
0x4b: {  	_ =	shalt  }
0x4c: {  	_ =	shalt  }
0x4d: {  	_ =	shalt  }
0x4e: {  	_ =	shalt  }
0x4f: {  	_ =	shalt  }
0x50: {  	_ =	shalt  }
0x51: {  	_ =	shalt  }
0x52: {  	_ =	shalt  }
0x53: {  	_ =	shalt  }
0x54: {  	_ =	shalt  }
0x55: {  	_ =	shalt  }
0x56: {  	_ =	shalt  }
0x57: {  	_ =	shalt  }
0x58: {  	_ =	shalt  }
0x59: {  	_ =	shalt  }
0x5a: {  	_ =	shalt  }
0x5b: {  	_ =	shalt  }
0x5c: {  	_ =	shalt  }
0x5d: {  	_ =	shalt  }
0x5e: {  	_ =	shalt  }
0x5f: {  	_ =	shalt  }
0x60: {  	_ =	shalt  }
0x61: {  	_ =	shalt  }
0x62: {  	_ =	shalt  }
0x63: {  	_ =	shalt  }
0x64: {  	_ =	shalt  }
0x65: {  	_ =	shalt  }
0x66: {  	_ =	shalt  }
0x67: {  	_ =	shalt  }
0x68: {  	_ =	shalt  }
0x69: {  	_ =	shalt  }
0x6a: {  	_ =	shalt  }
0x6b: {  	_ =	shalt  }
0x6c: {  	_ =	shalt  }
0x6d: {  	_ =	shalt  }
0x6e: {  	_ =	shalt  }
0x6f: {  	_ =	shalt  }
0x70: {  	_ =	shalt  }
0x71: {  	_ =	shalt  }
0x72: {  	_ =	shalt  }
0x73: {  	_ =	shalt  }
0x74: {  	_ =	shalt  }
0x75: {  	_ =	shalt  }
0x76: {  	_ =	shalt  }
0x77: {  	_ =	shalt  }
0x78: {  	_ =	shalt  }
0x79: {  	_ =	shalt  }
0x7a: {  	_ =	shalt  }
0x7b: {  	_ =	shalt  }
0x7c: {  	_ =	shalt  }
0x7d: {  	_ =	shalt  }
0x7e: {  	_ =	shalt  }
0x7f: {  	_ =	shalt  }
0x80: {  	_ =	shalt  }
0x81: {  	_ =	shalt  }
0x82: {  	_ =	shalt  }
0x83: {  	_ =	shalt  }
0x84: {  	_ =	shalt  }
0x85: {  	_ =	shalt  }
0x86: {  	_ =	shalt  }
0x87: {  	_ =	shalt  }
.Lfunc_end0:
.L_simem_size_0:
called_computation.1_lowered:
.L_overlay_start_0:
0x88: {  	s2 =	sld [smem:$0x3FD9]  }
0x89: {  	s3 =	sld [smem:$0x3FFE];
	_ =	sdelay $0x1  }
0x8a: {  	s1 =	srdreg.scid  }
0x8b: {  	s0 =	sand.u32 $0x1, s1  }
0x8c: {  	s17 =	sshll.u32 s0, $0xA;
	s2 =	sadd.s32 s3, s2  }
0x8d: {  	s2 =	sadd.s32 s2, s17  }
0x8e: {  	[smem:$0x3FC1] =	sst s2  }
0x8f: {  	_ = 	snop  }
0x90: {  	s2 =	sld [smem:$0x3FD0];
	(tm) =	ssettm $0x1  }
0x91: {  	s18 =	sld [smem:$0x3FFB];
	_ =	sdelay $0x3  }
0x92: {  	_ =	strace s18  }
0x93: {  	s3 =	sld [smem:$0x3FFC];
	_ =	sdelay $0x3  }
0x94: {  	_ =	strace s3  }
0x95: {  	s3 =	sld [smem:$0x3FFD];
	_ =	sdelay $0x3  }
0x96: {  	_ =	strace s3  }
0x97: {  	_ =	strace $0x8FFFFFFF  }
0x98: {  	s19 =	sld [smem:$0x3FDB];
	_ =	sdelay $0x1  }
0x99: {  	s4 =	simm.s32 $_scs_section_size  }
0x9a: {  	s5 =	simm.s32 $_size__tile_overlayer_lowered;
	s6 =	simm.s32 $_tile_overlayer_lowered  }
0x9b: {  	s22 =	simm.s32 $0x1BFF;
	s21 =	sshll.u32 s6, $0x1;
	s3 =	sadd.s32 s4, s19  }
0x9c: {  	s7 =	simm.s32 $0x0;
	s20 =	sshll.u32 s5, $0x1;
	s5 =	sadd.s32 s21, s3  }
0x9d: {  	[timem:s7], [sflag:s22] =	dma.local [hbm:s5], s20  }
0x9e: {  	_ =	swait.ge [sflag:s22], s20  }
0x9f: {  	s4 =	ssub.s32 $0x0, s20;
	[sflag:s22] =	ssyncset.done $0x0  }
0xa0: {  	[sflag:s22] =	ssyncadd.s32 s4;
	_ =	sdelay $0x1  }
0xa1: {  	s23 =	simm.s32 $0x1B8B  }
0xa2: {  	_ =	swait.ge [sflag:s23], $0x1  }
0xa3: {  	[sflag:s23] =	ssyncset.done $0x0  }
0xa4: {  	s25 =	simm.s32 $0x1B8E;
	s24 =	sld [smem:$0x3FFE];
	[sflag:s23] =	ssyncadd.s32 $0xFFFFFFFF  }
0xa5: {  	s26 =	simm.s32 $execute0_lowered;
	[smem:$0x3FD2] =	sst s25  }
0xa6: {  	s5 =	sshll.u32 s26, $0x1;
	_ =	strace $0x80000049;
	[dreg:$0x1] =	wrdreg $0xFFFFFFFF  }
0xa7: {  	s28 =	simm.s32 $_size_execute0_lowered;
	s3 =	sadd.s32 s3, s5;
	[dreg:$0x0] =	wrdreg $0x0  }
0xa8: {  	s5 =	sshll.u32 s28, $0x1;
	[dreg:$0x2] =	wrdreg s3  }
0xa9: {  	[dreg:$0x3] =	wrdreg s5  }
0xaa: {  	[dreg:$0x4] =	wrdreg $0xC0  }
0xab: {  	_ =	task [dreg:s7], $0x5FFFF  }
0xac: {  	[dreg:$0x1] =	wrdreg $0xFFFFFFFF  }
0xad: {  	[dreg:$0x0] =	wrdreg $0x60  }
0xae: {  	[dreg:$0x2] =	wrdreg s24  }
0xaf: {  	[dreg:$0x3] =	wrdreg s2  }
0xb0: {  	[dreg:$0x4] =	wrdreg $0x9  }
0xb1: {  	_ =	task.clear_ibuf [dreg:s7], $0x5FFFF;
	_ =	strace $0x90000049  }
0xb2: {  	s29 =	simm.s32 $0x9;
	_ =	strace $0x8000004B  }
0xb3: {  	_ =	swait.ge [sflag:s29], $0x1  }
0xb4: {  	[sflag:s29] =	ssyncadd.s32 $0xFFFFFFFF  }
0xb5: {  	_ =	strace $0x9000004B  }
0xb6: {  	_ =	sfence  }
0xb7: {  	s30 =	sld [smem:$0x0];
	_ =	sdelay $0x2  }
0xb8: {  	s31 =	sshll.u32 s1, $0xD;
	s1 =	sshrl.u32 s1, $0x2  }
0xb9: {  	s3 =	sand.u32 $0x4000, s31;
	s1 =	sadd.s32 s1, s30  }
0xba: {  	s0 =	sor.u32 s3, s0;
	s1 =	sshll.u32 s1, $0x11  }
0xbb: {  	s0 =	sor.u32 s1, s0  }
0xbc: {  	s0 =	sadd.s32 $0x8F2B, s0  }
0xbd: {  	[sflag:s0] =	ssyncadd.remote.s32 $0x1  }
0xbe: {  	_ =	sfence.sel $0xFFFF  }
0xbf: {  	[dreg:$0x0] =	wrdreg $0xFFFFFFFF;
	(pc) =	sbr.abs _section_cstart, $3  }
0xc0: {  	[dreg:$0x1] =	wrdreg $0xFFFFFFFF  }
0xc1: {  	_ =	task.clear_ibuf [dreg:s7], $0x2FFFF;
	_ =	strace $0x9FFFFFFF  }
0xc2: {  	(tm) =	ssettm $0x7FFFFFFF  }
0xc3: {  	_ =	shalt  }
tec
execute0_lowered:
.L_overlay_start_1:
0x0: {  	(tag) =	ssettag $0x1  }
0x1: {  	s0 =	rddreg [dreg:$0x0];
	s1 =	srdreg.scid  }
0x2: {  	s2 =	stileid.u32;
	s4 =	rddreg [dreg:$0x1]  }
0x3: {  	s13 =	simm.s32 $0x3;
	s14 =	simm.s32 $0x4;
	s16 =	simm.s32 $0xA00  }
0x4: {  	s17 =	simm.s32 $0x1200;
	s18 =	simm.s32 $0x1A00;
	s19 =	simm.s32 $0x2200  }
0x5: {  	s20 =	simm.s32 $0x2A00;
	s21 =	simm.s32 $0x3200;
	s22 =	simm.s32 $0x3A00  }
0x6: {  	s28 =	simm.s32 $0x6200;
	s29 =	simm.s32 $0x6A00;
	s30 =	simm.s32 $0x7200  }
0x7: {  	s31 =	simm.s32 $0x7A00;
	s11 =	simm.s32 $0x9200;
	s9 =	simm.s32 $0xA200  }
0x8: {  	s1 =	sand.u32 $0x1, s1;
	s3 =	sshll.u32 s2, $0x1;
	s2 =	simm.s32 $0x0  }
0x9: {  	s10 =	simm.s32 $0xB200;
	s3 =	sor.u32 s1, s3;
	[smem:$0x7FF] =	sst s2  }
0xa: {  	s1 =	ssub.s32 $0x2, s1;
	s5 =	smul.u32 $0x6000, s3;
	_ =	strace $0x8000004A  }
0xb: {  	s6 =	sshll.u32 s3, $0x6;
	s7 =	smul.u32 $0x30000, s3;
	s25 =	sshrl.u32 s1, $0x1  }
0xc: {  	s3 =	sadd.s32 $0x2A00, s0;
	s6 =	sadd.s32 s6, s0;
	s1 =	ssub.s32 s1, s25  }
0xd: {  	s25 =	simm.s32 $0x5200;
	s6 =	sadd.s32 $0x2200, s6;
	s8 =	sadd.s32 s4, s5  }
0xe: {  	s23 =	sshrl.u32 s7, $0x3;
	s5 =	sadd.s32 $0x2B00, s0;
	[dreg:$0x3] =	wrdreg s6  }
0xf: {  	s7 =	smax.u32 s1, $0x1;
	s1 =	simm.s32 $0xC200;
	[dreg:$0x7] =	wrdreg s8  }
0x10: {  	s24 =	sadd.s32 $0x1800, s8;
	s4 =	sadd.s32 s4, s23;
	s6 =	sadd.s32 $0x2C00, s0  }
0x11: {  	v2 =	vlaneseq.u32;
	s23 =	simm.s32 $0x4200;
	[dreg:$0x4] =	wrdreg s24;
	s26 =	sadd.s32 $0x3000, s4  }
0x12: {  	vm0 =	vmmov $0xffff;
	v1 =	vshrl.u32 v2, $0x3;
	s4 =	sadd.s32 $0x4800, s4;
	s24 =	simm.s32 $0x4A00;
	[dreg:$0x5] =	wrdreg s26  }
0x13: {  	v0 =	vand.u32 $0x7, v2;
	v2 =	vor.u32 $0x8, v2;
	v1 =	vmul.u32 $0x8, v1;
	[dreg:$0x6] =	wrdreg s4;
	s4 =	simm.s32 $0x2;
	s26 =	simm.s32 $0x5A00  }
.LBB2_1:
0x14: {  	s15 =	rddreg [dreg:$0x3];
	s0 =	simm.s32 $0x5  }
0x15: {  	[tilespmem:s2], [sflag:$0x5] =	stream.linear.gather [hbm4b:s15+s2], $0x200, $0x38;
	[tilespmem:$0x18200] =	vst v63  }
0x16: {  	_ =	swait.ge [sflag:s0], $0x200  }
0x17: {  	[sflag:s0] =	ssyncset.done $0x0  }
0x18: {  	[sflag:s0] =	ssyncadd.s32 $0xFFFFFE00  }
0x19: {  	v3 =	vld [tilespmem:$0x0];
	_ =	sdelay $0x4  }
0x1a: {  	v4 =	vshrl.u32 v3, $0x3  }
0x1b: {  	v4 =	vmul.u32 $0x30, v4  }
0x1c: {  	v3 =	vand.u32 $0x7, v3  }
0x1d: {  	v3 =	vor.u32 v3, v4  }
0x1e: {  	v4 =	vperm.xlane v3, v0;
	_ =	sdelay $0x1  }
0x1f: {  	v4 =	vadd.s32 v1, v4;
	_ =	sdelay $0x3  }
0x20: {  	s15 =	simm.s32 $0x200;
	v3 =	vperm.xlane v3, v2  }
0x21: {  	[tilespmem:s15], [sflag:$0x1] =	stream.indirect_vreg.gather [hbm4b:s3+s2], $0x80, v4, vm0, $0xb8;
	[tilespmem:$0x18200] =	vst v63  }
0x22: {  	v3 =	vadd.s32 v1, v3  }
0x23: {  	[tilespmem:s16], [sflag:$0x1] =	stream.indirect_vreg.gather [hbm4b:s5+s2], $0x80, v4, vm0, $0xb8;
	[tilespmem:$0x18200] =	vst v63  }
0x24: {  	_ = 	snop  }
0x25: {  	[tilespmem:s17], [sflag:$0x1] =	stream.indirect_vreg.gather [hbm4b:s6+s2], $0x80, v4, vm0, $0xb8;
	[tilespmem:$0x18200] =	vst v63  }
0x26: {  	_ = 	snop  }
0x27: {  	[tilespmem:s18], [sflag:$0x1] =	stream.indirect_vreg.gather [hbm4b:s3+s2], $0x80, v3, vm0, $0xb8;
	[tilespmem:$0x18200] =	vst v63  }
0x28: {  	_ = 	snop  }
0x29: {  	[tilespmem:s19], [sflag:$0x1] =	stream.indirect_vreg.gather [hbm4b:s5+s2], $0x80, v3, vm0, $0xb8;
	[tilespmem:$0x18200] =	vst v63  }
0x2a: {  	_ = 	snop  }
0x2b: {  	[tilespmem:s20], [sflag:$0x1] =	stream.indirect_vreg.gather [hbm4b:s6+s2], $0x80, v3, vm0, $0xb8;
	[tilespmem:$0x18200] =	vst v63  }
0x2c: {  	v3 =	vld [tilespmem:$0x10];
	_ =	sdelay $0x4  }
0x2d: {  	v49 =	vshrl.u32 v3, $0x3  }
0x2e: {  	v4 =	vmul.u32 $0x30, v49  }
0x2f: {  	v3 =	vand.u32 $0x7, v3  }
0x30: {  	v3 =	vor.u32 v3, v4  }
0x31: {  	v4 =	vperm.xlane v3, v0;
	_ =	sdelay $0x1  }
0x32: {  	v4 =	vadd.s32 v1, v4;
	_ =	sdelay $0x3  }
0x33: {  	v3 =	vperm.xlane v3, v2  }
0x34: {  	[tilespmem:s21], [sflag:$0x1] =	stream.indirect_vreg.gather [hbm4b:s3+s2], $0x80, v4, vm0, $0xb8;
	[tilespmem:$0x18200] =	vst v63  }
0x35: {  	v3 =	vadd.s32 v1, v3  }
0x36: {  	[tilespmem:s22], [sflag:$0x1] =	stream.indirect_vreg.gather [hbm4b:s5+s2], $0x80, v4, vm0, $0xb8;
	[tilespmem:$0x18200] =	vst v63  }
0x37: {  	_ = 	snop  }
0x38: {  	[tilespmem:s23], [sflag:$0x1] =	stream.indirect_vreg.gather [hbm4b:s6+s2], $0x80, v4, vm0, $0xb8;
	[tilespmem:$0x18200] =	vst v63  }
0x39: {  	_ = 	snop  }
0x3a: {  	[tilespmem:s24], [sflag:$0x1] =	stream.indirect_vreg.gather [hbm4b:s3+s2], $0x80, v3, vm0, $0xb8;
	[tilespmem:$0x18200] =	vst v63  }
0x3b: {  	_ = 	snop  }
0x3c: {  	[tilespmem:s25], [sflag:$0x1] =	stream.indirect_vreg.gather [hbm4b:s5+s2], $0x80, v3, vm0, $0xb8;
	[tilespmem:$0x18200] =	vst v63  }
0x3d: {  	_ = 	snop  }
0x3e: {  	[tilespmem:s26], [sflag:$0x1] =	stream.indirect_vreg.gather [hbm4b:s6+s2], $0x80, v3, vm0, $0xb8;
	[tilespmem:$0x18200] =	vst v63  }
0x3f: {  	v3 =	vld [tilespmem:$0x20];
	_ =	sdelay $0x4  }
0x40: {  	v50 =	vshrl.u32 v3, $0x3  }
0x41: {  	v4 =	vmul.u32 $0x30, v50  }
0x42: {  	v3 =	vand.u32 $0x7, v3  }
0x43: {  	v3 =	vor.u32 v3, v4  }
0x44: {  	v4 =	vperm.xlane v3, v0;
	_ =	sdelay $0x1  }
0x45: {  	v4 =	vadd.s32 v1, v4;
	_ =	sdelay $0x3  }
0x46: {  	v3 =	vperm.xlane v3, v2  }
0x47: {  	[tilespmem:s28], [sflag:$0x1] =	stream.indirect_vreg.gather [hbm4b:s3+s2], $0x80, v4, vm0, $0xb8;
	[tilespmem:$0x18200] =	vst v63  }
0x48: {  	v3 =	vadd.s32 v1, v3  }
0x49: {  	[tilespmem:s29], [sflag:$0x1] =	stream.indirect_vreg.gather [hbm4b:s5+s2], $0x80, v4, vm0, $0xb8;
	[tilespmem:$0x18200] =	vst v63  }
0x4a: {  	_ = 	snop  }
0x4b: {  	[tilespmem:s30], [sflag:$0x1] =	stream.indirect_vreg.gather [hbm4b:s6+s2], $0x80, v4, vm0, $0xb8;
	[tilespmem:$0x18200] =	vst v63  }
0x4c: {  	_ = 	snop  }
0x4d: {  	[tilespmem:s31], [sflag:$0x1] =	stream.indirect_vreg.gather [hbm4b:s3+s2], $0x80, v3, vm0, $0xb8;
	[tilespmem:$0x18200] =	vst v63  }
0x4e: {  	s8 =	simm.s32 $0x8200  }
0x4f: {  	[tilespmem:s8], [sflag:$0x1] =	stream.indirect_vreg.gather [hbm4b:s5+s2], $0x80, v3, vm0, $0xb8;
	[tilespmem:$0x18200] =	vst v63  }
0x50: {  	s12 =	simm.s32 $0x8A00  }
0x51: {  	[tilespmem:s12], [sflag:$0x1] =	stream.indirect_vreg.gather [hbm4b:s6+s2], $0x80, v3, vm0, $0xb8;
	[tilespmem:$0x18200] =	vst v63  }
0x52: {  	v3 =	vld [tilespmem:$0x30];
	_ =	sdelay $0x4  }
0x53: {  	v51 =	vshrl.u32 v3, $0x3  }
0x54: {  	v4 =	vmul.u32 $0x30, v51  }
0x55: {  	v3 =	vand.u32 $0x7, v3  }
0x56: {  	v3 =	vor.u32 v3, v4  }
0x57: {  	v4 =	vperm.xlane v3, v0;
	_ =	sdelay $0x1  }
0x58: {  	v4 =	vadd.s32 v1, v4;
	_ =	sdelay $0x3  }
0x59: {  	v3 =	vperm.xlane v3, v2  }
0x5a: {  	[tilespmem:s11], [sflag:$0x1] =	stream.indirect_vreg.gather [hbm4b:s3+s2], $0x80, v4, vm0, $0xb8;
	[tilespmem:$0x18200] =	vst v63  }
0x5b: {  	s8 =	simm.s32 $0x9A00;
	v3 =	vadd.s32 v1, v3  }
0x5c: {  	[tilespmem:s8], [sflag:$0x1] =	stream.indirect_vreg.gather [hbm4b:s5+s2], $0x80, v4, vm0, $0xb8;
	[tilespmem:$0x18200] =	vst v63  }
0x5d: {  	_ = 	snop  }
0x5e: {  	[tilespmem:s9], [sflag:$0x1] =	stream.indirect_vreg.gather [hbm4b:s6+s2], $0x80, v4, vm0, $0xb8;
	[tilespmem:$0x18200] =	vst v63  }
0x5f: {  	s15 =	simm.s32 $0xAA00  }
0x60: {  	[tilespmem:s15], [sflag:$0x1] =	stream.indirect_vreg.gather [hbm4b:s3+s2], $0x80, v3, vm0, $0xb8;
	[tilespmem:$0x18200] =	vst v63  }
0x61: {  	_ = 	snop  }
0x62: {  	[tilespmem:s10], [sflag:$0x1] =	stream.indirect_vreg.gather [hbm4b:s5+s2], $0x80, v3, vm0, $0xb8;
	[tilespmem:$0x18200] =	vst v63  }
0x63: {  	s0 =	simm.s32 $0x1;
	s12 =	simm.s32 $0xBA00  }
0x64: {  	[tilespmem:s12], [sflag:$0x1] =	stream.indirect_vreg.gather [hbm4b:s6+s2], $0x80, v3, vm0, $0xb8;
	[tilespmem:$0x18200] =	vst v63  }
0x65: {  	_ =	swait.ge [sflag:s0], $0xC000  }
0x66: {  	[sflag:s0] =	ssyncset.done $0x0  }
0x67: {  	[sflag:s0] =	ssyncadd.s32 $0xFFFF4000  }
0x68: {  	v3 =	vld [tilespmem:$0x80];
	_ =	sdelay $0x4  }
0x69: {  	v52 =	vshrl.u32 v3, $0x3  }
0x6a: {  	v4 =	vmul.u32 $0x30, v52  }
0x6b: {  	v3 =	vand.u32 $0x7, v3  }
0x6c: {  	v3 =	vor.u32 v3, v4  }
0x6d: {  	v4 =	vperm.xlane v3, v0;
	_ =	sdelay $0x1  }
0x6e: {  	v4 =	vadd.s32 v1, v4;
	_ =	sdelay $0x3  }
0x6f: {  	v3 =	vperm.xlane v3, v2  }
0x70: {  	[tilespmem:s1], [sflag:$0x2] =	stream.indirect_vreg.gather [hbm4b:s3+s2], $0x80, v4, vm0, $0xb8;
	[tilespmem:$0x18200] =	vst v63  }
0x71: {  	s12 =	simm.s32 $0xCA00;
	v3 =	vadd.s32 v1, v3  }
0x72: {  	[tilespmem:s12], [sflag:$0x2] =	stream.indirect_vreg.gather [hbm4b:s5+s2], $0x80, v4, vm0, $0xb8;
	[tilespmem:$0x18200] =	vst v63  }
0x73: {  	s15 =	simm.s32 $0xD200  }
0x74: {  	[tilespmem:s15], [sflag:$0x2] =	stream.indirect_vreg.gather [hbm4b:s6+s2], $0x80, v4, vm0, $0xb8;
	[tilespmem:$0x18200] =	vst v63  }
0x75: {  	s15 =	simm.s32 $0xDA00  }
0x76: {  	[tilespmem:s15], [sflag:$0x2] =	stream.indirect_vreg.gather [hbm4b:s3+s2], $0x80, v3, vm0, $0xb8;
	[tilespmem:$0x18200] =	vst v63  }
0x77: {  	s15 =	simm.s32 $0xE200  }
0x78: {  	[tilespmem:s15], [sflag:$0x2] =	stream.indirect_vreg.gather [hbm4b:s5+s2], $0x80, v3, vm0, $0xb8;
	[tilespmem:$0x18200] =	vst v63  }
0x79: {  	s15 =	simm.s32 $0xEA00  }
0x7a: {  	[tilespmem:s15], [sflag:$0x2] =	stream.indirect_vreg.gather [hbm4b:s6+s2], $0x80, v3, vm0, $0xb8;
	[tilespmem:$0x18200] =	vst v63  }
0x7b: {  	v3 =	vld [tilespmem:$0x90];
	_ =	sdelay $0x4  }
0x7c: {  	v53 =	vshrl.u32 v3, $0x3  }
0x7d: {  	v4 =	vmul.u32 $0x30, v53  }
0x7e: {  	v3 =	vand.u32 $0x7, v3  }
0x7f: {  	v3 =	vor.u32 v3, v4  }
0x80: {  	v4 =	vperm.xlane v3, v0;
	_ =	sdelay $0x1  }
0x81: {  	v4 =	vadd.s32 v1, v4;
	_ =	sdelay $0x3  }
0x82: {  	s15 =	simm.s32 $0xF200;
	v3 =	vperm.xlane v3, v2  }
0x83: {  	[tilespmem:s15], [sflag:$0x2] =	stream.indirect_vreg.gather [hbm4b:s3+s2], $0x80, v4, vm0, $0xb8;
	[tilespmem:$0x18200] =	vst v63  }
0x84: {  	v3 =	vadd.s32 v1, v3;
	s15 =	simm.s32 $0xFA00  }
0x85: {  	[tilespmem:s15], [sflag:$0x2] =	stream.indirect_vreg.gather [hbm4b:s5+s2], $0x80, v4, vm0, $0xb8;
	[tilespmem:$0x18200] =	vst v63  }
0x86: {  	s15 =	simm.s32 $0x10200  }
0x87: {  	[tilespmem:s15], [sflag:$0x2] =	stream.indirect_vreg.gather [hbm4b:s6+s2], $0x80, v4, vm0, $0xb8;
	[tilespmem:$0x18200] =	vst v63  }
0x88: {  	s15 =	simm.s32 $0x10A00  }
0x89: {  	[tilespmem:s15], [sflag:$0x2] =	stream.indirect_vreg.gather [hbm4b:s3+s2], $0x80, v3, vm0, $0xb8;
	[tilespmem:$0x18200] =	vst v63  }
0x8a: {  	s15 =	simm.s32 $0x11200  }
0x8b: {  	[tilespmem:s15], [sflag:$0x2] =	stream.indirect_vreg.gather [hbm4b:s5+s2], $0x80, v3, vm0, $0xb8;
	[tilespmem:$0x18200] =	vst v63  }
0x8c: {  	s15 =	simm.s32 $0x11A00  }
0x8d: {  	[tilespmem:s15], [sflag:$0x2] =	stream.indirect_vreg.gather [hbm4b:s6+s2], $0x80, v3, vm0, $0xb8;
	[tilespmem:$0x18200] =	vst v63  }
0x8e: {  	v3 =	vld [tilespmem:$0xA0];
	_ =	sdelay $0x4  }
0x8f: {  	v54 =	vshrl.u32 v3, $0x3  }
0x90: {  	v4 =	vmul.u32 $0x30, v54  }
0x91: {  	v3 =	vand.u32 $0x7, v3  }
0x92: {  	v3 =	vor.u32 v3, v4  }
0x93: {  	v4 =	vperm.xlane v3, v0;
	_ =	sdelay $0x1  }
0x94: {  	v4 =	vadd.s32 v1, v4;
	_ =	sdelay $0x3  }
0x95: {  	s15 =	simm.s32 $0x12200;
	v3 =	vperm.xlane v3, v2  }
0x96: {  	[tilespmem:s15], [sflag:$0x2] =	stream.indirect_vreg.gather [hbm4b:s3+s2], $0x80, v4, vm0, $0xb8;
	[tilespmem:$0x18200] =	vst v63  }
0x97: {  	v3 =	vadd.s32 v1, v3;
	s15 =	simm.s32 $0x12A00  }
0x98: {  	[tilespmem:s15], [sflag:$0x2] =	stream.indirect_vreg.gather [hbm4b:s5+s2], $0x80, v4, vm0, $0xb8;
	[tilespmem:$0x18200] =	vst v63  }
0x99: {  	s15 =	simm.s32 $0x13200  }
0x9a: {  	[tilespmem:s15], [sflag:$0x2] =	stream.indirect_vreg.gather [hbm4b:s6+s2], $0x80, v4, vm0, $0xb8;
	[tilespmem:$0x18200] =	vst v63  }
0x9b: {  	s15 =	simm.s32 $0x13A00  }
0x9c: {  	[tilespmem:s15], [sflag:$0x2] =	stream.indirect_vreg.gather [hbm4b:s3+s2], $0x80, v3, vm0, $0xb8;
	[tilespmem:$0x18200] =	vst v63  }
0x9d: {  	s15 =	simm.s32 $0x14200  }
0x9e: {  	[tilespmem:s15], [sflag:$0x2] =	stream.indirect_vreg.gather [hbm4b:s5+s2], $0x80, v3, vm0, $0xb8;
	[tilespmem:$0x18200] =	vst v63  }
0x9f: {  	s15 =	simm.s32 $0x14A00  }
0xa0: {  	[tilespmem:s15], [sflag:$0x2] =	stream.indirect_vreg.gather [hbm4b:s6+s2], $0x80, v3, vm0, $0xb8;
	[tilespmem:$0x18200] =	vst v63  }
0xa1: {  	v3 =	vld [tilespmem:$0xB0];
	_ =	sdelay $0x4  }
0xa2: {  	v55 =	vshrl.u32 v3, $0x3  }
0xa3: {  	v4 =	vmul.u32 $0x30, v55  }
0xa4: {  	v3 =	vand.u32 $0x7, v3  }
0xa5: {  	v3 =	vor.u32 v3, v4  }
0xa6: {  	v4 =	vperm.xlane v3, v0;
	_ =	sdelay $0x1  }
0xa7: {  	v4 =	vadd.s32 v1, v4;
	_ =	sdelay $0x3  }
0xa8: {  	s15 =	simm.s32 $0x15200;
	v3 =	vperm.xlane v3, v2  }
0xa9: {  	[tilespmem:s15], [sflag:$0x2] =	stream.indirect_vreg.gather [hbm4b:s3+s2], $0x80, v4, vm0, $0xb8;
	[tilespmem:$0x18200] =	vst v63  }
0xaa: {  	v3 =	vadd.s32 v1, v3;
	s15 =	simm.s32 $0x15A00  }
0xab: {  	[tilespmem:s15], [sflag:$0x2] =	stream.indirect_vreg.gather [hbm4b:s5+s2], $0x80, v4, vm0, $0xb8;
	[tilespmem:$0x18200] =	vst v63  }
0xac: {  	s15 =	simm.s32 $0x16200  }
0xad: {  	[tilespmem:s15], [sflag:$0x2] =	stream.indirect_vreg.gather [hbm4b:s6+s2], $0x80, v4, vm0, $0xb8;
	[tilespmem:$0x18200] =	vst v63  }
0xae: {  	s15 =	simm.s32 $0x16A00  }
0xaf: {  	[tilespmem:s15], [sflag:$0x2] =	stream.indirect_vreg.gather [hbm4b:s3+s2], $0x80, v3, vm0, $0xb8;
	[tilespmem:$0x18200] =	vst v63  }
0xb0: {  	s15 =	simm.s32 $0x17200  }
0xb1: {  	[tilespmem:s15], [sflag:$0x2] =	stream.indirect_vreg.gather [hbm4b:s5+s2], $0x80, v3, vm0, $0xb8;
	[tilespmem:$0x18200] =	vst v63  }
0xb2: {  	s15 =	simm.s32 $0x17A00  }
0xb3: {  	[tilespmem:s15], [sflag:$0x2] =	stream.indirect_vreg.gather [hbm4b:s6+s2], $0x80, v3, vm0, $0xb8;
	[tilespmem:$0x18200] =	vst v63  }
0xb4: {  	s12 =	simm.s32 $0x200;
	s15 =	rddreg [dreg:$0x7]  }
0xb5: {  	[hbm4b:s15+s2] =	stream.linear.scatter [tilespmem:s12], [sflag:$0x3], $0xC000, $0x38;
	[tilespmem:$0x18200] =	vst v63  }
0xb6: {  	_ =	swait.ge [sflag:s4], $0xC000  }
0xb7: {  	[sflag:s4] =	ssyncset.done $0x0  }
0xb8: {  	[sflag:s4] =	ssyncadd.s32 $0xFFFF4000  }
0xb9: {  	_ =	swait.ge [sflag:s13], $0xC000  }
0xba: {  	[sflag:s13] =	ssyncset.done $0x0  }
0xbb: {  	[sflag:s13] =	ssyncadd.s32 $0xFFFF4000  }
0xbc: {  	v3 =	vld [tilespmem:$0x100];
	_ =	sdelay $0x4  }
0xbd: {  	v56 =	vshrl.u32 v3, $0x3  }
0xbe: {  	v4 =	vmul.u32 $0x30, v56  }
0xbf: {  	v3 =	vand.u32 $0x7, v3  }
0xc0: {  	v3 =	vor.u32 v3, v4  }
0xc1: {  	v4 =	vperm.xlane v3, v0;
	_ =	sdelay $0x1  }
0xc2: {  	v4 =	vadd.s32 v1, v4;
	_ =	sdelay $0x3  }
0xc3: {  	v3 =	vperm.xlane v3, v2  }
0xc4: {  	[tilespmem:s12], [sflag:$0x1] =	stream.indirect_vreg.gather [hbm4b:s3+s2], $0x80, v4, vm0, $0xb8;
	[tilespmem:$0x18200] =	vst v63  }
0xc5: {  	v3 =	vadd.s32 v1, v3  }
0xc6: {  	[tilespmem:s16], [sflag:$0x1] =	stream.indirect_vreg.gather [hbm4b:s5+s2], $0x80, v4, vm0, $0xb8;
	[tilespmem:$0x18200] =	vst v63  }
0xc7: {  	_ = 	snop  }
0xc8: {  	[tilespmem:s17], [sflag:$0x1] =	stream.indirect_vreg.gather [hbm4b:s6+s2], $0x80, v4, vm0, $0xb8;
	[tilespmem:$0x18200] =	vst v63  }
0xc9: {  	_ = 	snop  }
0xca: {  	[tilespmem:s18], [sflag:$0x1] =	stream.indirect_vreg.gather [hbm4b:s3+s2], $0x80, v3, vm0, $0xb8;
	[tilespmem:$0x18200] =	vst v63  }
0xcb: {  	_ = 	snop  }
0xcc: {  	[tilespmem:s19], [sflag:$0x1] =	stream.indirect_vreg.gather [hbm4b:s5+s2], $0x80, v3, vm0, $0xb8;
	[tilespmem:$0x18200] =	vst v63  }
0xcd: {  	_ = 	snop  }
0xce: {  	[tilespmem:s20], [sflag:$0x1] =	stream.indirect_vreg.gather [hbm4b:s6+s2], $0x80, v3, vm0, $0xb8;
	[tilespmem:$0x18200] =	vst v63  }
0xcf: {  	v3 =	vld [tilespmem:$0x110];
	_ =	sdelay $0x4  }
0xd0: {  	v57 =	vshrl.u32 v3, $0x3  }
0xd1: {  	v4 =	vmul.u32 $0x30, v57  }
0xd2: {  	v3 =	vand.u32 $0x7, v3  }
0xd3: {  	v3 =	vor.u32 v3, v4  }
0xd4: {  	v4 =	vperm.xlane v3, v0;
	_ =	sdelay $0x1  }
0xd5: {  	v4 =	vadd.s32 v1, v4;
	_ =	sdelay $0x3  }
0xd6: {  	v3 =	vperm.xlane v3, v2  }
0xd7: {  	[tilespmem:s21], [sflag:$0x1] =	stream.indirect_vreg.gather [hbm4b:s3+s2], $0x80, v4, vm0, $0xb8;
	[tilespmem:$0x18200] =	vst v63  }
0xd8: {  	v3 =	vadd.s32 v1, v3  }
0xd9: {  	[tilespmem:s22], [sflag:$0x1] =	stream.indirect_vreg.gather [hbm4b:s5+s2], $0x80, v4, vm0, $0xb8;
	[tilespmem:$0x18200] =	vst v63  }
0xda: {  	_ = 	snop  }
0xdb: {  	[tilespmem:s23], [sflag:$0x1] =	stream.indirect_vreg.gather [hbm4b:s6+s2], $0x80, v4, vm0, $0xb8;
	[tilespmem:$0x18200] =	vst v63  }
0xdc: {  	_ = 	snop  }
0xdd: {  	[tilespmem:s24], [sflag:$0x1] =	stream.indirect_vreg.gather [hbm4b:s3+s2], $0x80, v3, vm0, $0xb8;
	[tilespmem:$0x18200] =	vst v63  }
0xde: {  	_ = 	snop  }
0xdf: {  	[tilespmem:s25], [sflag:$0x1] =	stream.indirect_vreg.gather [hbm4b:s5+s2], $0x80, v3, vm0, $0xb8;
	[tilespmem:$0x18200] =	vst v63  }
0xe0: {  	_ = 	snop  }
0xe1: {  	[tilespmem:s26], [sflag:$0x1] =	stream.indirect_vreg.gather [hbm4b:s6+s2], $0x80, v3, vm0, $0xb8;
	[tilespmem:$0x18200] =	vst v63  }
0xe2: {  	v3 =	vld [tilespmem:$0x120];
	_ =	sdelay $0x4  }
0xe3: {  	v58 =	vshrl.u32 v3, $0x3  }
0xe4: {  	v4 =	vmul.u32 $0x30, v58  }
0xe5: {  	v3 =	vand.u32 $0x7, v3  }
0xe6: {  	v3 =	vor.u32 v3, v4  }
0xe7: {  	v4 =	vperm.xlane v3, v0;
	_ =	sdelay $0x1  }
0xe8: {  	v4 =	vadd.s32 v1, v4;
	_ =	sdelay $0x3  }
0xe9: {  	v3 =	vperm.xlane v3, v2  }
0xea: {  	[tilespmem:s28], [sflag:$0x1] =	stream.indirect_vreg.gather [hbm4b:s3+s2], $0x80, v4, vm0, $0xb8;
	[tilespmem:$0x18200] =	vst v63  }
0xeb: {  	v3 =	vadd.s32 v1, v3  }
0xec: {  	[tilespmem:s29], [sflag:$0x1] =	stream.indirect_vreg.gather [hbm4b:s5+s2], $0x80, v4, vm0, $0xb8;
	[tilespmem:$0x18200] =	vst v63  }
0xed: {  	_ = 	snop  }
0xee: {  	[tilespmem:s30], [sflag:$0x1] =	stream.indirect_vreg.gather [hbm4b:s6+s2], $0x80, v4, vm0, $0xb8;
	[tilespmem:$0x18200] =	vst v63  }
0xef: {  	_ = 	snop  }
0xf0: {  	[tilespmem:s31], [sflag:$0x1] =	stream.indirect_vreg.gather [hbm4b:s3+s2], $0x80, v3, vm0, $0xb8;
	[tilespmem:$0x18200] =	vst v63  }
0xf1: {  	s15 =	simm.s32 $0x8200  }
0xf2: {  	[tilespmem:s15], [sflag:$0x1] =	stream.indirect_vreg.gather [hbm4b:s5+s2], $0x80, v3, vm0, $0xb8;
	[tilespmem:$0x18200] =	vst v63  }
0xf3: {  	s15 =	simm.s32 $0x8A00  }
0xf4: {  	[tilespmem:s15], [sflag:$0x1] =	stream.indirect_vreg.gather [hbm4b:s6+s2], $0x80, v3, vm0, $0xb8;
	[tilespmem:$0x18200] =	vst v63  }
0xf5: {  	v3 =	vld [tilespmem:$0x130];
	_ =	sdelay $0x4  }
0xf6: {  	v59 =	vshrl.u32 v3, $0x3  }
0xf7: {  	v4 =	vmul.u32 $0x30, v59  }
0xf8: {  	v3 =	vand.u32 $0x7, v3  }
0xf9: {  	v3 =	vor.u32 v3, v4  }
0xfa: {  	v4 =	vperm.xlane v3, v0;
	_ =	sdelay $0x1  }
0xfb: {  	v4 =	vadd.s32 v1, v4;
	_ =	sdelay $0x3  }
0xfc: {  	v3 =	vperm.xlane v3, v2  }
0xfd: {  	[tilespmem:s11], [sflag:$0x1] =	stream.indirect_vreg.gather [hbm4b:s3+s2], $0x80, v4, vm0, $0xb8;
	[tilespmem:$0x18200] =	vst v63  }
0xfe: {  	v3 =	vadd.s32 v1, v3  }
0xff: {  	[tilespmem:s8], [sflag:$0x1] =	stream.indirect_vreg.gather [hbm4b:s5+s2], $0x80, v4, vm0, $0xb8;
	[tilespmem:$0x18200] =	vst v63  }
0x100: {  	_ = 	snop  }
0x101: {  	[tilespmem:s9], [sflag:$0x1] =	stream.indirect_vreg.gather [hbm4b:s6+s2], $0x80, v4, vm0, $0xb8;
	[tilespmem:$0x18200] =	vst v63  }
0x102: {  	s15 =	simm.s32 $0xAA00  }
0x103: {  	[tilespmem:s15], [sflag:$0x1] =	stream.indirect_vreg.gather [hbm4b:s3+s2], $0x80, v3, vm0, $0xb8;
	[tilespmem:$0x18200] =	vst v63  }
0x104: {  	_ = 	snop  }
0x105: {  	[tilespmem:s10], [sflag:$0x1] =	stream.indirect_vreg.gather [hbm4b:s5+s2], $0x80, v3, vm0, $0xb8;
	[tilespmem:$0x18200] =	vst v63  }
0x106: {  	s12 =	simm.s32 $0xBA00  }
0x107: {  	[tilespmem:s12], [sflag:$0x1] =	stream.indirect_vreg.gather [hbm4b:s6+s2], $0x80, v3, vm0, $0xb8;
	[tilespmem:$0x18200] =	vst v63  }
0x108: {  	s15 =	rddreg [dreg:$0x4]  }
0x109: {  	[hbm4b:s15+s2] =	stream.linear.scatter [tilespmem:s1], [sflag:$0x4], $0xC000, $0x38;
	[tilespmem:$0x18200] =	vst v63  }
0x10a: {  	_ =	swait.ge [sflag:s0], $0xC000  }
0x10b: {  	[sflag:s0] =	ssyncset.done $0x0  }
0x10c: {  	[sflag:s0] =	ssyncadd.s32 $0xFFFF4000  }
0x10d: {  	_ =	swait.ge [sflag:s14], $0xC000  }
0x10e: {  	[sflag:s14] =	ssyncset.done $0x0  }
0x10f: {  	[sflag:s14] =	ssyncadd.s32 $0xFFFF4000  }
0x110: {  	v3 =	vld [tilespmem:$0x180];
	_ =	sdelay $0x4  }
0x111: {  	v60 =	vshrl.u32 v3, $0x3  }
0x112: {  	v4 =	vmul.u32 $0x30, v60  }
0x113: {  	v3 =	vand.u32 $0x7, v3  }
0x114: {  	v3 =	vor.u32 v3, v4  }
0x115: {  	v4 =	vperm.xlane v3, v0;
	_ =	sdelay $0x1  }
0x116: {  	v4 =	vadd.s32 v1, v4;
	_ =	sdelay $0x3  }
0x117: {  	v3 =	vperm.xlane v3, v2  }
0x118: {  	[tilespmem:s1], [sflag:$0x2] =	stream.indirect_vreg.gather [hbm4b:s3+s2], $0x80, v4, vm0, $0xb8;
	[tilespmem:$0x18200] =	vst v63  }
0x119: {  	s8 =	simm.s32 $0xCA00;
	v3 =	vadd.s32 v1, v3  }
0x11a: {  	[tilespmem:s8], [sflag:$0x2] =	stream.indirect_vreg.gather [hbm4b:s5+s2], $0x80, v4, vm0, $0xb8;
	[tilespmem:$0x18200] =	vst v63  }
0x11b: {  	s12 =	simm.s32 $0xD200  }
0x11c: {  	[tilespmem:s12], [sflag:$0x2] =	stream.indirect_vreg.gather [hbm4b:s6+s2], $0x80, v4, vm0, $0xb8;
	[tilespmem:$0x18200] =	vst v63  }
0x11d: {  	s15 =	simm.s32 $0xDA00  }
0x11e: {  	[tilespmem:s15], [sflag:$0x2] =	stream.indirect_vreg.gather [hbm4b:s3+s2], $0x80, v3, vm0, $0xb8;
	[tilespmem:$0x18200] =	vst v63  }
0x11f: {  	s8 =	simm.s32 $0xE200  }
0x120: {  	[tilespmem:s8], [sflag:$0x2] =	stream.indirect_vreg.gather [hbm4b:s5+s2], $0x80, v3, vm0, $0xb8;
	[tilespmem:$0x18200] =	vst v63  }
0x121: {  	s12 =	simm.s32 $0xEA00  }
0x122: {  	[tilespmem:s12], [sflag:$0x2] =	stream.indirect_vreg.gather [hbm4b:s6+s2], $0x80, v3, vm0, $0xb8;
	[tilespmem:$0x18200] =	vst v63  }
0x123: {  	v3 =	vld [tilespmem:$0x190];
	_ =	sdelay $0x4  }
0x124: {  	v61 =	vshrl.u32 v3, $0x3  }
0x125: {  	v4 =	vmul.u32 $0x30, v61  }
0x126: {  	v3 =	vand.u32 $0x7, v3  }
0x127: {  	v3 =	vor.u32 v3, v4  }
0x128: {  	v4 =	vperm.xlane v3, v0;
	_ =	sdelay $0x1  }
0x129: {  	v4 =	vadd.s32 v1, v4;
	_ =	sdelay $0x3  }
0x12a: {  	s15 =	simm.s32 $0xF200;
	v3 =	vperm.xlane v3, v2  }
0x12b: {  	[tilespmem:s15], [sflag:$0x2] =	stream.indirect_vreg.gather [hbm4b:s3+s2], $0x80, v4, vm0, $0xb8;
	[tilespmem:$0x18200] =	vst v63  }
0x12c: {  	s8 =	simm.s32 $0xFA00;
	v3 =	vadd.s32 v1, v3  }
0x12d: {  	[tilespmem:s8], [sflag:$0x2] =	stream.indirect_vreg.gather [hbm4b:s5+s2], $0x80, v4, vm0, $0xb8;
	[tilespmem:$0x18200] =	vst v63  }
0x12e: {  	s12 =	simm.s32 $0x10200  }
0x12f: {  	[tilespmem:s12], [sflag:$0x2] =	stream.indirect_vreg.gather [hbm4b:s6+s2], $0x80, v4, vm0, $0xb8;
	[tilespmem:$0x18200] =	vst v63  }
0x130: {  	s15 =	simm.s32 $0x10A00  }
0x131: {  	[tilespmem:s15], [sflag:$0x2] =	stream.indirect_vreg.gather [hbm4b:s3+s2], $0x80, v3, vm0, $0xb8;
	[tilespmem:$0x18200] =	vst v63  }
0x132: {  	s8 =	simm.s32 $0x11200  }
0x133: {  	[tilespmem:s8], [sflag:$0x2] =	stream.indirect_vreg.gather [hbm4b:s5+s2], $0x80, v3, vm0, $0xb8;
	[tilespmem:$0x18200] =	vst v63  }
0x134: {  	s12 =	simm.s32 $0x11A00  }
0x135: {  	[tilespmem:s12], [sflag:$0x2] =	stream.indirect_vreg.gather [hbm4b:s6+s2], $0x80, v3, vm0, $0xb8;
	[tilespmem:$0x18200] =	vst v63  }
0x136: {  	v3 =	vld [tilespmem:$0x1A0];
	_ =	sdelay $0x4  }
0x137: {  	v62 =	vshrl.u32 v3, $0x3  }
0x138: {  	v4 =	vmul.u32 $0x30, v62  }
0x139: {  	v3 =	vand.u32 $0x7, v3  }
0x13a: {  	v3 =	vor.u32 v3, v4  }
0x13b: {  	v4 =	vperm.xlane v3, v0;
	_ =	sdelay $0x1  }
0x13c: {  	v4 =	vadd.s32 v1, v4;
	_ =	sdelay $0x3  }
0x13d: {  	s15 =	simm.s32 $0x12200;
	v3 =	vperm.xlane v3, v2  }
0x13e: {  	[tilespmem:s15], [sflag:$0x2] =	stream.indirect_vreg.gather [hbm4b:s3+s2], $0x80, v4, vm0, $0xb8;
	[tilespmem:$0x18200] =	vst v63  }
0x13f: {  	s8 =	simm.s32 $0x12A00;
	v3 =	vadd.s32 v1, v3  }
0x140: {  	[tilespmem:s8], [sflag:$0x2] =	stream.indirect_vreg.gather [hbm4b:s5+s2], $0x80, v4, vm0, $0xb8;
	[tilespmem:$0x18200] =	vst v63  }
0x141: {  	s12 =	simm.s32 $0x13200  }
0x142: {  	[tilespmem:s12], [sflag:$0x2] =	stream.indirect_vreg.gather [hbm4b:s6+s2], $0x80, v4, vm0, $0xb8;
	[tilespmem:$0x18200] =	vst v63  }
0x143: {  	s15 =	simm.s32 $0x13A00  }
0x144: {  	[tilespmem:s15], [sflag:$0x2] =	stream.indirect_vreg.gather [hbm4b:s3+s2], $0x80, v3, vm0, $0xb8;
	[tilespmem:$0x18200] =	vst v63  }
0x145: {  	s8 =	simm.s32 $0x14200  }
0x146: {  	[tilespmem:s8], [sflag:$0x2] =	stream.indirect_vreg.gather [hbm4b:s5+s2], $0x80, v3, vm0, $0xb8;
	[tilespmem:$0x18200] =	vst v63  }
0x147: {  	s12 =	simm.s32 $0x14A00  }
0x148: {  	[tilespmem:s12], [sflag:$0x2] =	stream.indirect_vreg.gather [hbm4b:s6+s2], $0x80, v3, vm0, $0xb8;
	[tilespmem:$0x18200] =	vst v63  }
0x149: {  	v3 =	vld [tilespmem:$0x1B0];
	_ =	sdelay $0x4  }
0x14a: {  	v63 =	vshrl.u32 v3, $0x3  }
0x14b: {  	v4 =	vmul.u32 $0x30, v63  }
0x14c: {  	v3 =	vand.u32 $0x7, v3  }
0x14d: {  	v3 =	vor.u32 v3, v4  }
0x14e: {  	v4 =	vperm.xlane v3, v0;
	_ =	sdelay $0x1  }
0x14f: {  	v4 =	vadd.s32 v1, v4;
	_ =	sdelay $0x3  }
0x150: {  	s15 =	simm.s32 $0x15200;
	v3 =	vperm.xlane v3, v2  }
0x151: {  	[tilespmem:s15], [sflag:$0x2] =	stream.indirect_vreg.gather [hbm4b:s3+s2], $0x80, v4, vm0, $0xb8;
	[tilespmem:$0x18200] =	vst v63  }
0x152: {  	s8 =	simm.s32 $0x15A00;
	v3 =	vadd.s32 v1, v3  }
0x153: {  	[tilespmem:s8], [sflag:$0x2] =	stream.indirect_vreg.gather [hbm4b:s5+s2], $0x80, v4, vm0, $0xb8;
	[tilespmem:$0x18200] =	vst v63  }
0x154: {  	s12 =	simm.s32 $0x16200  }
0x155: {  	[tilespmem:s12], [sflag:$0x2] =	stream.indirect_vreg.gather [hbm4b:s6+s2], $0x80, v4, vm0, $0xb8;
	[tilespmem:$0x18200] =	vst v63  }
0x156: {  	s15 =	simm.s32 $0x16A00  }
0x157: {  	[tilespmem:s15], [sflag:$0x2] =	stream.indirect_vreg.gather [hbm4b:s3+s2], $0x80, v3, vm0, $0xb8;
	[tilespmem:$0x18200] =	vst v63  }
0x158: {  	s8 =	simm.s32 $0x17200  }
0x159: {  	[tilespmem:s8], [sflag:$0x2] =	stream.indirect_vreg.gather [hbm4b:s5+s2], $0x80, v3, vm0, $0xb8;
	[tilespmem:$0x18200] =	vst v63  }
0x15a: {  	s12 =	simm.s32 $0x17A00  }
0x15b: {  	[tilespmem:s12], [sflag:$0x2] =	stream.indirect_vreg.gather [hbm4b:s6+s2], $0x80, v3, vm0, $0xb8;
	[tilespmem:$0x18200] =	vst v63  }
0x15c: {  	s15 =	rddreg [dreg:$0x5];
	s8 =	simm.s32 $0x200  }
0x15d: {  	[hbm4b:s15+s2] =	stream.linear.scatter [tilespmem:s8], [sflag:$0x3], $0xC000, $0x38;
	[tilespmem:$0x18200] =	vst v63  }
0x15e: {  	_ =	swait.ge [sflag:s4], $0xC000  }
0x15f: {  	[sflag:s4] =	ssyncset.done $0x0  }
0x160: {  	s12 =	rddreg [dreg:$0x6];
	[sflag:s4] =	ssyncadd.s32 $0xFFFF4000  }
0x161: {  	[hbm4b:s12+s2] =	stream.linear.scatter [tilespmem:s1], [sflag:$0x4], $0xC000, $0x38;
	[tilespmem:$0x18200] =	vst v63  }
0x162: {  	p0 =	sne.s32 s7, $0x1;
	_ =	swait.ge [sflag:s13], $0xC000  }
.Ltmp0:
0x163: {  	[sflag:s13] =	ssyncset.done $0x0;
	(pc) =	sbr.rel @p0 .LBB2_1-.Ltmp0, $4  }
0x164: {  	[sflag:s13] =	ssyncadd.s32 $0xFFFF4000  }
0x165: {  	_ =	swait.ge [sflag:s14], $0xC000  }
0x166: {  	[sflag:s14] =	ssyncset.done $0x0  }
0x167: {  	s7 =	sadd.s32 $0xFFFFFFFF, s7;
	[sflag:s14] =	ssyncadd.s32 $0xFFFF4000  }
0x168: {  	_ =	sfence.sel $0x180000  }
0x169: {  	[bflag:$0x0] =	sbarrier.arrive $0xFFFF  }
0x16a: {  	_ =	strace $0x9000004A  }
0x16b: {  	s0 =	stileid.u32;
	[bflag:$0x2] =	sbarrier.arrive $0xFFFF  }
0x16c: {  	p0 =	sne.s32 s0, $0x0;
	s0 =	rddreg [dreg:$0x2]  }
0x16d: {  	s0 =	sadd.s32 @!p0 $0x100000, s0  }
0x16e: {  	[sflag:s0] =	ssyncadd.tile.s32 @!p0 $0x1;
	_ =	shalt  }
.Lfunc_end2:
_tile_overlayer_lowered:
.L_overlay_start_2:
0x16f: {  	(tag) =	ssettag $0x2  }
0x170: {  	s0 =	rddreg [dreg:$0x0];
	s2 =	stileid.u32  }
0x171: {  	s1 =	rddreg [dreg:$0x1];
	p0 =	sne.s32 s2, $0x0  }
0x172: {  	s3 =	rddreg [dreg:$0x2];
	[bflag:$0x3] =	sbarrier.arrive $0xFFFF;
	s2 =	simm.s32 @!p0 $0x1C05  }
0x173: {  	[timem:s3], [sflag:s2] =	dma.local @!p0 [hbm:s0], s1  }
0x174: {  	s0 =	simm.s32 @!p0 $0x5  }
0x175: {  	_ =	swait.ge @!p0 [sflag:s0], s1  }
0x176: {  	s1 =	ssub.s32 @!p0 $0x0, s1;
	[sflag:s0] =	ssyncset.done @!p0 $0x0  }
0x177: {  	[sflag:s0] =	ssyncadd.s32 @!p0 s1  }
0x178: {  	[bflag:$0x3] =	sbarrier.arrive $0xFFFF  }
0x179: {  	_ =	shalt  }

</sc_bundles>
